<compile_context>
chip_gen: v7x
topology: tpu7x:2x2x1
jax: 0.10.2.dev20260603
libtpu: 0.0.44.dev20260713+nightly
codegen_flags: <defaults>
</compile_context>

<pallas_src>
import functools

import jax
import jax.numpy as jnp
from jax import lax
from jax.experimental import pallas as pl
from jax.experimental.pallas import tpu as pltpu
from jax.experimental.pallas import tpu_sc as plsc

_B, _C, _H, _W = 64, 3, 512, 512
_BINS = 64
_NC, _NS, _L = 2, 16, 16
_NW = _NC * _NS
_PLANE = _H * _W
_NPLANES = _B * _C
_PER_W = _NPLANES // _NW * _PLANE
_CHUNK = 32768
_NCHUNK = _PER_W // _CHUNK
_CH_PER_PLANE = _PLANE // _CHUNK
_NSEG = 2 * _C
_HISTW = _NSEG * _BINS
_SEGW = _L * _BINS
_VEC_PER_CHUNK = _CHUNK // _L

_ROWS = _CHUNK // _W
_ROWS_PER_W = _PER_W // _W

_mesh = plsc.VectorSubcoreMesh(core_axis_name="c", subcore_axis_name="s")


@functools.partial(
    pl.kernel,
    out_type=jax.ShapeDtypeStruct((_NW, _NSEG * _SEGW), jnp.float32),
    mesh=_mesh,
    scratch_types=[
        pltpu.VMEM((_ROWS, _W), jnp.float32),
        pltpu.VMEM((_ROWS, _W), jnp.float32),
        pltpu.VMEM((_NSEG * _SEGW,), jnp.float32),
        pltpu.SemaphoreType.DMA,
        pltpu.SemaphoreType.DMA,
    ],
    compiler_params=pltpu.CompilerParams(needs_layout_passes=False),
)
def _sc_hist(pred_hbm, tgt_hbm, out_hbm, buf0, buf1, hist, sem0, sem1):
    wid = lax.axis_index("s") * _NC + lax.axis_index("c")
    lanes = lax.iota(jnp.int32, _L)
    ones = jnp.ones((_L,), jnp.float32)

    def zero_body(i, _):
        hist[pl.ds(i * _L, _L)] = jnp.zeros((_L,), jnp.float32)
        return 0

    lax.fori_loop(0, _NSEG * _SEGW // _L, zero_body, 0)

    def consume(buf, seg):
        seg_ref = hist.at[pl.ds(seg * _SEGW, _SEGW)]

        @plsc.parallel_loop(0, _VEC_PER_CHUNK, unroll=32)
        def _(i):
            x = buf[i // (_W // _L), pl.ds(lax.rem(i, _W // _L) * _L, _L)]
            it = (x * jnp.float32(_BINS)).astype(jnp.int32)
            itu = jnp.minimum(plsc.bitcast(it, jnp.uint32), jnp.uint32(_BINS - 1))
            idx = (plsc.bitcast(itu, jnp.int32) << 4) | lanes
            plsc.addupdate_scatter(seg_ref, [idx], ones)

    for arr, src in ((0, pred_hbm), (1, tgt_hbm)):
        base = wid * _ROWS_PER_W

        def seg_of(ch):
            return arr * _C + lax.rem(ch // _CH_PER_PLANE, _C)

        def start(ch, buf, sem):
            pltpu.async_copy(src.at[pl.ds(base + ch * _ROWS, _ROWS)], buf, sem)

        def wait(ch, buf, sem):
            pltpu.make_async_copy(
                src.at[pl.ds(base + ch * _ROWS, _ROWS)], buf, sem
            ).wait()

        start(0, buf0, sem0)

        def pair_body(g, _):
            ch0 = 2 * g
            start(ch0 + 1, buf1, sem1)
            wait(ch0, buf0, sem0)
            consume(buf0, seg_of(ch0))

            @pl.when(ch0 + 2 < _NCHUNK)
            def _():
                start(ch0 + 2, buf0, sem0)

            wait(ch0 + 1, buf1, sem1)
            consume(buf1, seg_of(ch0 + 1))
            return 0

        lax.fori_loop(0, _NCHUNK // 2, pair_body, 0)

    pltpu.sync_copy(hist, out_hbm.at[wid])


def _finish_body(parts_ref, out_ref):
    p = parts_ref[...]
    hists = jnp.sum(p, axis=(0, 3))
    loss = jnp.float32(0.0)
    for c in range(_C):
        ph = hists[c]
        th = hists[_C + c]
        ph = ph / (jnp.sum(ph) + jnp.float32(1e-8))
        th = th / (jnp.sum(th) + jnp.float32(1e-8))
        loss = loss + jnp.mean(jnp.abs(ph - th))
    out_ref[...] = (loss / _C).reshape(1, 1)


_finish = pl.pallas_call(
    _finish_body,
    out_shape=jax.ShapeDtypeStruct((1, 1), jnp.float32),
)


def kernel(pred, target):
    parts = _sc_hist(
        pred.reshape(_B * _C * _H, _W), target.reshape(_B * _C * _H, _W)
    )
    loss = _finish(parts.reshape(_NW, _NSEG, _BINS, _L))
    return loss[0, 0]

# --- scband reference (transcript-rebuilt; emitter-appended) ---
"""Pipeline reference for scband-histogram-loss-1537598292024 (READ-ONLY COPY).

The authoritative reference and input builder live on the scoring server;
editing this copy changes nothing except your own understanding.
"""

import jax, jax.numpy as jnp
import numpy as np

BINS = 64
B, C, H, W = 64, 3, 512, 512


def _histc(x, bins):
    # Faithful torch.histc(x, bins, min=0, max=1):
    #  - values outside [0, 1] are ignored
    #  - equal-width bins; value == max falls into the last bin
    x = x.ravel()
    valid = (x >= 0.0) & (x <= 1.0)
    idx = jnp.clip(jnp.floor(x * bins).astype(jnp.int32), 0, bins - 1)
    contrib = jnp.where(valid, jnp.float32(1.0), jnp.float32(0.0))
    return jnp.zeros((bins,), dtype=jnp.float32).at[idx].add(contrib)


def setup_inputs(seed: int = 0) -> dict:
    key = jax.random.key(seed)
    k1, k2 = jax.random.split(key)
    pred = jax.random.uniform(k1, (B, C, H, W), dtype=jnp.float32)
    target = jax.random.uniform(k2, (B, C, H, W), dtype=jnp.float32)
    return {"pred": pred, "target": target}


def reference(pred, target):
    loss = jnp.float32(0.0)
    for c in range(3):
        pred_hist = _histc(pred[:, c], BINS)
        target_hist = _histc(target[:, c], BINS)
        pred_hist = pred_hist / (pred_hist.sum() + 1e-08)
        target_hist = target_hist / (target_hist.sum() + 1e-08)
        loss = loss + jnp.mean(jnp.abs(pred_hist - target_hist))
    return loss / 3

if __name__ == "__main__":
    import jax
    _d = setup_inputs()
    print(jax.jit(kernel)(*tuple(_d.values())))

</pallas_src>

<mosaic_0001>
#map = affine_map<(d0, d1) -> (0, 0)>
module attributes {stable_mosaic.version = 14 : i64} {
  func.func @_sc_hist(%arg0: i32, %arg1: i32, %arg2: memref<98304x512xf32, #tpu.memory_space<hbm>>, %arg3: memref<98304x512xf32, #tpu.memory_space<hbm>>, %arg4: memref<32x6144xf32, #tpu.memory_space<hbm>>, %arg5: memref<64x512xf32, #tpu.memory_space<vmem>>, %arg6: memref<64x512xf32, #tpu.memory_space<vmem>>, %arg7: memref<6144xf32, #tpu.memory_space<vmem>>, %arg8: memref<!tpu.dma_semaphore, #tpu.memory_space<semaphore_mem>>, %arg9: memref<!tpu.dma_semaphore, #tpu.memory_space<semaphore_mem>>) attributes {dimension_semantics = [#tpu.dimension_semantics<core_parallel>, #tpu.dimension_semantics<subcore_parallel>], iteration_bounds = array<i64: 2, 16>, scalar_prefetch = 0 : i64, scratch_operands = 5 : i64, tpu.core_type = #tpu.core_type<sc_vector_subcore>, window_params = [{transform_indices = #map}, {transform_indices = #map}, {transform_indices = #map}]} {
    %mul3A = arith.constant 2 : i32
    %mul3A_0 = arith.muli %arg1, %mul3A : i32
    %add3A = arith.addi %mul3A_0, %arg0 : i32
    %iota3A = tpu.iota {dimensions = array<i32: 0>} : vector<16xi32>
    %broadcast_in_dim3A = arith.constant 1.000000e+00 : f32
    %broadcast_in_dim3A_1 = vector.broadcast %broadcast_in_dim3A : f32 to vector<16xf32>
    %scan3A = arith.constant 0 : i32
    %scan3A_2 = arith.constant 0 : i32
    %scan3A_3 = arith.constant 384 : i32
    %scan3A_4 = arith.addi %scan3A_2, %scan3A_3 : i32
    %scan3A_5 = arith.constant 1 : i32
    %scan3A_6 = scf.for %scan3A_37 = %scan3A_2 to %scan3A_4 step %scan3A_5 iter_args(%scan3A_38 = %scan3A) -> (i32)  : i32 {
      %broadcast_in_dim3A_39 = arith.constant 0.000000e+00 : f32
      %broadcast_in_dim3A_40 = vector.broadcast %broadcast_in_dim3A_39 : f32 to vector<16xf32>
      %mul3A_41 = arith.constant 16 : i32
      %mul3A_42 = arith.muli %scan3A_37, %mul3A_41 : i32
      %swap3A = arith.index_cast %mul3A_42 : i32 to index
      %swap3A_43 = tpu.vector_load %arg7[%swap3A] {strides = array<i32>} : memref<6144xf32, #tpu.memory_space<vmem>>, vector<16xf32>,
      tpu.vector_store %arg7[%swap3A], %broadcast_in_dim3A_40 {strides = array<i32>} : memref<6144xf32, #tpu.memory_space<vmem>>, vector<16xf32>,
      %scan3A_44 = arith.constant 0 : i32
      scf.yield %scan3A_44 : i32
    }
    %scan3A_7 = arith.constant 384 : i32
    %mul3A_8 = arith.constant 3072 : i32
    %mul3A_9 = arith.muli %add3A, %mul3A_8 : i32
    %add3A_10 = arith.constant 0 : i32
    %add3A_11 = arith.addi %mul3A_9, %add3A_10 : i32
    %dma_start3A = arith.constant 0 : i32
    %dma_start3A_12 = tpu.memref_slice %arg2[%add3A_11, %dma_start3A] : memref<98304x512xf32, #tpu.memory_space<hbm>> -> memref<64x512xf32, #tpu.memory_space<hbm>>
    %dma_start3A_13 = arith.constant 0 : i32
    %dma_start3A_14 = tpu.memref_slice %arg2[%add3A_11, %dma_start3A_13] : memref<98304x512xf32, #tpu.memory_space<hbm>> -> memref<64x512xf32, #tpu.memory_space<hbm>>
    tpu.enqueue_dma source(%dma_start3A_14 : memref<64x512xf32, #tpu.memory_space<hbm>>) target(%arg5 : memref<64x512xf32, #tpu.memory_space<vmem>>) target_semaphore(%arg8 : memref<!tpu.dma_semaphore, #tpu.memory_space<semaphore_mem>>)
    %scan3A_15 = arith.constant 0 : i32
    %scan3A_16 = arith.constant 0 : i32
    %scan3A_17 = arith.constant 24 : i32
    %scan3A_18 = arith.addi %scan3A_16, %scan3A_17 : i32
    %scan3A_19 = arith.constant 1 : i32
    %scan3A_20 = scf.for %scan3A_37 = %scan3A_16 to %scan3A_18 step %scan3A_19 iter_args(%scan3A_38 = %scan3A_15) -> (i32)  : i32 {
      %mul3A_39 = arith.constant 2 : i32
      %mul3A_40 = arith.muli %mul3A_39, %scan3A_37 : i32
      %add3A_41 = arith.constant 1 : i32
      %add3A_42 = arith.addi %mul3A_40, %add3A_41 : i32
      %mul3A_43 = arith.constant 64 : i32
      %mul3A_44 = arith.muli %add3A_42, %mul3A_43 : i32
      %add3A_45 = arith.addi %mul3A_9, %mul3A_44 : i32
      %dma_start3A_46 = arith.constant 0 : i32
      %dma_start3A_47 = tpu.memref_slice %arg2[%add3A_45, %dma_start3A_46] : memref<98304x512xf32, #tpu.memory_space<hbm>> -> memref<64x512xf32, #tpu.memory_space<hbm>>
      %dma_start3A_48 = arith.constant 0 : i32
      %dma_start3A_49 = tpu.memref_slice %arg2[%add3A_45, %dma_start3A_48] : memref<98304x512xf32, #tpu.memory_space<hbm>> -> memref<64x512xf32, #tpu.memory_space<hbm>>
      tpu.enqueue_dma source(%dma_start3A_49 : memref<64x512xf32, #tpu.memory_space<hbm>>) target(%arg6 : memref<64x512xf32, #tpu.memory_space<vmem>>) target_semaphore(%arg9 : memref<!tpu.dma_semaphore, #tpu.memory_space<semaphore_mem>>)
      %mul3A_50 = arith.constant 64 : i32
      %mul3A_51 = arith.muli %mul3A_40, %mul3A_50 : i32
      %add3A_52 = arith.addi %mul3A_9, %mul3A_51 : i32
      %dma_wait3A = arith.constant 0 : i32
      %dma_wait3A_53 = tpu.memref_slice %arg2[%add3A_52, %dma_wait3A] : memref<98304x512xf32, #tpu.memory_space<hbm>> -> memref<64x512xf32, #tpu.memory_space<hbm>>
      %dma_wait3A_54 = arith.constant 0 : i32
      %dma_wait3A_55 = tpu.memref_slice %arg2[%add3A_52, %dma_wait3A_54] : memref<98304x512xf32, #tpu.memory_space<hbm>> -> memref<64x512xf32, #tpu.memory_space<hbm>>
      tpu.wait_dma2 semaphore(%arg8 : memref<!tpu.dma_semaphore, #tpu.memory_space<semaphore_mem>>) src(%dma_wait3A_55 : memref<64x512xf32, #tpu.memory_space<hbm>>) dst(%arg5 : memref<64x512xf32, #tpu.memory_space<vmem>>)
      %jit3A = arith.constant 8 : i32
      %div3A = arith.divsi %mul3A_40, %jit3A : i32
      %sign3A = arith.constant 0 : i32
      %sign3A_56 = arith.cmpi sgt, %mul3A_40, %sign3A : i32
      %sign3A_57 = arith.extui %sign3A_56 : i1 to i32
      %sign3A_58 = arith.constant 0 : i32
      %sign3A_59 = arith.cmpi slt, %mul3A_40, %sign3A_58 : i32
      %sign3A_60 = arith.extui %sign3A_59 : i1 to i32
      %sign3A_61 = arith.subi %sign3A_57, %sign3A_60 : i32
      %sign3A_62 = arith.constant 0 : i32
      %sign3A_63 = arith.cmpi sgt, %jit3A, %sign3A_62 : i32
      %sign3A_64 = arith.extui %sign3A_63 : i1 to i32
      %sign3A_65 = arith.constant 0 : i32
      %sign3A_66 = arith.cmpi slt, %jit3A, %sign3A_65 : i32
      %sign3A_67 = arith.extui %sign3A_66 : i1 to i32
      %sign3A_68 = arith.subi %sign3A_64, %sign3A_67 : i32
      %ne3A = arith.cmpi ne, %sign3A_61, %sign3A_68 : i32
      %rem3A = arith.remsi %mul3A_40, %jit3A : i32
      %ne3A_69 = arith.constant 0 : i32
      %ne3A_70 = arith.cmpi ne, %rem3A, %ne3A_69 : i32
      %and3A = arith.andi %ne3A, %ne3A_70 : i1
      %sub3A = arith.constant 1 : i32
      %sub3A_71 = arith.subi %div3A, %sub3A : i32
      %select_n3A = arith.select %and3A, %sub3A_71, %div3A : i32
      %rem3A_72 = arith.constant 3 : i32
      %rem3A_73 = arith.remsi %select_n3A, %rem3A_72 : i32
      %add3A_74 = arith.constant 0 : i32
      %add3A_75 = arith.addi %add3A_74, %rem3A_73 : i32
      %mul3A_76 = arith.constant 1024 : i32
      %mul3A_77 = arith.muli %add3A_75, %mul3A_76 : i32
      %parallel_loop3A = arith.constant 0 : i32
      %parallel_loop3A_78 = arith.constant 2048 : i32
      %parallel_loop3A_79 = arith.constant 1 : i32
      scf.for %parallel_loop3A_129 = %parallel_loop3A to %parallel_loop3A_78 step %parallel_loop3A_79  : i32 {
        %parallel_loop3A_130 = arith.constant 32 : i32
        %parallel_loop3A_131 = arith.divsi %parallel_loop3A_129, %parallel_loop3A_130 : i32
        %parallel_loop3A_132 = arith.constant 0 : i32
        %parallel_loop3A_133 = arith.cmpi sgt, %parallel_loop3A_129, %parallel_loop3A_132 : i32
        %parallel_loop3A_134 = arith.extui %parallel_loop3A_133 : i1 to i32
        %parallel_loop3A_135 = arith.constant 0 : i32
        %parallel_loop3A_136 = arith.cmpi slt, %parallel_loop3A_129, %parallel_loop3A_135 : i32
        %parallel_loop3A_137 = arith.extui %parallel_loop3A_136 : i1 to i32
        %parallel_loop3A_138 = arith.subi %parallel_loop3A_134, %parallel_loop3A_137 : i32
        %parallel_loop3A_139 = arith.constant 0 : i32
        %parallel_loop3A_140 = arith.cmpi sgt, %parallel_loop3A_130, %parallel_loop3A_139 : i32
        %parallel_loop3A_141 = arith.extui %parallel_loop3A_140 : i1 to i32
        %parallel_loop3A_142 = arith.constant 0 : i32
        %parallel_loop3A_143 = arith.cmpi slt, %parallel_loop3A_130, %parallel_loop3A_142 : i32
        %parallel_loop3A_144 = arith.extui %parallel_loop3A_143 : i1 to i32
        %parallel_loop3A_145 = arith.subi %parallel_loop3A_141, %parallel_loop3A_144 : i32
        %parallel_loop3A_146 = arith.cmpi ne, %parallel_loop3A_138, %parallel_loop3A_145 : i32
        %parallel_loop3A_147 = arith.remsi %parallel_loop3A_129, %parallel_loop3A_130 : i32
        %parallel_loop3A_148 = arith.constant 0 : i32
        %parallel_loop3A_149 = arith.cmpi ne, %parallel_loop3A_147, %parallel_loop3A_148 : i32
        %parallel_loop3A_150 = arith.andi %parallel_loop3A_146, %parallel_loop3A_149 : i1
        %parallel_loop3A_151 = arith.constant 1 : i32
        %parallel_loop3A_152 = arith.subi %parallel_loop3A_131, %parallel_loop3A_151 : i32
        %parallel_loop3A_153 = arith.select %parallel_loop3A_150, %parallel_loop3A_152, %parallel_loop3A_131 : i32
        %parallel_loop3A_154 = arith.constant 32 : i32
        %parallel_loop3A_155 = arith.remsi %parallel_loop3A_129, %parallel_loop3A_154 : i32
        %parallel_loop3A_156 = arith.constant 16 : i32
        %parallel_loop3A_157 = arith.muli %parallel_loop3A_155, %parallel_loop3A_156 : i32
        %parallel_loop3A_158 = arith.index_cast %parallel_loop3A_153 : i32 to index
        %parallel_loop3A_159 = arith.index_cast %parallel_loop3A_157 : i32 to index
        %parallel_loop3A_160 = tpu.vector_load %arg5[%parallel_loop3A_158, %parallel_loop3A_159] {strides = array<i32>} : memref<64x512xf32, #tpu.memory_space<vmem>>, vector<16xf32>,
        %parallel_loop3A_161 = arith.constant 6.400000e+01 : f32
        %parallel_loop3A_162 = vector.broadcast %parallel_loop3A_161 : f32 to vector<16xf32>
        %parallel_loop3A_163 = arith.mulf %parallel_loop3A_160, %parallel_loop3A_162 : vector<16xf32>
        %parallel_loop3A_164 = arith.fptosi %parallel_loop3A_163 : vector<16xf32> to vector<16xi32>
        %parallel_loop3A_165 = vector.bitcast %parallel_loop3A_164 : vector<16xi32> to vector<16xi32>
        %parallel_loop3A_166 = arith.constant 63 : i32
        %parallel_loop3A_167 = vector.broadcast %parallel_loop3A_166 : i32 to vector<16xi32>
        %parallel_loop3A_168 = arith.minui %parallel_loop3A_165, %parallel_loop3A_167 : vector<16xi32>
        %parallel_loop3A_169 = vector.bitcast %parallel_loop3A_168 : vector<16xi32> to vector<16xi32>
        %parallel_loop3A_170 = arith.constant 4 : i32
        %parallel_loop3A_171 = vector.broadcast %parallel_loop3A_170 : i32 to vector<16xi32>
        %parallel_loop3A_172 = arith.shli %parallel_loop3A_169, %parallel_loop3A_171 : vector<16xi32>
        %parallel_loop3A_173 = arith.ori %parallel_loop3A_172, %iota3A : vector<16xi32>
        %parallel_loop3A_174 = tpu.memref_slice %arg7[%mul3A_77] : memref<6144xf32, #tpu.memory_space<vmem>> -> memref<1024xf32, #tpu.memory_space<vmem>>
        tpu.vector_store_idx %parallel_loop3A_174[%parallel_loop3A_173], %broadcast_in_dim3A_1 {add = true} : memref<1024xf32, #tpu.memory_space<vmem>>[vector<16xi32>], vector<16xf32>,
      } {sc.loop_unroll_factor = 32 : i64, sc.parallel_access}
      %add3A_80 = arith.constant 2 : i32
      %add3A_81 = arith.addi %mul3A_40, %add3A_80 : i32
      %lt3A = arith.constant 48 : i32
      %lt3A_82 = arith.cmpi slt, %add3A_81, %lt3A : i32
      %convert_element_type3A = arith.extui %lt3A_82 : i1 to i32
      %cond3A = arith.constant 0 : i32
      %cond3A_83 = arith.cmpi ne, %convert_element_type3A, %cond3A : i32
      scf.if %cond3A_83 {
        %add3A_129 = arith.constant 2 : i32
        %add3A_130 = arith.addi %mul3A_40, %add3A_129 : i32
        %mul3A_131 = arith.constant 64 : i32
        %mul3A_132 = arith.muli %add3A_130, %mul3A_131 : i32
        %add3A_133 = arith.addi %mul3A_9, %mul3A_132 : i32
        %dma_start3A_134 = arith.constant 0 : i32
        %dma_start3A_135 = tpu.memref_slice %arg2[%add3A_133, %dma_start3A_134] : memref<98304x512xf32, #tpu.memory_space<hbm>> -> memref<64x512xf32, #tpu.memory_space<hbm>>
        %dma_start3A_136 = arith.constant 0 : i32
        %dma_start3A_137 = tpu.memref_slice %arg2[%add3A_133, %dma_start3A_136] : memref<98304x512xf32, #tpu.memory_space<hbm>> -> memref<64x512xf32, #tpu.memory_space<hbm>>
        tpu.enqueue_dma source(%dma_start3A_137 : memref<64x512xf32, #tpu.memory_space<hbm>>) target(%arg5 : memref<64x512xf32, #tpu.memory_space<vmem>>) target_semaphore(%arg8 : memref<!tpu.dma_semaphore, #tpu.memory_space<semaphore_mem>>)
      } else {
      }
      %add3A_84 = arith.constant 1 : i32
      %add3A_85 = arith.addi %mul3A_40, %add3A_84 : i32
      %mul3A_86 = arith.constant 64 : i32
      %mul3A_87 = arith.muli %add3A_85, %mul3A_86 : i32
      %add3A_88 = arith.addi %mul3A_9, %mul3A_87 : i32
      %dma_wait3A_89 = arith.constant 0 : i32
      %dma_wait3A_90 = tpu.memref_slice %arg2[%add3A_88, %dma_wait3A_89] : memref<98304x512xf32, #tpu.memory_space<hbm>> -> memref<64x512xf32, #tpu.memory_space<hbm>>
      %dma_wait3A_91 = arith.constant 0 : i32
      %dma_wait3A_92 = tpu.memref_slice %arg2[%add3A_88, %dma_wait3A_91] : memref<98304x512xf32, #tpu.memory_space<hbm>> -> memref<64x512xf32, #tpu.memory_space<hbm>>
      tpu.wait_dma2 semaphore(%arg9 : memref<!tpu.dma_semaphore, #tpu.memory_space<semaphore_mem>>) src(%dma_wait3A_92 : memref<64x512xf32, #tpu.memory_space<hbm>>) dst(%arg6 : memref<64x512xf32, #tpu.memory_space<vmem>>)
      %add3A_93 = arith.constant 1 : i32
      %add3A_94 = arith.addi %mul3A_40, %add3A_93 : i32
      %jit3A_95 = arith.constant 8 : i32
      %div3A_96 = arith.divsi %add3A_94, %jit3A_95 : i32
      %sign3A_97 = arith.constant 0 : i32
      %sign3A_98 = arith.cmpi sgt, %add3A_94, %sign3A_97 : i32
      %sign3A_99 = arith.extui %sign3A_98 : i1 to i32
      %sign3A_100 = arith.constant 0 : i32
      %sign3A_101 = arith.cmpi slt, %add3A_94, %sign3A_100 : i32
      %sign3A_102 = arith.extui %sign3A_101 : i1 to i32
      %sign3A_103 = arith.subi %sign3A_99, %sign3A_102 : i32
      %sign3A_104 = arith.constant 0 : i32
      %sign3A_105 = arith.cmpi sgt, %jit3A_95, %sign3A_104 : i32
      %sign3A_106 = arith.extui %sign3A_105 : i1 to i32
      %sign3A_107 = arith.constant 0 : i32
      %sign3A_108 = arith.cmpi slt, %jit3A_95, %sign3A_107 : i32
      %sign3A_109 = arith.extui %sign3A_108 : i1 to i32
      %sign3A_110 = arith.subi %sign3A_106, %sign3A_109 : i32
      %ne3A_111 = arith.cmpi ne, %sign3A_103, %sign3A_110 : i32
      %rem3A_112 = arith.remsi %add3A_94, %jit3A_95 : i32
      %ne3A_113 = arith.constant 0 : i32
      %ne3A_114 = arith.cmpi ne, %rem3A_112, %ne3A_113 : i32
      %and3A_115 = arith.andi %ne3A_111, %ne3A_114 : i1
      %sub3A_116 = arith.constant 1 : i32
      %sub3A_117 = arith.subi %div3A_96, %sub3A_116 : i32
      %select_n3A_118 = arith.select %and3A_115, %sub3A_117, %div3A_96 : i32
      %rem3A_119 = arith.constant 3 : i32
      %rem3A_120 = arith.remsi %select_n3A_118, %rem3A_119 : i32
      %add3A_121 = arith.constant 0 : i32
      %add3A_122 = arith.addi %add3A_121, %rem3A_120 : i32
      %mul3A_123 = arith.constant 1024 : i32
      %mul3A_124 = arith.muli %add3A_122, %mul3A_123 : i32
      %parallel_loop3A_125 = arith.constant 0 : i32
      %parallel_loop3A_126 = arith.constant 2048 : i32
      %parallel_loop3A_127 = arith.constant 1 : i32
      scf.for %parallel_loop3A_129 = %parallel_loop3A_125 to %parallel_loop3A_126 step %parallel_loop3A_127  : i32 {
        %parallel_loop3A_130 = arith.constant 32 : i32
        %parallel_loop3A_131 = arith.divsi %parallel_loop3A_129, %parallel_loop3A_130 : i32
        %parallel_loop3A_132 = arith.constant 0 : i32
        %parallel_loop3A_133 = arith.cmpi sgt, %parallel_loop3A_129, %parallel_loop3A_132 : i32
        %parallel_loop3A_134 = arith.extui %parallel_loop3A_133 : i1 to i32
        %parallel_loop3A_135 = arith.constant 0 : i32
        %parallel_loop3A_136 = arith.cmpi slt, %parallel_loop3A_129, %parallel_loop3A_135 : i32
        %parallel_loop3A_137 = arith.extui %parallel_loop3A_136 : i1 to i32
        %parallel_loop3A_138 = arith.subi %parallel_loop3A_134, %parallel_loop3A_137 : i32
        %parallel_loop3A_139 = arith.constant 0 : i32
        %parallel_loop3A_140 = arith.cmpi sgt, %parallel_loop3A_130, %parallel_loop3A_139 : i32
        %parallel_loop3A_141 = arith.extui %parallel_loop3A_140 : i1 to i32
        %parallel_loop3A_142 = arith.constant 0 : i32
        %parallel_loop3A_143 = arith.cmpi slt, %parallel_loop3A_130, %parallel_loop3A_142 : i32
        %parallel_loop3A_144 = arith.extui %parallel_loop3A_143 : i1 to i32
        %parallel_loop3A_145 = arith.subi %parallel_loop3A_141, %parallel_loop3A_144 : i32
        %parallel_loop3A_146 = arith.cmpi ne, %parallel_loop3A_138, %parallel_loop3A_145 : i32
        %parallel_loop3A_147 = arith.remsi %parallel_loop3A_129, %parallel_loop3A_130 : i32
        %parallel_loop3A_148 = arith.constant 0 : i32
        %parallel_loop3A_149 = arith.cmpi ne, %parallel_loop3A_147, %parallel_loop3A_148 : i32
        %parallel_loop3A_150 = arith.andi %parallel_loop3A_146, %parallel_loop3A_149 : i1
        %parallel_loop3A_151 = arith.constant 1 : i32
        %parallel_loop3A_152 = arith.subi %parallel_loop3A_131, %parallel_loop3A_151 : i32
        %parallel_loop3A_153 = arith.select %parallel_loop3A_150, %parallel_loop3A_152, %parallel_loop3A_131 : i32
        %parallel_loop3A_154 = arith.constant 32 : i32
        %parallel_loop3A_155 = arith.remsi %parallel_loop3A_129, %parallel_loop3A_154 : i32
        %parallel_loop3A_156 = arith.constant 16 : i32
        %parallel_loop3A_157 = arith.muli %parallel_loop3A_155, %parallel_loop3A_156 : i32
        %parallel_loop3A_158 = arith.index_cast %parallel_loop3A_153 : i32 to index
        %parallel_loop3A_159 = arith.index_cast %parallel_loop3A_157 : i32 to index
        %parallel_loop3A_160 = tpu.vector_load %arg6[%parallel_loop3A_158, %parallel_loop3A_159] {strides = array<i32>} : memref<64x512xf32, #tpu.memory_space<vmem>>, vector<16xf32>,
        %parallel_loop3A_161 = arith.constant 6.400000e+01 : f32
        %parallel_loop3A_162 = vector.broadcast %parallel_loop3A_161 : f32 to vector<16xf32>
        %parallel_loop3A_163 = arith.mulf %parallel_loop3A_160, %parallel_loop3A_162 : vector<16xf32>
        %parallel_loop3A_164 = arith.fptosi %parallel_loop3A_163 : vector<16xf32> to vector<16xi32>
        %parallel_loop3A_165 = vector.bitcast %parallel_loop3A_164 : vector<16xi32> to vector<16xi32>
        %parallel_loop3A_166 = arith.constant 63 : i32
        %parallel_loop3A_167 = vector.broadcast %parallel_loop3A_166 : i32 to vector<16xi32>
        %parallel_loop3A_168 = arith.minui %parallel_loop3A_165, %parallel_loop3A_167 : vector<16xi32>
        %parallel_loop3A_169 = vector.bitcast %parallel_loop3A_168 : vector<16xi32> to vector<16xi32>
        %parallel_loop3A_170 = arith.constant 4 : i32
        %parallel_loop3A_171 = vector.broadcast %parallel_loop3A_170 : i32 to vector<16xi32>
        %parallel_loop3A_172 = arith.shli %parallel_loop3A_169, %parallel_loop3A_171 : vector<16xi32>
        %parallel_loop3A_173 = arith.ori %parallel_loop3A_172, %iota3A : vector<16xi32>
        %parallel_loop3A_174 = tpu.memref_slice %arg7[%mul3A_124] : memref<6144xf32, #tpu.memory_space<vmem>> -> memref<1024xf32, #tpu.memory_space<vmem>>
        tpu.vector_store_idx %parallel_loop3A_174[%parallel_loop3A_173], %broadcast_in_dim3A_1 {add = true} : memref<1024xf32, #tpu.memory_space<vmem>>[vector<16xi32>], vector<16xf32>,
      } {sc.loop_unroll_factor = 32 : i64, sc.parallel_access}
      %scan3A_128 = arith.constant 0 : i32
      scf.yield %scan3A_128 : i32
    }
    %scan3A_21 = arith.constant 24 : i32
    %mul3A_22 = arith.constant 3072 : i32
    %mul3A_23 = arith.muli %add3A, %mul3A_22 : i32
    %add3A_24 = arith.constant 0 : i32
    %add3A_25 = arith.addi %mul3A_23, %add3A_24 : i32
    %dma_start3A_26 = arith.constant 0 : i32
    %dma_start3A_27 = tpu.memref_slice %arg3[%add3A_25, %dma_start3A_26] : memref<98304x512xf32, #tpu.memory_space<hbm>> -> memref<64x512xf32, #tpu.memory_space<hbm>>
    %dma_start3A_28 = arith.constant 0 : i32
    %dma_start3A_29 = tpu.memref_slice %arg3[%add3A_25, %dma_start3A_28] : memref<98304x512xf32, #tpu.memory_space<hbm>> -> memref<64x512xf32, #tpu.memory_space<hbm>>
    tpu.enqueue_dma source(%dma_start3A_29 : memref<64x512xf32, #tpu.memory_space<hbm>>) target(%arg5 : memref<64x512xf32, #tpu.memory_space<vmem>>) target_semaphore(%arg8 : memref<!tpu.dma_semaphore, #tpu.memory_space<semaphore_mem>>)
    %scan3A_30 = arith.constant 0 : i32
    %scan3A_31 = arith.constant 0 : i32
    %scan3A_32 = arith.constant 24 : i32
    %scan3A_33 = arith.addi %scan3A_31, %scan3A_32 : i32
    %scan3A_34 = arith.constant 1 : i32
    %scan3A_35 = scf.for %scan3A_37 = %scan3A_31 to %scan3A_33 step %scan3A_34 iter_args(%scan3A_38 = %scan3A_30) -> (i32)  : i32 {
      %mul3A_39 = arith.constant 2 : i32
      %mul3A_40 = arith.muli %mul3A_39, %scan3A_37 : i32
      %add3A_41 = arith.constant 1 : i32
      %add3A_42 = arith.addi %mul3A_40, %add3A_41 : i32
      %mul3A_43 = arith.constant 64 : i32
      %mul3A_44 = arith.muli %add3A_42, %mul3A_43 : i32
      %add3A_45 = arith.addi %mul3A_23, %mul3A_44 : i32
      %dma_start3A_46 = arith.constant 0 : i32
      %dma_start3A_47 = tpu.memref_slice %arg3[%add3A_45, %dma_start3A_46] : memref<98304x512xf32, #tpu.memory_space<hbm>> -> memref<64x512xf32, #tpu.memory_space<hbm>>
      %dma_start3A_48 = arith.constant 0 : i32
      %dma_start3A_49 = tpu.memref_slice %arg3[%add3A_45, %dma_start3A_48] : memref<98304x512xf32, #tpu.memory_space<hbm>> -> memref<64x512xf32, #tpu.memory_space<hbm>>
      tpu.enqueue_dma source(%dma_start3A_49 : memref<64x512xf32, #tpu.memory_space<hbm>>) target(%arg6 : memref<64x512xf32, #tpu.memory_space<vmem>>) target_semaphore(%arg9 : memref<!tpu.dma_semaphore, #tpu.memory_space<semaphore_mem>>)
      %mul3A_50 = arith.constant 64 : i32
      %mul3A_51 = arith.muli %mul3A_40, %mul3A_50 : i32
      %add3A_52 = arith.addi %mul3A_23, %mul3A_51 : i32
      %dma_wait3A = arith.constant 0 : i32
      %dma_wait3A_53 = tpu.memref_slice %arg3[%add3A_52, %dma_wait3A] : memref<98304x512xf32, #tpu.memory_space<hbm>> -> memref<64x512xf32, #tpu.memory_space<hbm>>
      %dma_wait3A_54 = arith.constant 0 : i32
      %dma_wait3A_55 = tpu.memref_slice %arg3[%add3A_52, %dma_wait3A_54] : memref<98304x512xf32, #tpu.memory_space<hbm>> -> memref<64x512xf32, #tpu.memory_space<hbm>>
      tpu.wait_dma2 semaphore(%arg8 : memref<!tpu.dma_semaphore, #tpu.memory_space<semaphore_mem>>) src(%dma_wait3A_55 : memref<64x512xf32, #tpu.memory_space<hbm>>) dst(%arg5 : memref<64x512xf32, #tpu.memory_space<vmem>>)
      %jit3A = arith.constant 8 : i32
      %div3A = arith.divsi %mul3A_40, %jit3A : i32
      %sign3A = arith.constant 0 : i32
      %sign3A_56 = arith.cmpi sgt, %mul3A_40, %sign3A : i32
      %sign3A_57 = arith.extui %sign3A_56 : i1 to i32
      %sign3A_58 = arith.constant 0 : i32
      %sign3A_59 = arith.cmpi slt, %mul3A_40, %sign3A_58 : i32
      %sign3A_60 = arith.extui %sign3A_59 : i1 to i32
      %sign3A_61 = arith.subi %sign3A_57, %sign3A_60 : i32
      %sign3A_62 = arith.constant 0 : i32
      %sign3A_63 = arith.cmpi sgt, %jit3A, %sign3A_62 : i32
      %sign3A_64 = arith.extui %sign3A_63 : i1 to i32
      %sign3A_65 = arith.constant 0 : i32
      %sign3A_66 = arith.cmpi slt, %jit3A, %sign3A_65 : i32
      %sign3A_67 = arith.extui %sign3A_66 : i1 to i32
      %sign3A_68 = arith.subi %sign3A_64, %sign3A_67 : i32
      %ne3A = arith.cmpi ne, %sign3A_61, %sign3A_68 : i32
      %rem3A = arith.remsi %mul3A_40, %jit3A : i32
      %ne3A_69 = arith.constant 0 : i32
      %ne3A_70 = arith.cmpi ne, %rem3A, %ne3A_69 : i32
      %and3A = arith.andi %ne3A, %ne3A_70 : i1
      %sub3A = arith.constant 1 : i32
      %sub3A_71 = arith.subi %div3A, %sub3A : i32
      %select_n3A = arith.select %and3A, %sub3A_71, %div3A : i32
      %rem3A_72 = arith.constant 3 : i32
      %rem3A_73 = arith.remsi %select_n3A, %rem3A_72 : i32
      %add3A_74 = arith.constant 3 : i32
      %add3A_75 = arith.addi %add3A_74, %rem3A_73 : i32
      %mul3A_76 = arith.constant 1024 : i32
      %mul3A_77 = arith.muli %add3A_75, %mul3A_76 : i32
      %parallel_loop3A = arith.constant 0 : i32
      %parallel_loop3A_78 = arith.constant 2048 : i32
      %parallel_loop3A_79 = arith.constant 1 : i32
      scf.for %parallel_loop3A_129 = %parallel_loop3A to %parallel_loop3A_78 step %parallel_loop3A_79  : i32 {
        %parallel_loop3A_130 = arith.constant 32 : i32
        %parallel_loop3A_131 = arith.divsi %parallel_loop3A_129, %parallel_loop3A_130 : i32
        %parallel_loop3A_132 = arith.constant 0 : i32
        %parallel_loop3A_133 = arith.cmpi sgt, %parallel_loop3A_129, %parallel_loop3A_132 : i32
        %parallel_loop3A_134 = arith.extui %parallel_loop3A_133 : i1 to i32
        %parallel_loop3A_135 = arith.constant 0 : i32
        %parallel_loop3A_136 = arith.cmpi slt, %parallel_loop3A_129, %parallel_loop3A_135 : i32
        %parallel_loop3A_137 = arith.extui %parallel_loop3A_136 : i1 to i32
        %parallel_loop3A_138 = arith.subi %parallel_loop3A_134, %parallel_loop3A_137 : i32
        %parallel_loop3A_139 = arith.constant 0 : i32
        %parallel_loop3A_140 = arith.cmpi sgt, %parallel_loop3A_130, %parallel_loop3A_139 : i32
        %parallel_loop3A_141 = arith.extui %parallel_loop3A_140 : i1 to i32
        %parallel_loop3A_142 = arith.constant 0 : i32
        %parallel_loop3A_143 = arith.cmpi slt, %parallel_loop3A_130, %parallel_loop3A_142 : i32
        %parallel_loop3A_144 = arith.extui %parallel_loop3A_143 : i1 to i32
        %parallel_loop3A_145 = arith.subi %parallel_loop3A_141, %parallel_loop3A_144 : i32
        %parallel_loop3A_146 = arith.cmpi ne, %parallel_loop3A_138, %parallel_loop3A_145 : i32
        %parallel_loop3A_147 = arith.remsi %parallel_loop3A_129, %parallel_loop3A_130 : i32
        %parallel_loop3A_148 = arith.constant 0 : i32
        %parallel_loop3A_149 = arith.cmpi ne, %parallel_loop3A_147, %parallel_loop3A_148 : i32
        %parallel_loop3A_150 = arith.andi %parallel_loop3A_146, %parallel_loop3A_149 : i1
        %parallel_loop3A_151 = arith.constant 1 : i32
        %parallel_loop3A_152 = arith.subi %parallel_loop3A_131, %parallel_loop3A_151 : i32
        %parallel_loop3A_153 = arith.select %parallel_loop3A_150, %parallel_loop3A_152, %parallel_loop3A_131 : i32
        %parallel_loop3A_154 = arith.constant 32 : i32
        %parallel_loop3A_155 = arith.remsi %parallel_loop3A_129, %parallel_loop3A_154 : i32
        %parallel_loop3A_156 = arith.constant 16 : i32
        %parallel_loop3A_157 = arith.muli %parallel_loop3A_155, %parallel_loop3A_156 : i32
        %parallel_loop3A_158 = arith.index_cast %parallel_loop3A_153 : i32 to index
        %parallel_loop3A_159 = arith.index_cast %parallel_loop3A_157 : i32 to index
        %parallel_loop3A_160 = tpu.vector_load %arg5[%parallel_loop3A_158, %parallel_loop3A_159] {strides = array<i32>} : memref<64x512xf32, #tpu.memory_space<vmem>>, vector<16xf32>,
        %parallel_loop3A_161 = arith.constant 6.400000e+01 : f32
        %parallel_loop3A_162 = vector.broadcast %parallel_loop3A_161 : f32 to vector<16xf32>
        %parallel_loop3A_163 = arith.mulf %parallel_loop3A_160, %parallel_loop3A_162 : vector<16xf32>
        %parallel_loop3A_164 = arith.fptosi %parallel_loop3A_163 : vector<16xf32> to vector<16xi32>
        %parallel_loop3A_165 = vector.bitcast %parallel_loop3A_164 : vector<16xi32> to vector<16xi32>
        %parallel_loop3A_166 = arith.constant 63 : i32
        %parallel_loop3A_167 = vector.broadcast %parallel_loop3A_166 : i32 to vector<16xi32>
        %parallel_loop3A_168 = arith.minui %parallel_loop3A_165, %parallel_loop3A_167 : vector<16xi32>
        %parallel_loop3A_169 = vector.bitcast %parallel_loop3A_168 : vector<16xi32> to vector<16xi32>
        %parallel_loop3A_170 = arith.constant 4 : i32
        %parallel_loop3A_171 = vector.broadcast %parallel_loop3A_170 : i32 to vector<16xi32>
        %parallel_loop3A_172 = arith.shli %parallel_loop3A_169, %parallel_loop3A_171 : vector<16xi32>
        %parallel_loop3A_173 = arith.ori %parallel_loop3A_172, %iota3A : vector<16xi32>
        %parallel_loop3A_174 = tpu.memref_slice %arg7[%mul3A_77] : memref<6144xf32, #tpu.memory_space<vmem>> -> memref<1024xf32, #tpu.memory_space<vmem>>
        tpu.vector_store_idx %parallel_loop3A_174[%parallel_loop3A_173], %broadcast_in_dim3A_1 {add = true} : memref<1024xf32, #tpu.memory_space<vmem>>[vector<16xi32>], vector<16xf32>,
      } {sc.loop_unroll_factor = 32 : i64, sc.parallel_access}
      %add3A_80 = arith.constant 2 : i32
      %add3A_81 = arith.addi %mul3A_40, %add3A_80 : i32
      %lt3A = arith.constant 48 : i32
      %lt3A_82 = arith.cmpi slt, %add3A_81, %lt3A : i32
      %convert_element_type3A = arith.extui %lt3A_82 : i1 to i32
      %cond3A = arith.constant 0 : i32
      %cond3A_83 = arith.cmpi ne, %convert_element_type3A, %cond3A : i32
      scf.if %cond3A_83 {
        %add3A_129 = arith.constant 2 : i32
        %add3A_130 = arith.addi %mul3A_40, %add3A_129 : i32
        %mul3A_131 = arith.constant 64 : i32
        %mul3A_132 = arith.muli %add3A_130, %mul3A_131 : i32
        %add3A_133 = arith.addi %mul3A_23, %mul3A_132 : i32
        %dma_start3A_134 = arith.constant 0 : i32
        %dma_start3A_135 = tpu.memref_slice %arg3[%add3A_133, %dma_start3A_134] : memref<98304x512xf32, #tpu.memory_space<hbm>> -> memref<64x512xf32, #tpu.memory_space<hbm>>
        %dma_start3A_136 = arith.constant 0 : i32
        %dma_start3A_137 = tpu.memref_slice %arg3[%add3A_133, %dma_start3A_136] : memref<98304x512xf32, #tpu.memory_space<hbm>> -> memref<64x512xf32, #tpu.memory_space<hbm>>
        tpu.enqueue_dma source(%dma_start3A_137 : memref<64x512xf32, #tpu.memory_space<hbm>>) target(%arg5 : memref<64x512xf32, #tpu.memory_space<vmem>>) target_semaphore(%arg8 : memref<!tpu.dma_semaphore, #tpu.memory_space<semaphore_mem>>)
      } else {
      }
      %add3A_84 = arith.constant 1 : i32
      %add3A_85 = arith.addi %mul3A_40, %add3A_84 : i32
      %mul3A_86 = arith.constant 64 : i32
      %mul3A_87 = arith.muli %add3A_85, %mul3A_86 : i32
      %add3A_88 = arith.addi %mul3A_23, %mul3A_87 : i32
      %dma_wait3A_89 = arith.constant 0 : i32
      %dma_wait3A_90 = tpu.memref_slice %arg3[%add3A_88, %dma_wait3A_89] : memref<98304x512xf32, #tpu.memory_space<hbm>> -> memref<64x512xf32, #tpu.memory_space<hbm>>
      %dma_wait3A_91 = arith.constant 0 : i32
      %dma_wait3A_92 = tpu.memref_slice %arg3[%add3A_88, %dma_wait3A_91] : memref<98304x512xf32, #tpu.memory_space<hbm>> -> memref<64x512xf32, #tpu.memory_space<hbm>>
      tpu.wait_dma2 semaphore(%arg9 : memref<!tpu.dma_semaphore, #tpu.memory_space<semaphore_mem>>) src(%dma_wait3A_92 : memref<64x512xf32, #tpu.memory_space<hbm>>) dst(%arg6 : memref<64x512xf32, #tpu.memory_space<vmem>>)
      %add3A_93 = arith.constant 1 : i32
      %add3A_94 = arith.addi %mul3A_40, %add3A_93 : i32
      %jit3A_95 = arith.constant 8 : i32
      %div3A_96 = arith.divsi %add3A_94, %jit3A_95 : i32
      %sign3A_97 = arith.constant 0 : i32
      %sign3A_98 = arith.cmpi sgt, %add3A_94, %sign3A_97 : i32
      %sign3A_99 = arith.extui %sign3A_98 : i1 to i32
      %sign3A_100 = arith.constant 0 : i32
      %sign3A_101 = arith.cmpi slt, %add3A_94, %sign3A_100 : i32
      %sign3A_102 = arith.extui %sign3A_101 : i1 to i32
      %sign3A_103 = arith.subi %sign3A_99, %sign3A_102 : i32
      %sign3A_104 = arith.constant 0 : i32
      %sign3A_105 = arith.cmpi sgt, %jit3A_95, %sign3A_104 : i32
      %sign3A_106 = arith.extui %sign3A_105 : i1 to i32
      %sign3A_107 = arith.constant 0 : i32
      %sign3A_108 = arith.cmpi slt, %jit3A_95, %sign3A_107 : i32
      %sign3A_109 = arith.extui %sign3A_108 : i1 to i32
      %sign3A_110 = arith.subi %sign3A_106, %sign3A_109 : i32
      %ne3A_111 = arith.cmpi ne, %sign3A_103, %sign3A_110 : i32
      %rem3A_112 = arith.remsi %add3A_94, %jit3A_95 : i32
      %ne3A_113 = arith.constant 0 : i32
      %ne3A_114 = arith.cmpi ne, %rem3A_112, %ne3A_113 : i32
      %and3A_115 = arith.andi %ne3A_111, %ne3A_114 : i1
      %sub3A_116 = arith.constant 1 : i32
      %sub3A_117 = arith.subi %div3A_96, %sub3A_116 : i32
      %select_n3A_118 = arith.select %and3A_115, %sub3A_117, %div3A_96 : i32
      %rem3A_119 = arith.constant 3 : i32
      %rem3A_120 = arith.remsi %select_n3A_118, %rem3A_119 : i32
      %add3A_121 = arith.constant 3 : i32
      %add3A_122 = arith.addi %add3A_121, %rem3A_120 : i32
      %mul3A_123 = arith.constant 1024 : i32
      %mul3A_124 = arith.muli %add3A_122, %mul3A_123 : i32
      %parallel_loop3A_125 = arith.constant 0 : i32
      %parallel_loop3A_126 = arith.constant 2048 : i32
      %parallel_loop3A_127 = arith.constant 1 : i32
      scf.for %parallel_loop3A_129 = %parallel_loop3A_125 to %parallel_loop3A_126 step %parallel_loop3A_127  : i32 {
        %parallel_loop3A_130 = arith.constant 32 : i32
        %parallel_loop3A_131 = arith.divsi %parallel_loop3A_129, %parallel_loop3A_130 : i32
        %parallel_loop3A_132 = arith.constant 0 : i32
        %parallel_loop3A_133 = arith.cmpi sgt, %parallel_loop3A_129, %parallel_loop3A_132 : i32
        %parallel_loop3A_134 = arith.extui %parallel_loop3A_133 : i1 to i32
        %parallel_loop3A_135 = arith.constant 0 : i32
        %parallel_loop3A_136 = arith.cmpi slt, %parallel_loop3A_129, %parallel_loop3A_135 : i32
        %parallel_loop3A_137 = arith.extui %parallel_loop3A_136 : i1 to i32
        %parallel_loop3A_138 = arith.subi %parallel_loop3A_134, %parallel_loop3A_137 : i32
        %parallel_loop3A_139 = arith.constant 0 : i32
        %parallel_loop3A_140 = arith.cmpi sgt, %parallel_loop3A_130, %parallel_loop3A_139 : i32
        %parallel_loop3A_141 = arith.extui %parallel_loop3A_140 : i1 to i32
        %parallel_loop3A_142 = arith.constant 0 : i32
        %parallel_loop3A_143 = arith.cmpi slt, %parallel_loop3A_130, %parallel_loop3A_142 : i32
        %parallel_loop3A_144 = arith.extui %parallel_loop3A_143 : i1 to i32
        %parallel_loop3A_145 = arith.subi %parallel_loop3A_141, %parallel_loop3A_144 : i32
        %parallel_loop3A_146 = arith.cmpi ne, %parallel_loop3A_138, %parallel_loop3A_145 : i32
        %parallel_loop3A_147 = arith.remsi %parallel_loop3A_129, %parallel_loop3A_130 : i32
        %parallel_loop3A_148 = arith.constant 0 : i32
        %parallel_loop3A_149 = arith.cmpi ne, %parallel_loop3A_147, %parallel_loop3A_148 : i32
        %parallel_loop3A_150 = arith.andi %parallel_loop3A_146, %parallel_loop3A_149 : i1
        %parallel_loop3A_151 = arith.constant 1 : i32
        %parallel_loop3A_152 = arith.subi %parallel_loop3A_131, %parallel_loop3A_151 : i32
        %parallel_loop3A_153 = arith.select %parallel_loop3A_150, %parallel_loop3A_152, %parallel_loop3A_131 : i32
        %parallel_loop3A_154 = arith.constant 32 : i32
        %parallel_loop3A_155 = arith.remsi %parallel_loop3A_129, %parallel_loop3A_154 : i32
        %parallel_loop3A_156 = arith.constant 16 : i32
        %parallel_loop3A_157 = arith.muli %parallel_loop3A_155, %parallel_loop3A_156 : i32
        %parallel_loop3A_158 = arith.index_cast %parallel_loop3A_153 : i32 to index
        %parallel_loop3A_159 = arith.index_cast %parallel_loop3A_157 : i32 to index
        %parallel_loop3A_160 = tpu.vector_load %arg6[%parallel_loop3A_158, %parallel_loop3A_159] {strides = array<i32>} : memref<64x512xf32, #tpu.memory_space<vmem>>, vector<16xf32>,
        %parallel_loop3A_161 = arith.constant 6.400000e+01 : f32
        %parallel_loop3A_162 = vector.broadcast %parallel_loop3A_161 : f32 to vector<16xf32>
        %parallel_loop3A_163 = arith.mulf %parallel_loop3A_160, %parallel_loop3A_162 : vector<16xf32>
        %parallel_loop3A_164 = arith.fptosi %parallel_loop3A_163 : vector<16xf32> to vector<16xi32>
        %parallel_loop3A_165 = vector.bitcast %parallel_loop3A_164 : vector<16xi32> to vector<16xi32>
        %parallel_loop3A_166 = arith.constant 63 : i32
        %parallel_loop3A_167 = vector.broadcast %parallel_loop3A_166 : i32 to vector<16xi32>
        %parallel_loop3A_168 = arith.minui %parallel_loop3A_165, %parallel_loop3A_167 : vector<16xi32>
        %parallel_loop3A_169 = vector.bitcast %parallel_loop3A_168 : vector<16xi32> to vector<16xi32>
        %parallel_loop3A_170 = arith.constant 4 : i32
        %parallel_loop3A_171 = vector.broadcast %parallel_loop3A_170 : i32 to vector<16xi32>
        %parallel_loop3A_172 = arith.shli %parallel_loop3A_169, %parallel_loop3A_171 : vector<16xi32>
        %parallel_loop3A_173 = arith.ori %parallel_loop3A_172, %iota3A : vector<16xi32>
        %parallel_loop3A_174 = tpu.memref_slice %arg7[%mul3A_124] : memref<6144xf32, #tpu.memory_space<vmem>> -> memref<1024xf32, #tpu.memory_space<vmem>>
        tpu.vector_store_idx %parallel_loop3A_174[%parallel_loop3A_173], %broadcast_in_dim3A_1 {add = true} : memref<1024xf32, #tpu.memory_space<vmem>>[vector<16xi32>], vector<16xf32>,
      } {sc.loop_unroll_factor = 32 : i64, sc.parallel_access}
      %scan3A_128 = arith.constant 0 : i32
      scf.yield %scan3A_128 : i32
    }
    %scan3A_36 = arith.constant 24 : i32
    "tpu.region"() ({
      %run_scoped3A = tpu.sem_alloc : memref<!tpu.dma_semaphore, #tpu.memory_space<semaphore_mem>>
      %dma_start3A_37 = arith.constant 0 : i32
      %dma_start3A_38 = tpu.memref_slice %arg4[%add3A, %dma_start3A_37] : memref<32x6144xf32, #tpu.memory_space<hbm>> -> memref<1x6144xf32, #tpu.memory_space<hbm>>
      %dma_start3A_39 = tpu.memref_squeeze %dma_start3A_38 : memref<1x6144xf32, #tpu.memory_space<hbm>> -> memref<6144xf32, #tpu.memory_space<hbm>>
      %dma_start3A_40 = arith.constant 0 : i32
      %dma_start3A_41 = tpu.memref_slice %arg4[%add3A, %dma_start3A_40] : memref<32x6144xf32, #tpu.memory_space<hbm>> -> memref<1x6144xf32, #tpu.memory_space<hbm>>
      %dma_start3A_42 = tpu.memref_squeeze %dma_start3A_41 : memref<1x6144xf32, #tpu.memory_space<hbm>> -> memref<6144xf32, #tpu.memory_space<hbm>>
      tpu.enqueue_dma source(%arg7 : memref<6144xf32, #tpu.memory_space<vmem>>) target(%dma_start3A_42 : memref<6144xf32, #tpu.memory_space<hbm>>) target_semaphore(%run_scoped3A : memref<!tpu.dma_semaphore, #tpu.memory_space<semaphore_mem>>)
      %dma_wait3A = arith.constant 0 : i32
      %dma_wait3A_43 = tpu.memref_slice %arg4[%add3A, %dma_wait3A] : memref<32x6144xf32, #tpu.memory_space<hbm>> -> memref<1x6144xf32, #tpu.memory_space<hbm>>
      %dma_wait3A_44 = tpu.memref_squeeze %dma_wait3A_43 : memref<1x6144xf32, #tpu.memory_space<hbm>> -> memref<6144xf32, #tpu.memory_space<hbm>>
      %dma_wait3A_45 = arith.constant 0 : i32
      %dma_wait3A_46 = tpu.memref_slice %arg4[%add3A, %dma_wait3A_45] : memref<32x6144xf32, #tpu.memory_space<hbm>> -> memref<1x6144xf32, #tpu.memory_space<hbm>>
      %dma_wait3A_47 = tpu.memref_squeeze %dma_wait3A_46 : memref<1x6144xf32, #tpu.memory_space<hbm>> -> memref<6144xf32, #tpu.memory_space<hbm>>
      tpu.wait_dma2 semaphore(%run_scoped3A : memref<!tpu.dma_semaphore, #tpu.memory_space<semaphore_mem>>) src(%arg7 : memref<6144xf32, #tpu.memory_space<vmem>>) dst(%dma_wait3A_47 : memref<6144xf32, #tpu.memory_space<hbm>>)
      tpu.yield
    }) : () -> ()
    return
  }
}

module attributes {stable_mosaic.version = 14 : i64} {
  func.func @_finish_body(%arg0: memref<32x6x64x16xf32, #tpu.memory_space<vmem>>, %arg1: memref<1x1xf32, #tpu.memory_space<vmem>>) attributes {dimension_semantics = [], scalar_prefetch = 0 : i64, scratch_operands = 0 : i64, tpu.core_type = #tpu.core_type<tc>} {
    %get3A = arith.constant 0 : index
    %get3A_0 = arith.constant 0 : index
    %get3A_1 = arith.constant 0 : index
    %get3A_2 = arith.constant 0 : index
    %get3A_3 = vector.load %arg0[%get3A, %get3A_0, %get3A_1, %get3A_2] : memref<32x6x64x16xf32, #tpu.memory_space<vmem>>, vector<32x6x64x16xf32>
    %reduce_sum3A = arith.constant dense<0.000000e+00> : vector<6x64xf32>
    %reduce_sum3A_4 = vector.multi_reduction <add>, %get3A_3, %reduce_sum3A [0, 3] : vector<32x6x64x16xf32> to vector<6x64xf32>
    %slice3A = vector.extract_strided_slice %reduce_sum3A_4 {offsets = [0, 0], sizes = [1, 64], strides = [1, 1]} : vector<6x64xf32> to vector<1x64xf32>
    %squeeze3A = vector.shape_cast %slice3A : vector<1x64xf32> to vector<64xf32>
    %slice3A_5 = vector.extract_strided_slice %reduce_sum3A_4 {offsets = [3, 0], sizes = [1, 64], strides = [1, 1]} : vector<6x64xf32> to vector<1x64xf32>
    %squeeze3A_6 = vector.shape_cast %slice3A_5 : vector<1x64xf32> to vector<64xf32>
    %reduce_sum3A_7 = vector.shape_cast %squeeze3A : vector<64xf32> to vector<1x64xf32>
    %reduce_sum3A_8 = arith.constant dense<0.000000e+00> : vector<1xf32>
    %reduce_sum3A_9 = vector.multi_reduction <add>, %reduce_sum3A_7, %reduce_sum3A_8 [1] : vector<1x64xf32> to vector<1xf32>
    %reduce_sum3A_10 = vector.shape_cast %reduce_sum3A_9 : vector<1xf32> to vector<1x1xf32>
    %reduce_sum3A_11 = vector.extract %reduce_sum3A_10[0, 0] : f32 from vector<1x1xf32>
    %add3A = arith.constant 9.99999993E-9 : f32
    %add3A_12 = arith.addf %reduce_sum3A_11, %add3A : f32
    %div3A = vector.broadcast %add3A_12 : f32 to vector<64xf32>
    %div3A_13 = arith.divf %squeeze3A, %div3A : vector<64xf32>
    %reduce_sum3A_14 = vector.shape_cast %squeeze3A_6 : vector<64xf32> to vector<1x64xf32>
    %reduce_sum3A_15 = arith.constant dense<0.000000e+00> : vector<1xf32>
    %reduce_sum3A_16 = vector.multi_reduction <add>, %reduce_sum3A_14, %reduce_sum3A_15 [1] : vector<1x64xf32> to vector<1xf32>
    %reduce_sum3A_17 = vector.shape_cast %reduce_sum3A_16 : vector<1xf32> to vector<1x1xf32>
    %reduce_sum3A_18 = vector.extract %reduce_sum3A_17[0, 0] : f32 from vector<1x1xf32>
    %add3A_19 = arith.constant 9.99999993E-9 : f32
    %add3A_20 = arith.addf %reduce_sum3A_18, %add3A_19 : f32
    %div3A_21 = vector.broadcast %add3A_20 : f32 to vector<64xf32>
    %div3A_22 = arith.divf %squeeze3A_6, %div3A_21 : vector<64xf32>
    %sub3A = arith.subf %div3A_13, %div3A_22 : vector<64xf32>
    %abs3A = math.absf %sub3A : vector<64xf32>
    %reduce_sum3A_23 = vector.shape_cast %abs3A : vector<64xf32> to vector<1x64xf32>
    %reduce_sum3A_24 = arith.constant dense<0.000000e+00> : vector<1xf32>
    %reduce_sum3A_25 = vector.multi_reduction <add>, %reduce_sum3A_23, %reduce_sum3A_24 [1] : vector<1x64xf32> to vector<1xf32>
    %reduce_sum3A_26 = vector.shape_cast %reduce_sum3A_25 : vector<1xf32> to vector<1x1xf32>
    %reduce_sum3A_27 = vector.extract %reduce_sum3A_26[0, 0] : f32 from vector<1x1xf32>
    %div3A_28 = arith.constant 6.400000e+01 : f32
    %div3A_29 = arith.divf %reduce_sum3A_27, %div3A_28 : f32
    %add3A_30 = arith.constant 0.000000e+00 : f32
    %add3A_31 = arith.addf %add3A_30, %div3A_29 : f32
    %slice3A_32 = vector.extract_strided_slice %reduce_sum3A_4 {offsets = [1, 0], sizes = [1, 64], strides = [1, 1]} : vector<6x64xf32> to vector<1x64xf32>
    %squeeze3A_33 = vector.shape_cast %slice3A_32 : vector<1x64xf32> to vector<64xf32>
    %slice3A_34 = vector.extract_strided_slice %reduce_sum3A_4 {offsets = [4, 0], sizes = [1, 64], strides = [1, 1]} : vector<6x64xf32> to vector<1x64xf32>
    %squeeze3A_35 = vector.shape_cast %slice3A_34 : vector<1x64xf32> to vector<64xf32>
    %reduce_sum3A_36 = vector.shape_cast %squeeze3A_33 : vector<64xf32> to vector<1x64xf32>
    %reduce_sum3A_37 = arith.constant dense<0.000000e+00> : vector<1xf32>
    %reduce_sum3A_38 = vector.multi_reduction <add>, %reduce_sum3A_36, %reduce_sum3A_37 [1] : vector<1x64xf32> to vector<1xf32>
    %reduce_sum3A_39 = vector.shape_cast %reduce_sum3A_38 : vector<1xf32> to vector<1x1xf32>
    %reduce_sum3A_40 = vector.extract %reduce_sum3A_39[0, 0] : f32 from vector<1x1xf32>
    %add3A_41 = arith.constant 9.99999993E-9 : f32
    %add3A_42 = arith.addf %reduce_sum3A_40, %add3A_41 : f32
    %div3A_43 = vector.broadcast %add3A_42 : f32 to vector<64xf32>
    %div3A_44 = arith.divf %squeeze3A_33, %div3A_43 : vector<64xf32>
    %reduce_sum3A_45 = vector.shape_cast %squeeze3A_35 : vector<64xf32> to vector<1x64xf32>
    %reduce_sum3A_46 = arith.constant dense<0.000000e+00> : vector<1xf32>
    %reduce_sum3A_47 = vector.multi_reduction <add>, %reduce_sum3A_45, %reduce_sum3A_46 [1] : vector<1x64xf32> to vector<1xf32>
    %reduce_sum3A_48 = vector.shape_cast %reduce_sum3A_47 : vector<1xf32> to vector<1x1xf32>
    %reduce_sum3A_49 = vector.extract %reduce_sum3A_48[0, 0] : f32 from vector<1x1xf32>
    %add3A_50 = arith.constant 9.99999993E-9 : f32
    %add3A_51 = arith.addf %reduce_sum3A_49, %add3A_50 : f32
    %div3A_52 = vector.broadcast %add3A_51 : f32 to vector<64xf32>
    %div3A_53 = arith.divf %squeeze3A_35, %div3A_52 : vector<64xf32>
    %sub3A_54 = arith.subf %div3A_44, %div3A_53 : vector<64xf32>
    %abs3A_55 = math.absf %sub3A_54 : vector<64xf32>
    %reduce_sum3A_56 = vector.shape_cast %abs3A_55 : vector<64xf32> to vector<1x64xf32>
    %reduce_sum3A_57 = arith.constant dense<0.000000e+00> : vector<1xf32>
    %reduce_sum3A_58 = vector.multi_reduction <add>, %reduce_sum3A_56, %reduce_sum3A_57 [1] : vector<1x64xf32> to vector<1xf32>
    %reduce_sum3A_59 = vector.shape_cast %reduce_sum3A_58 : vector<1xf32> to vector<1x1xf32>
    %reduce_sum3A_60 = vector.extract %reduce_sum3A_59[0, 0] : f32 from vector<1x1xf32>
    %div3A_61 = arith.constant 6.400000e+01 : f32
    %div3A_62 = arith.divf %reduce_sum3A_60, %div3A_61 : f32
    %add3A_63 = arith.addf %add3A_31, %div3A_62 : f32
    %slice3A_64 = vector.extract_strided_slice %reduce_sum3A_4 {offsets = [2, 0], sizes = [1, 64], strides = [1, 1]} : vector<6x64xf32> to vector<1x64xf32>
    %squeeze3A_65 = vector.shape_cast %slice3A_64 : vector<1x64xf32> to vector<64xf32>
    %slice3A_66 = vector.extract_strided_slice %reduce_sum3A_4 {offsets = [5, 0], sizes = [1, 64], strides = [1, 1]} : vector<6x64xf32> to vector<1x64xf32>
    %squeeze3A_67 = vector.shape_cast %slice3A_66 : vector<1x64xf32> to vector<64xf32>
    %reduce_sum3A_68 = vector.shape_cast %squeeze3A_65 : vector<64xf32> to vector<1x64xf32>
    %reduce_sum3A_69 = arith.constant dense<0.000000e+00> : vector<1xf32>
    %reduce_sum3A_70 = vector.multi_reduction <add>, %reduce_sum3A_68, %reduce_sum3A_69 [1] : vector<1x64xf32> to vector<1xf32>
    %reduce_sum3A_71 = vector.shape_cast %reduce_sum3A_70 : vector<1xf32> to vector<1x1xf32>
    %reduce_sum3A_72 = vector.extract %reduce_sum3A_71[0, 0] : f32 from vector<1x1xf32>
    %add3A_73 = arith.constant 9.99999993E-9 : f32
    %add3A_74 = arith.addf %reduce_sum3A_72, %add3A_73 : f32
    %div3A_75 = vector.broadcast %add3A_74 : f32 to vector<64xf32>
    %div3A_76 = arith.divf %squeeze3A_65, %div3A_75 : vector<64xf32>
    %reduce_sum3A_77 = vector.shape_cast %squeeze3A_67 : vector<64xf32> to vector<1x64xf32>
    %reduce_sum3A_78 = arith.constant dense<0.000000e+00> : vector<1xf32>
    %reduce_sum3A_79 = vector.multi_reduction <add>, %reduce_sum3A_77, %reduce_sum3A_78 [1] : vector<1x64xf32> to vector<1xf32>
    %reduce_sum3A_80 = vector.shape_cast %reduce_sum3A_79 : vector<1xf32> to vector<1x1xf32>
    %reduce_sum3A_81 = vector.extract %reduce_sum3A_80[0, 0] : f32 from vector<1x1xf32>
    %add3A_82 = arith.constant 9.99999993E-9 : f32
    %add3A_83 = arith.addf %reduce_sum3A_81, %add3A_82 : f32
    %div3A_84 = vector.broadcast %add3A_83 : f32 to vector<64xf32>
    %div3A_85 = arith.divf %squeeze3A_67, %div3A_84 : vector<64xf32>
    %sub3A_86 = arith.subf %div3A_76, %div3A_85 : vector<64xf32>
    %abs3A_87 = math.absf %sub3A_86 : vector<64xf32>
    %reduce_sum3A_88 = vector.shape_cast %abs3A_87 : vector<64xf32> to vector<1x64xf32>
    %reduce_sum3A_89 = arith.constant dense<0.000000e+00> : vector<1xf32>
    %reduce_sum3A_90 = vector.multi_reduction <add>, %reduce_sum3A_88, %reduce_sum3A_89 [1] : vector<1x64xf32> to vector<1xf32>
    %reduce_sum3A_91 = vector.shape_cast %reduce_sum3A_90 : vector<1xf32> to vector<1x1xf32>
    %reduce_sum3A_92 = vector.extract %reduce_sum3A_91[0, 0] : f32 from vector<1x1xf32>
    %div3A_93 = arith.constant 6.400000e+01 : f32
    %div3A_94 = arith.divf %reduce_sum3A_92, %div3A_93 : f32
    %add3A_95 = arith.addf %add3A_63, %div3A_94 : f32
    %div3A_96 = arith.constant 3.000000e+00 : f32
    %div3A_97 = arith.divf %add3A_95, %div3A_96 : f32
    %reshape3A = vector.broadcast %div3A_97 : f32 to vector<1x1xf32>
    %swap3A = arith.constant 0 : index
    %swap3A_98 = arith.constant 0 : index
    %swap3A_99 = vector.load %arg1[%swap3A, %swap3A_98] : memref<1x1xf32, #tpu.memory_space<vmem>>, vector<1x1xf32>
    tpu.vector_store %arg1[%swap3A, %swap3A_98], %reshape3A {strides = array<i32>} : memref<1x1xf32, #tpu.memory_space<vmem>>, vector<1x1xf32>,
    return
  }
}

</mosaic_0001>

<sc_bundles>
// kernel: kernel.4.cloned.1.call-start
scs
__scs_entry_jumppad:
0x0: {  	(pc) =	sbr.rel $0x88, $3  }
0x1: {  	(tag) =	ssettag $0x0;
	lr =	simm.s32 $0x1  }
0x2: {  	[smem:$0x3F9F] =	sst lr;
	_ =	strace $0xD0000000  }
0x3: {  	_ = 	snop  }
0x4: {  	_ = 	snop  }
0x5: {  	_ = 	snop  }
0x6: {  	_ = 	snop  }
0x7: {  	_ = 	snop  }
__scs_overlays_trampoline_lowered:
0x8: {  	[smem:$0x3FAE] =	sst s0  }
0x9: {  	[smem:$0x3FAF] =	sst s1  }
0xa: {  	[smem:$0x3FB0] =	sst s2  }
0xb: {  	[smem:$0x3FB1] =	sst s3  }
0xc: {  	[smem:$0x3FB2] =	sst s4  }
0xd: {  	[smem:$0x3FB3] =	sst s5  }
0xe: {  	[smem:$0x3FB4] =	sst s6  }
0xf: {  	[smem:$0x3FB5] =	sst s7  }
0x10: {  	[smem:$0x3FB6] =	sst s8  }
0x11: {  	[smem:$0x3FB7] =	sst s9;
	s0 =	simm.s32 @!p0 $0x0  }
0x12: {  	s1 =	sld [smem:$0x3F9D];
	s0 =	simm.s32 @p0 $0x1  }
0x13: {  	[smem:$0x3FB8] =	sst s0;
	s0 =	simm.s32 @!p1 $0x0  }
0x14: {  	s2 =	sld [smem:$0x3F9C];
	s0 =	simm.s32 @p1 $0x1  }
0x15: {  	[smem:$0x3FB9] =	sst s0;
	s0 =	simm.s32 @!p2 $0x0  }
0x16: {  	s3 =	sld [smem:$0x3FDB];
	s0 =	simm.s32 @p2 $0x1  }
0x17: {  	s4 =	simm.s32 $0x1BF5;
	[smem:$0x3FBB] =	sst s0  }
0x18: {  	s0 =	sld [smem:$0x3F9E];
	_ =	swait.ge [sflag:s4], $0x0  }
0x19: {  	s7 =	sld [smem:$0x3F9F]  }
0x1a: {  	s8 =	sadd.s32 $0xFFFFE003, lr  }
0x1b: {  	s9 =	sadd.s32 $0xFFFFFEF7, lr;
	s5 =	simm.s32 $0xFFFFFFFF;
	p2 =	slt.u32 s8, $0xFFFFF086  }
0x1c: {  	p1 =	slt.u32 s9, $0xF7A;
	s5 =	simm.s32 @!p2 $0x0  }
0x1d: {  	s5 =	simm.s32 @p1 $0x1;
	p0 =	seq.s32 s7, s2  }
0x1e: {  	s7 =	smul.u32 @!p0 $0xF7A, s2;
	p2 =	seq.s32 @!p0 s5, $0x0  }
0x1f: {  	s9 =	smul.u32 $0xF7A, s1;
	s8 =	simm.s32 @!p0 $0x1BF5;
	p2 =	por !p2, p0  }
0x20: {  	[sflag:s8] =	ssyncset.s32 @!p0 $0xFFFFF086;
	s6 =	sadd.s32 @!p0 s3, s7;
	s7 =	simm.s32 @!p0 $0x108  }
0x21: {  	s3 =	sadd.s32 s3, s9;
	s6 =	sadd.s32 @!p0 $0x88, s6;
	s7 =	simm.s32 @p2 $0x1082  }
0x22: {  	[simem:s7], [sflag:s8] =	dma.local @!p0 [hbm:s6], $0xF7A  }
0x23: {  	s9 =	sor.u32 $0xD0000000, s2;
	s6 =	simm.s32 $0x108;
	_ =	swait.ge @!p0 [sflag:s8], $0x0  }
0x24: {  	s3 =	sadd.s32 $0x88, s3;
	s6 =	simm.s32 @!p1 $0x1082;
	[sflag:s4] =	ssyncset.s32 $0xFFFFF086  }
0x25: {  	[simem:s6], [sflag:s4] =	dma.local [hbm:s3], $0xF7A  }
0x26: {  	[smem:$0x3F9F] =	sst s1;
	(tag) =	ssettag s2;
	_ =	strace s9  }
0x27: {  	s1 =	sld [smem:$0x3FAF]  }
0x28: {  	s2 =	sld [smem:$0x3FB0]  }
0x29: {  	s4 =	sld [smem:$0x3FB2]  }
0x2a: {  	p0 =	seq.s32 s5, $0x0;
	s5 =	sld [smem:$0x3FB3]  }
0x2b: {  	s6 =	sld [smem:$0x3FB4]  }
0x2c: {  	s7 =	sld [smem:$0x3FB5]  }
0x2d: {  	s3 =	simm.s32 $0x108;
	s8 =	sld [smem:$0x3FB6]  }
0x2e: {  	s3 =	simm.s32 @!p0 $0x1082;
	s9 =	sld [smem:$0x3FB7]  }
0x2f: {  	lr =	sadd.s32 s0, s3;
	s0 =	sld [smem:$0x3FAE]  }
0x30: {  	s3 =	sld [smem:$0x3FB1]  }
0x31: {  	[smem:$0x3FBA] =	sst s10  }
0x32: {  	s10 =	sld [smem:$0x3FB8];
	_ =	sdelay $0x3  }
0x33: {  	p0 =	seq.s32 s10, $0x1;
	s10 =	sld [smem:$0x3FBA];
	_ =	sdelay $0x3  }
0x34: {  	[smem:$0x3FBA] =	sst s10  }
0x35: {  	s10 =	sld [smem:$0x3FB9];
	_ =	sdelay $0x3  }
0x36: {  	p1 =	seq.s32 s10, $0x1;
	s10 =	sld [smem:$0x3FBA];
	_ =	sdelay $0x3  }
0x37: {  	[smem:$0x3FBA] =	sst s10  }
0x38: {  	s10 =	sld [smem:$0x3FBB]  }
0x39: {  	_ = 	snop;
	(pc) =	sbr.ind lr, $3  }
0x3a: {  	_ = 	snop  }
0x3b: {  	_ = 	snop  }
0x3c: {  	p2 =	seq.s32 s10, $0x1;
	s10 =	sld [smem:$0x3FBA]  }
0x3d: {  	_ =	shalt  }
0x3e: {  	_ =	shalt  }
0x3f: {  	_ =	shalt  }
0x40: {  	_ =	shalt  }
0x41: {  	_ =	shalt  }
0x42: {  	_ =	shalt  }
0x43: {  	_ =	shalt  }
0x44: {  	_ =	shalt  }
0x45: {  	_ =	shalt  }
0x46: {  	_ =	shalt  }
0x47: {  	_ =	shalt  }
0x48: {  	_ =	shalt  }
0x49: {  	_ =	shalt  }
0x4a: {  	_ =	shalt  }
0x4b: {  	_ =	shalt  }
0x4c: {  	_ =	shalt  }
0x4d: {  	_ =	shalt  }
0x4e: {  	_ =	shalt  }
0x4f: {  	_ =	shalt  }
0x50: {  	_ =	shalt  }
0x51: {  	_ =	shalt  }
0x52: {  	_ =	shalt  }
0x53: {  	_ =	shalt  }
0x54: {  	_ =	shalt  }
0x55: {  	_ =	shalt  }
0x56: {  	_ =	shalt  }
0x57: {  	_ =	shalt  }
0x58: {  	_ =	shalt  }
0x59: {  	_ =	shalt  }
0x5a: {  	_ =	shalt  }
0x5b: {  	_ =	shalt  }
0x5c: {  	_ =	shalt  }
0x5d: {  	_ =	shalt  }
0x5e: {  	_ =	shalt  }
0x5f: {  	_ =	shalt  }
0x60: {  	_ =	shalt  }
0x61: {  	_ =	shalt  }
0x62: {  	_ =	shalt  }
0x63: {  	_ =	shalt  }
0x64: {  	_ =	shalt  }
0x65: {  	_ =	shalt  }
0x66: {  	_ =	shalt  }
0x67: {  	_ =	shalt  }
0x68: {  	_ =	shalt  }
0x69: {  	_ =	shalt  }
0x6a: {  	_ =	shalt  }
0x6b: {  	_ =	shalt  }
0x6c: {  	_ =	shalt  }
0x6d: {  	_ =	shalt  }
0x6e: {  	_ =	shalt  }
0x6f: {  	_ =	shalt  }
0x70: {  	_ =	shalt  }
0x71: {  	_ =	shalt  }
0x72: {  	_ =	shalt  }
0x73: {  	_ =	shalt  }
0x74: {  	_ =	shalt  }
0x75: {  	_ =	shalt  }
0x76: {  	_ =	shalt  }
0x77: {  	_ =	shalt  }
0x78: {  	_ =	shalt  }
0x79: {  	_ =	shalt  }
0x7a: {  	_ =	shalt  }
0x7b: {  	_ =	shalt  }
0x7c: {  	_ =	shalt  }
0x7d: {  	_ =	shalt  }
0x7e: {  	_ =	shalt  }
0x7f: {  	_ =	shalt  }
0x80: {  	_ =	shalt  }
0x81: {  	_ =	shalt  }
0x82: {  	_ =	shalt  }
0x83: {  	_ =	shalt  }
0x84: {  	_ =	shalt  }
0x85: {  	_ =	shalt  }
0x86: {  	_ =	shalt  }
0x87: {  	_ =	shalt  }
.Lfunc_end0:
.L_simem_size_0:
called_computation_lowered:
.L_overlay_start_0:
0x88: {  	s2 =	sld [smem:$0x3FD9]  }
0x89: {  	s3 =	sld [smem:$0x3FFE];
	_ =	sdelay $0x1  }
0x8a: {  	s1 =	srdreg.scid  }
0x8b: {  	s0 =	sand.u32 $0x1, s1  }
0x8c: {  	s17 =	sshll.u32 s0, $0xA;
	s2 =	sadd.s32 s3, s2  }
0x8d: {  	s2 =	sadd.s32 s2, s17  }
0x8e: {  	[smem:$0x3FC6] =	sst s2  }
0x8f: {  	_ = 	snop  }
0x90: {  	s2 =	sld [smem:$0x3FC9]  }
0x91: {  	s18 =	sld [smem:$0x3FC8];
	(tm) =	ssettm $0x1  }
0x92: {  	s4 =	sld [smem:$0x3FFB];
	_ =	sdelay $0x3  }
0x93: {  	_ =	strace s4  }
0x94: {  	s4 =	sld [smem:$0x3FFC];
	_ =	sdelay $0x3  }
0x95: {  	_ =	strace s4  }
0x96: {  	s4 =	sld [smem:$0x3FFD];
	_ =	sdelay $0x3  }
0x97: {  	_ =	strace s4  }
0x98: {  	_ =	strace $0x8FFFFFFF  }
0x99: {  	s19 =	sld [smem:$0x3FDB];
	_ =	sdelay $0x1  }
0x9a: {  	s5 =	simm.s32 $_scs_section_size  }
0x9b: {  	s6 =	simm.s32 $_size__tile_overlayer_lowered;
	s7 =	simm.s32 $_tile_overlayer_lowered  }
0x9c: {  	s22 =	simm.s32 $0x1BFF;
	s21 =	sshll.u32 s7, $0x1;
	s4 =	sadd.s32 s5, s19  }
0x9d: {  	s8 =	simm.s32 $0x0;
	s20 =	sshll.u32 s6, $0x1;
	s6 =	sadd.s32 s21, s4  }
0x9e: {  	[timem:s8], [sflag:s22] =	dma.local [hbm:s6], s20  }
0x9f: {  	_ =	swait.ge [sflag:s22], s20  }
0xa0: {  	s5 =	ssub.s32 $0x0, s20;
	[sflag:s22] =	ssyncset.done $0x0  }
0xa1: {  	[sflag:s22] =	ssyncadd.s32 s5;
	_ =	sdelay $0x1  }
0xa2: {  	s23 =	simm.s32 $0x1B8B  }
0xa3: {  	_ =	swait.ge [sflag:s23], $0x1  }
0xa4: {  	[sflag:s23] =	ssyncset.done $0x0  }
0xa5: {  	s25 =	simm.s32 $0x1B8E;
	s24 =	sld [smem:$0x3FFE];
	[sflag:s23] =	ssyncadd.s32 $0xFFFFFFFF  }
0xa6: {  	s26 =	simm.s32 $execute0_lowered;
	[smem:$0x3FD2] =	sst s25  }
0xa7: {  	s6 =	sshll.u32 s26, $0x1;
	_ =	strace $0x80000046;
	[dreg:$0x1] =	wrdreg $0xFFFFFFFF  }
0xa8: {  	s28 =	simm.s32 $_size_execute0_lowered;
	s4 =	sadd.s32 s4, s6;
	[dreg:$0x0] =	wrdreg $0x0  }
0xa9: {  	s6 =	sshll.u32 s28, $0x1;
	[dreg:$0x2] =	wrdreg s4  }
0xaa: {  	[dreg:$0x3] =	wrdreg s6  }
0xab: {  	[dreg:$0x4] =	wrdreg $0xC0  }
0xac: {  	_ =	task [dreg:s8], $0x5FFFF  }
0xad: {  	[dreg:$0x1] =	wrdreg $0xFFFFFFFF  }
0xae: {  	[dreg:$0x0] =	wrdreg $0x60  }
0xaf: {  	[dreg:$0x2] =	wrdreg s2  }
0xb0: {  	[dreg:$0x3] =	wrdreg s18  }
0xb1: {  	[dreg:$0x4] =	wrdreg s24  }
0xb2: {  	[dreg:$0x5] =	wrdreg $0x9  }
0xb3: {  	_ =	task.clear_ibuf [dreg:s8], $0x6FFFF;
	_ =	strace $0x90000046  }
0xb4: {  	s29 =	simm.s32 $0x9;
	_ =	strace $0x80000048  }
0xb5: {  	_ =	swait.ge [sflag:s29], $0x1  }
0xb6: {  	[sflag:s29] =	ssyncadd.s32 $0xFFFFFFFF  }
0xb7: {  	_ =	strace $0x90000048  }
0xb8: {  	_ =	sfence  }
0xb9: {  	s30 =	sld [smem:$0x0];
	_ =	sdelay $0x2  }
0xba: {  	s31 =	sshll.u32 s1, $0xD;
	s1 =	sshrl.u32 s1, $0x2  }
0xbb: {  	s3 =	sand.u32 $0x4000, s31;
	s1 =	sadd.s32 s1, s30  }
0xbc: {  	s0 =	sor.u32 s3, s0;
	s1 =	sshll.u32 s1, $0x11  }
0xbd: {  	s0 =	sor.u32 s1, s0  }
0xbe: {  	s0 =	sadd.s32 $0x8F2B, s0  }
0xbf: {  	[sflag:s0] =	ssyncadd.remote.s32 $0x1  }
0xc0: {  	_ =	sfence.sel $0xFFFF  }
0xc1: {  	[dreg:$0x0] =	wrdreg $0xFFFFFFFF;
	(pc) =	sbr.abs _section_cstart, $3  }
0xc2: {  	[dreg:$0x1] =	wrdreg $0xFFFFFFFF  }
0xc3: {  	_ =	task.clear_ibuf [dreg:s8], $0x2FFFF;
	_ =	strace $0x9FFFFFFF  }
0xc4: {  	(tm) =	ssettm $0x7FFFFFFF  }
0xc5: {  	_ =	shalt  }
tec
execute0_lowered:
.L_overlay_start_1:
0x0: {  	(tag) =	ssettag $0x1  }
0x1: {  	s2 =	rddreg [dreg:$0x0]  }
0x2: {  	s3 =	rddreg [dreg:$0x1]  }
0x3: {  	s5 =	rddreg [dreg:$0x2];
	s4 =	srdreg.scid  }
0x4: {  	s1 =	stileid.u32;
	s0 =	rddreg [dreg:$0x3];
	s12 =	simm.s32 $0x1  }
0x5: {  	s13 =	simm.s32 $0x2;
	s14 =	simm.s32 $0x80;
	s15 =	simm.s32 $0x400  }
0x6: {  	s16 =	simm.s32 $0x10000;
	s17 =	simm.s32 $0x3;
	s6 =	sand.u32 $0x1, s4  }
0x7: {  	s7 =	sshll.u32 s1, $0x1;
	s4 =	simm.s32 $0x0;
	s8 =	sshrl.u32 s1, $0x2  }
0x8: {  	s7 =	sor.u32 s6, s7;
	[smem:$0x7FF] =	sst s4;
	s8 =	smul.u32 $0xC000, s8  }
0x9: {  	s6 =	ssub.s32 $0x2, s6;
	s9 =	sshll.u32 s7, $0x7;
	s31 =	smul.u32 $0x30000, s7  }
0xa: {  	s10 =	sshrl.u32 s6, $0x1;
	s7 =	smul.u32 $0x180000, s7;
	s9 =	sand.u32 $0x380, s9  }
0xb: {  	_ =	strace $0x80000047;
	s10 =	ssub.s32 s6, s10;
	s8 =	sor.u32 s8, s9  }
0xc: {  	s6 =	sor.u32 $0x8000, s7;
	s7 =	sor.u32 $0x10000, s7;
	s8 =	sshrl.u32 s8, $0x3  }
0xd: {  	s10 =	smax.u32 s10, $0x1;
	s11 =	sadd.s32 s8, s5;
	s5 =	sadd.s32 s2, s31  }
0xe: {  	v0 =	vimm.f32 $0.0e+00;
	v1 =	vlaneseq.u32;
	v2 =	vimm.f32 $1.000000000e+00;
	s8 =	sadd.s32 s3, s31;
	s9 =	sadd.s32 $0x400, s11;
	s11 =	simm.s32 $0x8000  }
.LBB2_1:
0xf: {  	s18 =	simm.s32 $0x40;
	s19 =	simm.s32 $0x0  }
.LBB2_2:
0x10: {  	p0 =	sne.s32 s18, $0x5FC0;
	[tilespmem:s19+$0x10000] =	vst v0;
	s19 =	smov.u32 s18;
	s18 =	sadd.s32 $0x40, s18  }
.Ltmp0:
0x11: {  	(pc) =	sbr.rel @p0 .LBB2_2-.Ltmp0, $2  }
0x12: {  	_ =	sdelay $0x2  }
0x13: {  	s19 =	sshra.s32 s19, $0x2  }
0x14: {  	[tilespmem:s19+$0x10000] =	vst v0;
	s18 =	simm.s32 $0x0;
	s19 =	simm.s32 $0x0  }
0x15: {  	[tilespmem:s18], [sflag:$0x1] =	stream.linear.gather [hbm4b:s5+s18], $0x8000, $0x38;
	[tilespmem:$0x11800] =	vst v63  }
.LBB2_4:
0x16: {  	s21 =	sshll.u32 s19, $0x10  }
0x17: {  	s20 =	sadd.s32 s21, s6  }
0x18: {  	s20 =	sshrl.u32 s20, $0x3  }
0x19: {  	s20 =	sadd.s32 s2, s20  }
0x1a: {  	[tilespmem:s11], [sflag:$0x2] =	stream.linear.gather [hbm4b:s20+s18], $0x8000, $0x38;
	[tilespmem:$0x11800] =	vst v63  }
0x1b: {  	_ =	swait.ge [sflag:s12], $0x8000  }
0x1c: {  	s29 =	sand.u32 $0x7000, s18;
	s22 =	sand.u32 $0x380, s18;
	[sflag:s12] =	ssyncset.done $0x0  }
0x1d: {  	s20 =	sor.u32 s22, s29;
	[sflag:s12] =	ssyncadd.s32 $0xFFFF8000  }
0x1e: {  	v3 =	vld [tilespmem:s20+$0xC70]  }
0x1f: {  	v4 =	vld [tilespmem:s20+$0x0]  }
0x20: {  	v5 =	vld [tilespmem:s20+$0x10]  }
0x21: {  	v6 =	vld [tilespmem:s20+$0x20]  }
0x22: {  	v7 =	vld [tilespmem:s20+$0x30]  }
0x23: {  	v8 =	vld [tilespmem:s20+$0x40]  }
0x24: {  	v9 =	vld [tilespmem:s20+$0x50]  }
0x25: {  	v10 =	vld [tilespmem:s20+$0x60]  }
0x26: {  	v11 =	vld [tilespmem:s20+$0x70]  }
0x27: {  	v12 =	vld [tilespmem:s20+$0x400]  }
0x28: {  	v13 =	vld [tilespmem:s20+$0x410]  }
0x29: {  	v14 =	vld [tilespmem:s20+$0x420]  }
0x2a: {  	v15 =	vld [tilespmem:s20+$0x430]  }
0x2b: {  	v16 =	vld [tilespmem:s20+$0x440]  }
0x2c: {  	v17 =	vld [tilespmem:s20+$0x450]  }
0x2d: {  	v18 =	vld [tilespmem:s20+$0x460]  }
0x2e: {  	v19 =	vld [tilespmem:s20+$0x470]  }
0x2f: {  	v20 =	vld [tilespmem:s20+$0x800]  }
0x30: {  	v21 =	vld [tilespmem:s20+$0x810]  }
0x31: {  	v22 =	vld [tilespmem:s20+$0x820]  }
0x32: {  	v23 =	vld [tilespmem:s20+$0x830];
	v3 =	vmul.f32 $6.400000000e+01, v3  }
0x33: {  	v24 =	vld [tilespmem:s20+$0x840];
	v4 =	vmul.f32 $6.400000000e+01, v4;
	v5 =	vmul.f32 $6.400000000e+01, v5  }
0x34: {  	v25 =	vld [tilespmem:s20+$0x850];
	v6 =	vmul.f32 $6.400000000e+01, v6;
	v7 =	vmul.f32 $6.400000000e+01, v7  }
0x35: {  	v26 =	vld [tilespmem:s20+$0x860];
	v8 =	vmul.f32 $6.400000000e+01, v8;
	v9 =	vmul.f32 $6.400000000e+01, v9  }
0x36: {  	v27 =	vld [tilespmem:s20+$0x870];
	v10 =	vmul.f32 $6.400000000e+01, v10;
	v11 =	vmul.f32 $6.400000000e+01, v11  }
0x37: {  	v28 =	vld [tilespmem:s20+$0xC00];
	v12 =	vmul.f32 $6.400000000e+01, v12;
	v13 =	vmul.f32 $6.400000000e+01, v13  }
0x38: {  	v29 =	vld [tilespmem:s20+$0xC10];
	v14 =	vmul.f32 $6.400000000e+01, v14;
	v15 =	vmul.f32 $6.400000000e+01, v15  }
0x39: {  	v30 =	vld [tilespmem:s20+$0xC20];
	v16 =	vmul.f32 $6.400000000e+01, v16;
	v17 =	vmul.f32 $6.400000000e+01, v17  }
0x3a: {  	v31 =	vld [tilespmem:s20+$0xC30];
	v18 =	vmul.f32 $6.400000000e+01, v18;
	v19 =	vmul.f32 $6.400000000e+01, v19  }
0x3b: {  	v32 =	vld [tilespmem:s20+$0xC40];
	v20 =	vmul.f32 $6.400000000e+01, v20;
	v21 =	vmul.f32 $6.400000000e+01, v21  }
0x3c: {  	v33 =	vld [tilespmem:s20+$0xC50];
	v22 =	vmul.f32 $6.400000000e+01, v22;
	v23 =	vmul.f32 $6.400000000e+01, v23  }
0x3d: {  	v34 =	vld [tilespmem:s20+$0xC60];
	v24 =	vmul.f32 $6.400000000e+01, v24;
	v25 =	vmul.f32 $6.400000000e+01, v25  }
0x3e: {  	v26 =	vmul.f32 $6.400000000e+01, v26;
	v27 =	vmul.f32 $6.400000000e+01, v27  }
0x3f: {  	v28 =	vmul.f32 $6.400000000e+01, v28;
	v29 =	vmul.f32 $6.400000000e+01, v29  }
0x40: {  	v30 =	vmul.f32 $6.400000000e+01, v30;
	v31 =	vmul.f32 $6.400000000e+01, v31  }
0x41: {  	v32 =	vmul.f32 $6.400000000e+01, v32;
	v33 =	vmul.f32 $6.400000000e+01, v33  }
0x42: {  	v34 =	vmul.f32 $6.400000000e+01, v34;
	v3 =	vtrunc.f32 v3  }
0x43: {  	v4 =	vtrunc.f32 v4;
	v5 =	vtrunc.f32 v5  }
0x44: {  	v6 =	vtrunc.f32 v6;
	v7 =	vtrunc.f32 v7  }
0x45: {  	v8 =	vtrunc.f32 v8;
	v9 =	vtrunc.f32 v9  }
0x46: {  	v10 =	vtrunc.f32 v10;
	v11 =	vtrunc.f32 v11  }
0x47: {  	v12 =	vtrunc.f32 v12;
	v13 =	vtrunc.f32 v13  }
0x48: {  	v14 =	vtrunc.f32 v14;
	v15 =	vtrunc.f32 v15  }
0x49: {  	v16 =	vtrunc.f32 v16;
	v17 =	vtrunc.f32 v17  }
0x4a: {  	v18 =	vtrunc.f32 v18;
	v19 =	vtrunc.f32 v19  }
0x4b: {  	v20 =	vtrunc.f32 v20;
	v21 =	vtrunc.f32 v21  }
0x4c: {  	v22 =	vtrunc.f32 v22;
	v23 =	vtrunc.f32 v23  }
0x4d: {  	v24 =	vtrunc.f32 v24;
	v25 =	vtrunc.f32 v25  }
0x4e: {  	v26 =	vtrunc.f32 v26;
	v27 =	vtrunc.f32 v27  }
0x4f: {  	v28 =	vtrunc.f32 v28;
	v29 =	vtrunc.f32 v29  }
0x50: {  	v30 =	vtrunc.f32 v30;
	v31 =	vtrunc.f32 v31  }
0x51: {  	v32 =	vtrunc.f32 v32;
	v33 =	vtrunc.f32 v33  }
0x52: {  	v34 =	vtrunc.f32 v34;
	v3 =	vcvt.f32.s32 v3  }
0x53: {  	v4 =	vcvt.f32.s32 v4;
	v5 =	vcvt.f32.s32 v5  }
0x54: {  	v6 =	vcvt.f32.s32 v6;
	v7 =	vcvt.f32.s32 v7  }
0x55: {  	v8 =	vcvt.f32.s32 v8;
	v9 =	vcvt.f32.s32 v9  }
0x56: {  	s30 =	sshll.u32 s19, $0xA;
	v10 =	vcvt.f32.s32 v10;
	v11 =	vcvt.f32.s32 v11  }
0x57: {  	s20 =	sand.u32 $0xFFFFF000, s30;
	v12 =	vcvt.f32.s32 v12;
	v13 =	vcvt.f32.s32 v13  }
0x58: {  	p0 =	slt.u32 s19, $0xC;
	s22 =	sadd.s32 $0xFFFFD000, s20;
	v14 =	vcvt.f32.s32 v14;
	v15 =	vcvt.f32.s32 v15  }
0x59: {  	s31 =	simm.s32 $0x80;
	s23 =	simm.s32 $0x200;
	s22 =	smov.u32 @p0 s20;
	v16 =	vcvt.f32.s32 v16;
	v17 =	vcvt.f32.s32 v17  }
0x5a: {  	s23 =	sand.u32 $0x7000, s23;
	s20 =	sshra.s32 s22, $0x2;
	s22 =	sand.u32 $0x380, s31;
	v18 =	vcvt.f32.s32 v18;
	v19 =	vcvt.f32.s32 v19  }
0x5b: {  	s22 =	sor.u32 s22, s23;
	v20 =	vcvt.f32.s32 v20;
	v21 =	vcvt.f32.s32 v21  }
0x5c: {  	v37 =	vld [tilespmem:s22+$0x0];
	v22 =	vcvt.f32.s32 v22;
	v23 =	vcvt.f32.s32 v23  }
0x5d: {  	v38 =	vld [tilespmem:s22+$0x10];
	v24 =	vcvt.f32.s32 v24;
	v25 =	vcvt.f32.s32 v25  }
0x5e: {  	v39 =	vld [tilespmem:s22+$0x20];
	v26 =	vcvt.f32.s32 v26;
	v27 =	vcvt.f32.s32 v27  }
0x5f: {  	v40 =	vld [tilespmem:s22+$0x30];
	v28 =	vcvt.f32.s32 v28;
	v29 =	vcvt.f32.s32 v29  }
0x60: {  	v57 =	vld [tilespmem:s22+$0x60];
	v30 =	vcvt.f32.s32 v30;
	v31 =	vcvt.f32.s32 v31  }
0x61: {  	v41 =	vld [tilespmem:s22+$0x70];
	v32 =	vcvt.f32.s32 v32;
	v33 =	vcvt.f32.s32 v33  }
0x62: {  	v42 =	vld [tilespmem:s22+$0x400];
	v34 =	vcvt.f32.s32 v34;
	v3 =	vmin.u32 v3, $0x3F;
	v4 =	vmin.u32 v4, $0x3F  }
0x63: {  	v43 =	vld [tilespmem:s22+$0x410];
	v5 =	vmin.u32 v5, $0x3F;
	v6 =	vmin.u32 v6, $0x3F;
	v7 =	vmin.u32 v7, $0x3F  }
0x64: {  	v44 =	vld [tilespmem:s22+$0x420];
	v8 =	vmin.u32 v8, $0x3F;
	v9 =	vmin.u32 v9, $0x3F;
	v10 =	vmin.u32 v10, $0x3F  }
0x65: {  	v45 =	vld [tilespmem:s22+$0x430];
	v11 =	vmin.u32 v11, $0x3F;
	v12 =	vmin.u32 v12, $0x3F;
	v13 =	vmin.u32 v13, $0x3F  }
0x66: {  	v46 =	vld [tilespmem:s22+$0x440];
	v14 =	vmin.u32 v14, $0x3F;
	v15 =	vmin.u32 v15, $0x3F;
	v16 =	vmin.u32 v16, $0x3F  }
0x67: {  	v47 =	vld [tilespmem:s22+$0x450];
	v17 =	vmin.u32 v17, $0x3F;
	v18 =	vmin.u32 v18, $0x3F;
	v19 =	vmin.u32 v19, $0x3F  }
0x68: {  	v48 =	vld [tilespmem:s22+$0x460];
	v20 =	vmin.u32 v20, $0x3F;
	v21 =	vmin.u32 v21, $0x3F;
	v22 =	vmin.u32 v22, $0x3F  }
0x69: {  	v49 =	vld [tilespmem:s22+$0x470];
	v23 =	vmin.u32 v23, $0x3F;
	v24 =	vmin.u32 v24, $0x3F;
	v25 =	vmin.u32 v25, $0x3F  }
0x6a: {  	v59 =	vld [tilespmem:s22+$0x800];
	v26 =	vmin.u32 v26, $0x3F;
	v54 =	vmul.f32 $6.400000000e+01, v37;
	v56 =	vmul.f32 $6.400000000e+01, v38  }
0x6b: {  	v50 =	vld [tilespmem:s22+$0x810];
	v27 =	vmin.u32 v27, $0x3F;
	v39 =	vmul.f32 $6.400000000e+01, v39;
	v40 =	vmul.f32 $6.400000000e+01, v40  }
0x6c: {  	v51 =	vld [tilespmem:s22+$0x820];
	v28 =	vmin.u32 v28, $0x3F;
	v38 =	vmul.f32 $6.400000000e+01, v57;
	v41 =	vmul.f32 $6.400000000e+01, v41  }
0x6d: {  	v52 =	vld [tilespmem:s22+$0x830];
	v29 =	vmin.u32 v29, $0x3F;
	v42 =	vmul.f32 $6.400000000e+01, v42;
	v43 =	vmul.f32 $6.400000000e+01, v43  }
0x6e: {  	v60 =	vld [tilespmem:s22+$0xC30];
	v30 =	vmin.u32 v30, $0x3F;
	v44 =	vmul.f32 $6.400000000e+01, v44;
	v45 =	vmul.f32 $6.400000000e+01, v45  }
0x6f: {  	v31 =	vmin.u32 v31, $0x3F;
	v58 =	vmul.f32 $6.400000000e+01, v46;
	v47 =	vmul.f32 $6.400000000e+01, v47  }
0x70: {  	v32 =	vmin.u32 v32, $0x3F;
	v48 =	vmul.f32 $6.400000000e+01, v48;
	v49 =	vmul.f32 $6.400000000e+01, v49  }
0x71: {  	v33 =	vmin.u32 v33, $0x3F;
	v46 =	vmul.f32 $6.400000000e+01, v59;
	v50 =	vmul.f32 $6.400000000e+01, v50  }
0x72: {  	v34 =	vmin.u32 v34, $0x3F;
	v51 =	vmul.f32 $6.400000000e+01, v51;
	v52 =	vmul.f32 $6.400000000e+01, v52  }
0x73: {  	v60 =	vmul.f32 $6.400000000e+01, v60;
	v3 =	vshll.u32 v3, $0x4;
	v4 =	vshll.u32 v4, $0x4  }
0x74: {  	v35 =	vshll.u32 v5, $0x4;
	v36 =	vshll.u32 v6, $0x4;
	v7 =	vshll.u32 v7, $0x4  }
0x75: {  	v8 =	vshll.u32 v8, $0x4;
	v9 =	vshll.u32 v9, $0x4;
	v10 =	vshll.u32 v10, $0x4  }
0x76: {  	v11 =	vshll.u32 v11, $0x4;
	v12 =	vshll.u32 v12, $0x4;
	v13 =	vshll.u32 v13, $0x4  }
0x77: {  	v14 =	vshll.u32 v14, $0x4;
	v15 =	vshll.u32 v15, $0x4;
	v16 =	vshll.u32 v16, $0x4  }
0x78: {  	v17 =	vshll.u32 v17, $0x4;
	v18 =	vshll.u32 v18, $0x4;
	v19 =	vshll.u32 v19, $0x4  }
0x79: {  	v20 =	vshll.u32 v20, $0x4;
	v21 =	vshll.u32 v21, $0x4;
	v22 =	vshll.u32 v22, $0x4  }
0x7a: {  	v23 =	vshll.u32 v23, $0x4;
	v24 =	vshll.u32 v24, $0x4;
	v25 =	vshll.u32 v25, $0x4  }
0x7b: {  	v26 =	vshll.u32 v26, $0x4;
	v27 =	vshll.u32 v27, $0x4;
	v28 =	vshll.u32 v28, $0x4  }
0x7c: {  	v29 =	vshll.u32 v29, $0x4;
	v30 =	vshll.u32 v30, $0x4;
	v6 =	vshll.u32 v31, $0x4  }
0x7d: {  	v5 =	vshll.u32 v32, $0x4;
	v3 =	vor.u32 v1, v3;
	v4 =	vor.u32 v1, v4  }
0x7e: {  	v36 =	vor.u32 v1, v36;
	v7 =	vor.u32 v1, v7;
	v8 =	vor.u32 v1, v8  }
0x7f: {  	v9 =	vor.u32 v1, v9;
	v10 =	vor.u32 v1, v10;
	v37 =	vtrunc.f32 v56  }
0x80: {  	v39 =	vtrunc.f32 v39;
	v40 =	vtrunc.f32 v40;
	v11 =	vor.u32 v1, v11  }
0x81: {  	v55 =	vld [tilespmem:s22+$0x50];
	v12 =	vor.u32 v1, v12;
	v38 =	vtrunc.f32 v38;
	v13 =	vor.u32 v1, v13  }
0x82: {  	v57 =	vld [tilespmem:s22+$0xC00];
	v41 =	vtrunc.f32 v41;
	v14 =	vor.u32 v1, v14;
	v42 =	vtrunc.f32 v42  }
0x83: {  	s20 =	sadd.s32 $0x10000, s20;
	v31 =	vld [tilespmem:s22+$0x40];
	v15 =	vor.u32 v1, v15;
	v16 =	vor.u32 v1, v16;
	v44 =	vtrunc.f32 v44  }
0x84: {  	v17 =	vor.u32 v1, v17;
	v45 =	vtrunc.f32 v45;
	v18 =	vor.u32 v1, v18;
	[tilespmem:v3+s20+$0x0] =	vst.idx.add.f32.msk $0xffff, v2  }
0x85: {  	v19 =	vor.u32 v1, v19;
	v47 =	vtrunc.f32 v47;
	v48 =	vtrunc.f32 v48;
	[tilespmem:v4+s20+$0x0] =	vst.idx.add.f32.msk $0xffff, v2  }
0x86: {  	v20 =	vor.u32 v1, v20;
	v49 =	vtrunc.f32 v49;
	v21 =	vor.u32 v1, v21;
	v4 =	vld [tilespmem:s22+$0xC70]  }
0x87: {  	v3 =	vshll.u32 v33, $0x4;
	v33 =	vor.u32 v1, v35;
	v35 =	vmul.f32 $6.400000000e+01, v55;
	v55 =	vld [tilespmem:s22+$0x860]  }
0x88: {  	v22 =	vor.u32 v1, v22;
	v46 =	vtrunc.f32 v46;
	v50 =	vtrunc.f32 v50;
	[tilespmem:v36+s20+$0x0] =	vst.idx.add.f32.msk $0xffff, v2  }
0x89: {  	v23 =	vor.u32 v1, v23;
	v51 =	vtrunc.f32 v51;
	v52 =	vtrunc.f32 v52;
	[tilespmem:v8+s20+$0x0] =	vst.idx.add.f32.msk $0xffff, v2  }
0x8a: {  	v61 =	vor.u32 v1, v24;
	v62 =	vor.u32 v1, v25;
	v31 =	vmul.f32 $6.400000000e+01, v31;
	[tilespmem:v10+s20+$0x0] =	vst.idx.add.f32.msk $0xffff, v2  }
0x8b: {  	v63 =	vor.u32 v1, v26;
	v36 =	vtrunc.f32 v60;
	v8 =	vcvt.f32.s32 v39;
	[tilespmem:v11+s20+$0x0] =	vst.idx.add.f32.msk $0xffff, v2  }
0x8c: {  	v27 =	vor.u32 v1, v27;
	v10 =	vcvt.f32.s32 v38;
	[tilespmem:v12+s20+$0x0] =	vst.idx.add.f32.msk $0xffff, v2;
	v11 =	vcvt.f32.s32 v42  }
0x8d: {  	v28 =	vor.u32 v1, v28;
	[tilespmem:v13+s20+$0x0] =	vst.idx.add.f32.msk $0xffff, v2;
	v12 =	vcvt.f32.s32 v44;
	v13 =	vcvt.f32.s32 v45  }
0x8e: {  	[tilespmem:v17+s20+$0x0] =	vst.idx.add.f32.msk $0xffff, v2;
	v53 =	vmul.f32 $6.400000000e+01, v4;
	v4 =	vshll.u32 v34, $0x4;
	v34 =	vtrunc.f32 v54  }
0x8f: {  	v29 =	vor.u32 v1, v29;
	v17 =	vcvt.f32.s32 v51;
	v54 =	vld [tilespmem:s22+$0x850];
	v34 =	vcvt.f32.s32 v34  }
0x90: {  	v30 =	vor.u32 v1, v30;
	v55 =	vmul.f32 $6.400000000e+01, v55;
	v32 =	vtrunc.f32 v53;
	v53 =	vld [tilespmem:s22+$0x840]  }
0x91: {  	v56 =	vld [tilespmem:s22+$0x870];
	v31 =	vtrunc.f32 v31;
	v36 =	vcvt.f32.s32 v36;
	v34 =	vmin.u32 v34, $0x3F  }
0x92: {  	v25 =	vtrunc.f32 v55;
	v55 =	vmul.f32 $6.400000000e+01, v57;
	v57 =	vld [tilespmem:s22+$0xC50];
	v34 =	vshll.u32 v34, $0x4  }
0x93: {  	[tilespmem:v9+s20+$0x0] =	vst.idx.add.f32.msk $0xffff, v2;
	v35 =	vtrunc.f32 v35;
	v9 =	vcvt.f32.s32 v31;
	v34 =	vor.u32 v1, v34  }
0x94: {  	v59 =	vld [tilespmem:s22+$0xC20];
	v3 =	vor.u32 v1, v3;
	v32 =	vcvt.f32.s32 v32;
	v54 =	vmul.f32 $6.400000000e+01, v54  }
0x95: {  	v31 =	vmin.u32 v8, $0x3F;
	v8 =	vcvt.f32.s32 v35;
	v53 =	vmul.f32 $6.400000000e+01, v53  }
0x96: {  	v32 =	vmin.u32 v32, $0x3F;
	v24 =	vtrunc.f32 v54;
	v54 =	vmul.f32 $6.400000000e+01, v56  }
0x97: {  	[tilespmem:v15+s20+$0x0] =	vst.idx.add.f32.msk $0xffff, v2;
	v32 =	vshll.u32 v32, $0x4;
	v60 =	vmul.f32 $6.400000000e+01, v57;
	v53 =	vtrunc.f32 v53  }
0x98: {  	v32 =	vor.u32 v1, v32;
	v26 =	vtrunc.f32 v54;
	[tilespmem:v34+s20+$0x0] =	vst.idx.add.f32.msk $0xffff, v2;
	v34 =	vtrunc.f32 v55  }
0x99: {  	v15 =	vmin.u32 v13, $0x3F;
	v56 =	vld [tilespmem:s22+$0xC40];
	v55 =	vmul.f32 $6.400000000e+01, v59;
	v59 =	vtrunc.f32 v60  }
0x9a: {  	[tilespmem:v22+s20+$0x0] =	vst.idx.add.f32.msk $0xffff, v2;
	v22 =	vmin.u32 v17, $0x3F;
	v60 =	vcvt.f32.s32 v48;
	v48 =	vcvt.f32.s32 v46  }
0x9b: {  	[tilespmem:v18+s20+$0x0] =	vst.idx.add.f32.msk $0xffff, v2;
	v31 =	vshll.u32 v31, $0x4;
	v18 =	vcvt.f32.s32 v53;
	v13 =	vcvt.f32.s32 v26  }
0x9c: {  	v38 =	vmin.u32 v9, $0x3F;
	v34 =	vcvt.f32.s32 v34;
	v59 =	vcvt.f32.s32 v59  }
0x9d: {  	v4 =	vor.u32 v1, v4;
	[tilespmem:v32+s20+$0x0] =	vst.idx.add.f32.msk $0xffff, v2;
	v32 =	vtrunc.f32 v43;
	v43 =	vtrunc.f32 v58  }
0x9e: {  	[tilespmem:v33+s20+$0x0] =	vst.idx.add.f32.msk $0xffff, v2;
	v57 =	vor.u32 v1, v6;
	v33 =	vtrunc.f32 v55;
	v55 =	vmul.f32 $6.400000000e+01, v56  }
0x9f: {  	[tilespmem:v14+s20+$0x0] =	vst.idx.add.f32.msk $0xffff, v2;
	v56 =	vcvt.f32.s32 v25;
	v25 =	vmin.u32 v48, $0x3F;
	v9 =	vcvt.f32.s32 v32  }
0xa0: {  	[tilespmem:v19+s20+$0x0] =	vst.idx.add.f32.msk $0xffff, v2;
	v19 =	vmin.u32 v18, $0x3F;
	v14 =	vcvt.f32.s32 v43;
	v43 =	vcvt.f32.s32 v49  }
0xa1: {  	v58 =	vld [tilespmem:s22+$0xC10];
	v49 =	vmin.u32 v11, $0x3F;
	v11 =	vcvt.f32.s32 v50;
	v33 =	vcvt.f32.s32 v33  }
0xa2: {  	[tilespmem:v16+s20+$0x0] =	vst.idx.add.f32.msk $0xffff, v2;
	v32 =	vshll.u32 v38, $0x4;
	v6 =	vtrunc.f32 v55;
	v55 =	vor.u32 v1, v5  }
0xa3: {  	[tilespmem:v27+s20+$0x0] =	vst.idx.add.f32.msk $0xffff, v2;
	v5 =	vcvt.f32.s32 v37;
	v17 =	vmin.u32 v56, $0x3F;
	v27 =	vshll.u32 v49, $0x4  }
0xa4: {  	[tilespmem:v23+s20+$0x0] =	vst.idx.add.f32.msk $0xffff, v2;
	v16 =	vmin.u32 v14, $0x3F;
	v26 =	vmin.u32 v43, $0x3F;
	v23 =	vmin.u32 v11, $0x3F  }
0xa5: {  	[tilespmem:v7+s20+$0x0] =	vst.idx.add.f32.msk $0xffff, v2;
	v11 =	vmin.u32 v59, $0x3F;
	v39 =	vmin.u32 v5, $0x3F;
	v5 =	vcvt.f32.s32 v40  }
0xa6: {  	v40 =	vmin.u32 v8, $0x3F;
	v8 =	vmin.u32 v12, $0x3F;
	v54 =	vmul.f32 $6.400000000e+01, v58;
	v58 =	vld [tilespmem:s22+$0xC60]  }
0xa7: {  	[tilespmem:v29+s20+$0x0] =	vst.idx.add.f32.msk $0xffff, v2;
	v12 =	vcvt.f32.s32 v24;
	v24 =	vmin.u32 v60, $0x3F;
	v29 =	vshll.u32 v40, $0x4  }
0xa8: {  	[tilespmem:v20+s20+$0x0] =	vst.idx.add.f32.msk $0xffff, v2;
	v35 =	vmin.u32 v5, $0x3F;
	v5 =	vcvt.f32.s32 v41;
	v41 =	vmin.u32 v10, $0x3F  }
0xa9: {  	[tilespmem:v21+s20+$0x0] =	vst.idx.add.f32.msk $0xffff, v2;
	v10 =	vcvt.f32.s32 v47;
	v18 =	vmin.u32 v12, $0x3F;
	v54 =	vtrunc.f32 v54  }
0xaa: {  	[tilespmem:v61+s20+$0x0] =	vst.idx.add.f32.msk $0xffff, v2;
	v42 =	vmin.u32 v5, $0x3F;
	v5 =	vmin.u32 v9, $0x3F;
	v9 =	vcvt.f32.s32 v52  }
0xab: {  	[tilespmem:v30+s20+$0x0] =	vst.idx.add.f32.msk $0xffff, v2;
	v30 =	vshll.u32 v41, $0x4;
	v14 =	vcvt.f32.s32 v54;
	v7 =	vmul.f32 $6.400000000e+01, v58  }
0xac: {  	[tilespmem:v28+s20+$0x0] =	vst.idx.add.f32.msk $0xffff, v2;
	v20 =	vmin.u32 v10, $0x3F;
	v10 =	vmin.u32 v13, $0x3F;
	v28 =	vshll.u32 v42, $0x4  }
0xad: {  	[tilespmem:v62+s20+$0x0] =	vst.idx.add.f32.msk $0xffff, v2;
	v58 =	vcvt.f32.s32 v6;
	v21 =	vmin.u32 v9, $0x3F;
	v7 =	vtrunc.f32 v7  }
0xae: {  	[tilespmem:v63+s20+$0x0] =	vst.idx.add.f32.msk $0xffff, v2;
	v9 =	vmin.u32 v34, $0x3F;
	v14 =	vmin.u32 v14, $0x3F;
	v60 =	vcvt.f32.s32 v7  }
0xaf: {  	[tilespmem:v57+s20+$0x0] =	vst.idx.add.f32.msk $0xffff, v2;
	v6 =	vmin.u32 v36, $0x3F;
	v34 =	vshll.u32 v35, $0x4;
	v13 =	vmin.u32 v58, $0x3F  }
0xb0: {  	s24 =	simm.s32 $0x400;
	s23 =	simm.s32 $0x100;
	s22 =	simm.s32 $0x20;
	[tilespmem:v55+s20+$0x0] =	vst.idx.add.f32.msk $0xffff, v2;
	v7 =	vmin.u32 v33, $0x3F;
	v33 =	vshll.u32 v39, $0x4;
	v12 =	vmin.u32 v60, $0x3F  }
.LBB2_5:
0xb1: {  	s25 =	sand.u32 $0x7000, s24;
	s26 =	sand.u32 $0x380, s23;
	s22 =	sadd.s32 $0x20, s22;
	v35 =	vshll.u32 v5, $0x4;
	v36 =	vshll.u32 v8, $0x4;
	v37 =	vshll.u32 v15, $0x4;
	[tilespmem:v3+s20+$0x0] =	vst.idx.add.f32.msk $0xffff, v2  }
0xb2: {  	v40 =	vshll.u32 v16, $0x4;
	v41 =	vshll.u32 v20, $0x4;
	v42 =	vshll.u32 v24, $0x4;
	s25 =	sor.u32 s26, s25;
	p0 =	slt.u32 s22, $0x7E0;
	[tilespmem:v4+s20+$0x0] =	vst.idx.add.f32.msk $0xffff, v2  }
0xb3: {  	v43 =	vshll.u32 v26, $0x4;
	v44 =	vshll.u32 v25, $0x4;
	v45 =	vshll.u32 v23, $0x4;
	v4 =	vld [tilespmem:s25+$0xC70]  }
0xb4: {  	v46 =	vshll.u32 v22, $0x4;
	v47 =	vshll.u32 v21, $0x4;
	v22 =	vshll.u32 v19, $0x4;
	v20 =	vld [tilespmem:s25+$0x0]  }
0xb5: {  	v18 =	vshll.u32 v18, $0x4;
	v15 =	vshll.u32 v17, $0x4;
	v10 =	vshll.u32 v10, $0x4;
	v19 =	vld [tilespmem:s25+$0x10]  }
0xb6: {  	v9 =	vshll.u32 v9, $0x4;
	v8 =	vshll.u32 v14, $0x4;
	v7 =	vshll.u32 v7, $0x4;
	v21 =	vld [tilespmem:s25+$0x20]  }
0xb7: {  	v6 =	vshll.u32 v6, $0x4;
	v5 =	vshll.u32 v13, $0x4;
	v3 =	vshll.u32 v11, $0x4;
	v14 =	vld [tilespmem:s25+$0x30]  }
0xb8: {  	v16 =	vor.u32 v1, v33;
	v23 =	vld [tilespmem:s25+$0x40];
	v13 =	vmul.f32 $6.400000000e+01, v4;
	v4 =	vshll.u32 v12, $0x4  }
0xb9: {  	v17 =	vor.u32 v1, v31;
	v11 =	vor.u32 v1, v34;
	v20 =	vmul.f32 $6.400000000e+01, v20;
	v24 =	vld [tilespmem:s25+$0x50]  }
0xba: {  	v12 =	vor.u32 v1, v32;
	v19 =	vmul.f32 $6.400000000e+01, v19;
	v25 =	vld [tilespmem:s25+$0x60];
	v13 =	vtrunc.f32 v13  }
0xbb: {  	v21 =	vmul.f32 $6.400000000e+01, v21;
	v26 =	vld [tilespmem:s25+$0x70];
	v31 =	vcvt.f32.s32 v13;
	v13 =	vor.u32 v1, v29  }
0xbc: {  	v48 =	vtrunc.f32 v20;
	v29 =	vmul.f32 $6.400000000e+01, v14;
	v32 =	vld [tilespmem:s25+$0x400];
	v14 =	vor.u32 v1, v30  }
0xbd: {  	v20 =	vtrunc.f32 v19;
	v23 =	vmul.f32 $6.400000000e+01, v23;
	v30 =	vld [tilespmem:s25+$0x410];
	v19 =	vmin.u32 v31, $0x3F  }
0xbe: {  	v21 =	vtrunc.f32 v21;
	v24 =	vmul.f32 $6.400000000e+01, v24;
	v31 =	vld [tilespmem:s25+$0x420];
	v33 =	vshll.u32 v19, $0x4  }
0xbf: {  	v19 =	vtrunc.f32 v29;
	v29 =	vmul.f32 $6.400000000e+01, v25;
	v34 =	vld [tilespmem:s25+$0x430];
	v33 =	vor.u32 v1, v33  }
0xc0: {  	v23 =	vtrunc.f32 v23;
	v25 =	vor.u32 v1, v28;
	v39 =	vmul.f32 $6.400000000e+01, v26;
	v49 =	vld [tilespmem:s25+$0x440]  }
0xc1: {  	v24 =	vtrunc.f32 v24;
	v26 =	vor.u32 v1, v27;
	v32 =	vmul.f32 $6.400000000e+01, v32;
	v50 =	vld [tilespmem:s25+$0x450]  }
0xc2: {  	v27 =	vor.u32 v1, v35;
	v38 =	vtrunc.f32 v29;
	v30 =	vmul.f32 $6.400000000e+01, v30;
	v51 =	vld [tilespmem:s25+$0x460]  }
0xc3: {  	v28 =	vor.u32 v1, v36;
	v39 =	vtrunc.f32 v39;
	v31 =	vmul.f32 $6.400000000e+01, v31;
	v35 =	vld [tilespmem:s25+$0x470]  }
0xc4: {  	v29 =	vor.u32 v1, v37;
	v52 =	vtrunc.f32 v32;
	v32 =	vmul.f32 $6.400000000e+01, v34;
	[tilespmem:v33+s20+$0x0] =	vst.idx.add.f32.msk $0xffff, v2  }
0xc5: {  	v53 =	vtrunc.f32 v30;
	v30 =	vor.u32 v1, v40;
	v33 =	vmul.f32 $6.400000000e+01, v49;
	v36 =	vld [tilespmem:s25+$0x800]  }
0xc6: {  	v40 =	vtrunc.f32 v31;
	v31 =	vor.u32 v1, v41;
	v34 =	vmul.f32 $6.400000000e+01, v50;
	v37 =	vld [tilespmem:s25+$0x810]  }
0xc7: {  	v41 =	vtrunc.f32 v32;
	v32 =	vor.u32 v1, v42;
	v49 =	vmul.f32 $6.400000000e+01, v51;
	v50 =	vld [tilespmem:s25+$0x820]  }
0xc8: {  	v42 =	vtrunc.f32 v33;
	v33 =	vor.u32 v1, v43;
	v35 =	vmul.f32 $6.400000000e+01, v35;
	v51 =	vld [tilespmem:s25+$0x830]  }
0xc9: {  	v43 =	vtrunc.f32 v34;
	v34 =	vor.u32 v1, v44;
	v49 =	vtrunc.f32 v49;
	v54 =	vld [tilespmem:s25+$0x840]  }
0xca: {  	v44 =	vtrunc.f32 v35;
	v55 =	vmul.f32 $6.400000000e+01, v36;
	v56 =	vld [tilespmem:s25+$0x850];
	v35 =	vor.u32 v1, v45  }
0xcb: {  	v45 =	vcvt.f32.s32 v48;
	v36 =	vor.u32 v1, v46;
	v48 =	vmul.f32 $6.400000000e+01, v37;
	v57 =	vld [tilespmem:s25+$0x860]  }
0xcc: {  	v37 =	vor.u32 v1, v47;
	v46 =	vtrunc.f32 v55;
	v50 =	vmul.f32 $6.400000000e+01, v50;
	v55 =	vld [tilespmem:s25+$0x870]  }
0xcd: {  	v45 =	vmin.u32 v45, $0x3F;
	v47 =	vtrunc.f32 v48;
	v48 =	vmul.f32 $6.400000000e+01, v51;
	v51 =	vld [tilespmem:s25+$0xC00]  }
0xce: {  	v45 =	vshll.u32 v45, $0x4;
	v50 =	vtrunc.f32 v50;
	v54 =	vmul.f32 $6.400000000e+01, v54;
	v58 =	vld [tilespmem:s25+$0xC10]  }
0xcf: {  	v45 =	vor.u32 v1, v45;
	v48 =	vtrunc.f32 v48;
	v56 =	vmul.f32 $6.400000000e+01, v56;
	v59 =	vld [tilespmem:s25+$0xC20]  }
0xd0: {  	v22 =	vor.u32 v1, v22;
	v54 =	vtrunc.f32 v54;
	v57 =	vmul.f32 $6.400000000e+01, v57;
	v60 =	vld [tilespmem:s25+$0xC30]  }
0xd1: {  	v18 =	vor.u32 v1, v18;
	v56 =	vtrunc.f32 v56;
	v55 =	vmul.f32 $6.400000000e+01, v55;
	v61 =	vld [tilespmem:s25+$0xC40]  }
0xd2: {  	v63 =	vor.u32 v1, v15;
	v57 =	vtrunc.f32 v57;
	v51 =	vmul.f32 $6.400000000e+01, v51;
	v62 =	vld [tilespmem:s25+$0xC50]  }
0xd3: {  	v0 =	vor.u32 v1, v10;
	v55 =	vtrunc.f32 v55;
	v15 =	vmul.f32 $6.400000000e+01, v58;
	v58 =	vld [tilespmem:s25+$0xC60]  }
0xd4: {  	[tilespmem:v45+s20+$0x0] =	vst.idx.add.f32.msk $0xffff, v2;
	v10 =	vtrunc.f32 v51;
	v45 =	vmul.f32 $6.400000000e+01, v59;
	v51 =	vor.u32 v1, v9  }
0xd5: {  	v59 =	vor.u32 v1, v8;
	v9 =	vtrunc.f32 v15;
	v15 =	vmul.f32 $6.400000000e+01, v60;
	[tilespmem:v16+s20+$0x0] =	vst.idx.add.f32.msk $0xffff, v2  }
0xd6: {  	v60 =	vor.u32 v1, v7;
	v45 =	vtrunc.f32 v45;
	v8 =	vmul.f32 $6.400000000e+01, v61;
	[tilespmem:v17+s20+$0x0] =	vst.idx.add.f32.msk $0xffff, v2  }
0xd7: {  	v61 =	vor.u32 v1, v6;
	v7 =	vtrunc.f32 v15;
	v15 =	vmul.f32 $6.400000000e+01, v62;
	[tilespmem:v11+s20+$0x0] =	vst.idx.add.f32.msk $0xffff, v2  }
0xd8: {  	v6 =	vtrunc.f32 v8;
	v8 =	vmul.f32 $6.400000000e+01, v58;
	[tilespmem:v12+s20+$0x0] =	vst.idx.add.f32.msk $0xffff, v2;
	v58 =	vor.u32 v1, v5  }
0xd9: {  	v3 =	vor.u32 v1, v3;
	v5 =	vcvt.f32.s32 v20;
	v11 =	vtrunc.f32 v15;
	[tilespmem:v13+s20+$0x0] =	vst.idx.add.f32.msk $0xffff, v2  }
0xda: {  	v4 =	vor.u32 v1, v4;
	v12 =	vcvt.f32.s32 v21;
	v13 =	vtrunc.f32 v8;
	[tilespmem:v14+s20+$0x0] =	vst.idx.add.f32.msk $0xffff, v2  }
0xdb: {  	v62 =	vmin.u32 v5, $0x3F;
	v5 =	vcvt.f32.s32 v19;
	v8 =	vcvt.f32.s32 v23;
	[tilespmem:v25+s20+$0x0] =	vst.idx.add.f32.msk $0xffff, v2  }
0xdc: {  	v15 =	vcvt.f32.s32 v38;
	v12 =	vmin.u32 v12, $0x3F;
	v14 =	vcvt.f32.s32 v24;
	[tilespmem:v26+s20+$0x0] =	vst.idx.add.f32.msk $0xffff, v2  }
0xdd: {  	v16 =	vcvt.f32.s32 v52;
	v38 =	vmin.u32 v5, $0x3F;
	v5 =	vcvt.f32.s32 v39;
	[tilespmem:v27+s20+$0x0] =	vst.idx.add.f32.msk $0xffff, v2  }
0xde: {  	v17 =	vcvt.f32.s32 v40;
	v27 =	vmin.u32 v8, $0x3F;
	v8 =	vcvt.f32.s32 v53;
	[tilespmem:v28+s20+$0x0] =	vst.idx.add.f32.msk $0xffff, v2  }
0xdf: {  	v19 =	vcvt.f32.s32 v42;
	v28 =	vmin.u32 v14, $0x3F;
	v14 =	vcvt.f32.s32 v41;
	[tilespmem:v29+s20+$0x0] =	vst.idx.add.f32.msk $0xffff, v2  }
0xe0: {  	v20 =	vcvt.f32.s32 v43;
	v21 =	vcvt.f32.s32 v49;
	v39 =	vmin.u32 v15, $0x3F;
	[tilespmem:v30+s20+$0x0] =	vst.idx.add.f32.msk $0xffff, v2  }
0xe1: {  	v23 =	vcvt.f32.s32 v44;
	v25 =	vcvt.f32.s32 v46;
	v40 =	vmin.u32 v5, $0x3F;
	[tilespmem:v31+s20+$0x0] =	vst.idx.add.f32.msk $0xffff, v2  }
0xe2: {  	v41 =	vmin.u32 v16, $0x3F;
	v29 =	vcvt.f32.s32 v47;
	v30 =	vcvt.f32.s32 v50;
	[tilespmem:v32+s20+$0x0] =	vst.idx.add.f32.msk $0xffff, v2  }
0xe3: {  	v5 =	vmin.u32 v8, $0x3F;
	v31 =	vcvt.f32.s32 v48;
	v32 =	vcvt.f32.s32 v54;
	[tilespmem:v33+s20+$0x0] =	vst.idx.add.f32.msk $0xffff, v2  }
0xe4: {  	v8 =	vmin.u32 v17, $0x3F;
	v17 =	vcvt.f32.s32 v56;
	v33 =	vcvt.f32.s32 v57;
	[tilespmem:v34+s20+$0x0] =	vst.idx.add.f32.msk $0xffff, v2  }
0xe5: {  	v15 =	vmin.u32 v14, $0x3F;
	v14 =	vcvt.f32.s32 v55;
	v34 =	vcvt.f32.s32 v10;
	[tilespmem:v35+s20+$0x0] =	vst.idx.add.f32.msk $0xffff, v2  }
0xe6: {  	v42 =	vcvt.f32.s32 v45;
	v16 =	vmin.u32 v19, $0x3F;
	v35 =	vcvt.f32.s32 v9;
	[tilespmem:v36+s20+$0x0] =	vst.idx.add.f32.msk $0xffff, v2  }
0xe7: {  	v43 =	vcvt.f32.s32 v6;
	v20 =	vmin.u32 v20, $0x3F;
	v36 =	vcvt.f32.s32 v7;
	[tilespmem:v37+s20+$0x0] =	vst.idx.add.f32.msk $0xffff, v2  }
0xe8: {  	v24 =	vmin.u32 v21, $0x3F;
	v11 =	vcvt.f32.s32 v11;
	v37 =	vcvt.f32.s32 v13;
	[tilespmem:v22+s20+$0x0] =	vst.idx.add.f32.msk $0xffff, v2  }
0xe9: {  	v26 =	vmin.u32 v23, $0x3F;
	v25 =	vmin.u32 v25, $0x3F;
	v23 =	vmin.u32 v29, $0x3F;
	[tilespmem:v18+s20+$0x0] =	vst.idx.add.f32.msk $0xffff, v2  }
0xea: {  	v21 =	vmin.u32 v31, $0x3F;
	v19 =	vmin.u32 v32, $0x3F;
	v22 =	vmin.u32 v30, $0x3F;
	[tilespmem:v63+s20+$0x0] =	vst.idx.add.f32.msk $0xffff, v2  }
0xeb: {  	v10 =	vmin.u32 v14, $0x3F;
	v18 =	vmin.u32 v17, $0x3F;
	v17 =	vmin.u32 v33, $0x3F;
	[tilespmem:v0+s20+$0x0] =	vst.idx.add.f32.msk $0xffff, v2  }
.Ltmp1:
0xec: {  	v9 =	vmin.u32 v34, $0x3F;
	v7 =	vmin.u32 v42, $0x3F;
	v14 =	vmin.u32 v35, $0x3F;
	[tilespmem:v51+s20+$0x0] =	vst.idx.add.f32.msk $0xffff, v2;
	(pc) =	sbr.rel @p0 .LBB2_5-.Ltmp1, $4  }
0xed: {  	v11 =	vmin.u32 v11, $0x3F;
	v13 =	vmin.u32 v43, $0x3F;
	v6 =	vmin.u32 v36, $0x3F;
	[tilespmem:v59+s20+$0x0] =	vst.idx.add.f32.msk $0xffff, v2  }
0xee: {  	v31 =	vshll.u32 v12, $0x4;
	v33 =	vshll.u32 v62, $0x4;
	v12 =	vmin.u32 v37, $0x3F;
	[tilespmem:v60+s20+$0x0] =	vst.idx.add.f32.msk $0xffff, v2  }
0xef: {  	v29 =	vshll.u32 v28, $0x4;
	v32 =	vshll.u32 v27, $0x4;
	v34 =	vshll.u32 v38, $0x4;
	[tilespmem:v61+s20+$0x0] =	vst.idx.add.f32.msk $0xffff, v2  }
0xf0: {  	s23 =	sadd.s32 $0x80, s23;
	s24 =	sadd.s32 $0x200, s24;
	v28 =	vshll.u32 v40, $0x4;
	v27 =	vshll.u32 v41, $0x4;
	v30 =	vshll.u32 v39, $0x4;
	[tilespmem:v58+s20+$0x0] =	vst.idx.add.f32.msk $0xffff, v2  }
0xf1: {  	_ = 	snop  }
0xf2: {  	v0 =	vor.u32 v1, v33  }
0xf3: {  	v31 =	vor.u32 v1, v31  }
0xf4: {  	v48 =	vor.u32 v1, v34  }
0xf5: {  	[tilespmem:v3+s20+$0x0] =	vst.idx.add.f32.msk $0xffff, v2;
	v3 =	vor.u32 v1, v32  }
0xf6: {  	[tilespmem:v4+s20+$0x0] =	vst.idx.add.f32.msk $0xffff, v2;
	v4 =	vor.u32 v1, v29  }
0xf7: {  	v29 =	vor.u32 v1, v30;
	[tilespmem:v0+s20+$0x0] =	vst.idx.add.f32.msk $0xffff, v2  }
0xf8: {  	v5 =	vshll.u32 v5, $0x4;
	v27 =	vor.u32 v1, v27;
	[tilespmem:v31+s20+$0x0] =	vst.idx.add.f32.msk $0xffff, v2  }
0xf9: {  	v8 =	vshll.u32 v8, $0x4;
	v5 =	vor.u32 v1, v5;
	[tilespmem:v48+s20+$0x0] =	vst.idx.add.f32.msk $0xffff, v2  }
0xfa: {  	v6 =	vshll.u32 v6, $0x4;
	v8 =	vor.u32 v1, v8;
	[tilespmem:v3+s20+$0x0] =	vst.idx.add.f32.msk $0xffff, v2  }
0xfb: {  	v6 =	vor.u32 v1, v6;
	[tilespmem:v4+s20+$0x0] =	vst.idx.add.f32.msk $0xffff, v2  }
0xfc: {  	v0 =	vor.u32 v1, v28;
	v3 =	vshll.u32 v15, $0x4;
	[tilespmem:v29+s20+$0x0] =	vst.idx.add.f32.msk $0xffff, v2  }
0xfd: {  	v4 =	vshll.u32 v16, $0x4;
	[tilespmem:v27+s20+$0x0] =	vst.idx.add.f32.msk $0xffff, v2;
	v3 =	vor.u32 v1, v3  }
0xfe: {  	v15 =	vshll.u32 v20, $0x4;
	v4 =	vor.u32 v1, v4;
	[tilespmem:v5+s20+$0x0] =	vst.idx.add.f32.msk $0xffff, v2  }
0xff: {  	v16 =	vshll.u32 v26, $0x4;
	v15 =	vor.u32 v1, v15;
	[tilespmem:v8+s20+$0x0] =	vst.idx.add.f32.msk $0xffff, v2  }
0x100: {  	v5 =	vshll.u32 v25, $0x4;
	v16 =	vor.u32 v1, v16;
	[tilespmem:v6+s20+$0x0] =	vst.idx.add.f32.msk $0xffff, v2  }
0x101: {  	v8 =	vshll.u32 v23, $0x4;
	v5 =	vor.u32 v1, v5;
	[tilespmem:v0+s20+$0x0] =	vst.idx.add.f32.msk $0xffff, v2  }
0x102: {  	v8 =	vor.u32 v1, v8;
	v0 =	vshll.u32 v24, $0x4;
	[tilespmem:v3+s20+$0x0] =	vst.idx.add.f32.msk $0xffff, v2  }
0x103: {  	v0 =	vor.u32 v1, v0;
	v3 =	vshll.u32 v22, $0x4;
	[tilespmem:v4+s20+$0x0] =	vst.idx.add.f32.msk $0xffff, v2  }
0x104: {  	v4 =	vshll.u32 v21, $0x4;
	[tilespmem:v15+s20+$0x0] =	vst.idx.add.f32.msk $0xffff, v2;
	v3 =	vor.u32 v1, v3  }
0x105: {  	v15 =	vshll.u32 v19, $0x4;
	[tilespmem:v16+s20+$0x0] =	vst.idx.add.f32.msk $0xffff, v2;
	v4 =	vor.u32 v1, v4  }
0x106: {  	v16 =	vshll.u32 v17, $0x4;
	v15 =	vor.u32 v1, v15;
	[tilespmem:v5+s20+$0x0] =	vst.idx.add.f32.msk $0xffff, v2  }
0x107: {  	v5 =	vshll.u32 v10, $0x4;
	v10 =	vor.u32 v1, v16;
	[tilespmem:v8+s20+$0x0] =	vst.idx.add.f32.msk $0xffff, v2  }
0x108: {  	v5 =	vor.u32 v1, v5;
	[tilespmem:v0+s20+$0x0] =	vst.idx.add.f32.msk $0xffff, v2;
	v0 =	vshll.u32 v18, $0x4  }
0x109: {  	v8 =	vshll.u32 v9, $0x4;
	v0 =	vor.u32 v1, v0;
	[tilespmem:v3+s20+$0x0] =	vst.idx.add.f32.msk $0xffff, v2  }
0x10a: {  	v8 =	vor.u32 v1, v8;
	v3 =	vshll.u32 v14, $0x4;
	[tilespmem:v4+s20+$0x0] =	vst.idx.add.f32.msk $0xffff, v2  }
0x10b: {  	v4 =	vshll.u32 v7, $0x4;
	[tilespmem:v15+s20+$0x0] =	vst.idx.add.f32.msk $0xffff, v2;
	v3 =	vor.u32 v1, v3  }
0x10c: {  	[tilespmem:v10+s20+$0x0] =	vst.idx.add.f32.msk $0xffff, v2;
	v7 =	vshll.u32 v11, $0x4;
	v4 =	vor.u32 v1, v4  }
0x10d: {  	[tilespmem:v5+s20+$0x0] =	vst.idx.add.f32.msk $0xffff, v2;
	v5 =	vshll.u32 v12, $0x4;
	v7 =	vor.u32 v1, v7  }
0x10e: {  	v5 =	vor.u32 v1, v5;
	[tilespmem:v0+s20+$0x0] =	vst.idx.add.f32.msk $0xffff, v2;
	v0 =	vshll.u32 v13, $0x4  }
0x10f: {  	[tilespmem:v8+s20+$0x0] =	vst.idx.add.f32.msk $0xffff, v2;
	v0 =	vor.u32 v1, v0  }
0x110: {  	[tilespmem:v3+s20+$0x0] =	vst.idx.add.f32.msk $0xffff, v2  }
0x111: {  	p0 =	seq.s32 s19, $0x17;
	[tilespmem:v4+s20+$0x0] =	vst.idx.add.f32.msk $0xffff, v2  }
0x112: {  	s21 =	sadd.s32 @!p0 s21, s7;
	[tilespmem:v7+s20+$0x0] =	vst.idx.add.f32.msk $0xffff, v2  }
0x113: {  	s21 =	sshrl.u32 @!p0 s21, $0x3;
	[tilespmem:v5+s20+$0x0] =	vst.idx.add.f32.msk $0xffff, v2  }
0x114: {  	s22 =	simm.s32 @!p0 $0x0;
	s21 =	sadd.s32 @!p0 s2, s21;
	[tilespmem:v0+s20+$0x0] =	vst.idx.add.f32.msk $0xffff, v2  }
0x115: {  	[tilespmem:s22], [sflag:$0x1] =	stream.linear.gather @!p0 [hbm4b:s21+s22], $0x8000, $0x38;
	[tilespmem:$0x11800] =	vst v63  }
0x116: {  	s28 =	simm.s32 $0x0;
	_ =	swait.ge [sflag:s13], $0x8000  }
0x117: {  	s29 =	sand.u32 $0x7000, s28;
	s21 =	sand.u32 $0x380, s28;
	[sflag:s13] =	ssyncset.done $0x0  }
0x118: {  	s21 =	sor.u32 s21, s29;
	[sflag:s13] =	ssyncadd.s32 $0xFFFF8000  }
0x119: {  	v0 =	vld [tilespmem:s21+$0x8C70]  }
0x11a: {  	v3 =	vld [tilespmem:s21+$0x8000]  }
0x11b: {  	v4 =	vld [tilespmem:s21+$0x8010]  }
0x11c: {  	v5 =	vld [tilespmem:s21+$0x8020]  }
0x11d: {  	v6 =	vld [tilespmem:s21+$0x8030]  }
0x11e: {  	v7 =	vld [tilespmem:s21+$0x8040]  }
0x11f: {  	v8 =	vld [tilespmem:s21+$0x8050]  }
0x120: {  	v9 =	vld [tilespmem:s21+$0x8060]  }
0x121: {  	v10 =	vld [tilespmem:s21+$0x8070]  }
0x122: {  	v11 =	vld [tilespmem:s21+$0x8400]  }
0x123: {  	v12 =	vld [tilespmem:s21+$0x8410]  }
0x124: {  	v13 =	vld [tilespmem:s21+$0x8420]  }
0x125: {  	v14 =	vld [tilespmem:s21+$0x8430]  }
0x126: {  	v15 =	vld [tilespmem:s21+$0x8440]  }
0x127: {  	v16 =	vld [tilespmem:s21+$0x8450]  }
0x128: {  	v17 =	vld [tilespmem:s21+$0x8460]  }
0x129: {  	v18 =	vld [tilespmem:s21+$0x8470]  }
0x12a: {  	v19 =	vld [tilespmem:s21+$0x8800]  }
0x12b: {  	v20 =	vld [tilespmem:s21+$0x8810]  }
0x12c: {  	v21 =	vld [tilespmem:s21+$0x8820]  }
0x12d: {  	v22 =	vld [tilespmem:s21+$0x8830]  }
0x12e: {  	v23 =	vld [tilespmem:s21+$0x8840];
	v0 =	vmul.f32 $6.400000000e+01, v0;
	v3 =	vmul.f32 $6.400000000e+01, v3  }
0x12f: {  	v24 =	vld [tilespmem:s21+$0x8850];
	v4 =	vmul.f32 $6.400000000e+01, v4;
	v5 =	vmul.f32 $6.400000000e+01, v5  }
0x130: {  	v25 =	vld [tilespmem:s21+$0x8860];
	v6 =	vmul.f32 $6.400000000e+01, v6;
	v7 =	vmul.f32 $6.400000000e+01, v7  }
0x131: {  	v26 =	vld [tilespmem:s21+$0x8870];
	v8 =	vmul.f32 $6.400000000e+01, v8;
	v9 =	vmul.f32 $6.400000000e+01, v9  }
0x132: {  	v27 =	vld [tilespmem:s21+$0x8C00];
	v10 =	vmul.f32 $6.400000000e+01, v10;
	v11 =	vmul.f32 $6.400000000e+01, v11  }
0x133: {  	v28 =	vld [tilespmem:s21+$0x8C10];
	v12 =	vmul.f32 $6.400000000e+01, v12;
	v13 =	vmul.f32 $6.400000000e+01, v13  }
0x134: {  	v29 =	vld [tilespmem:s21+$0x8C20];
	v14 =	vmul.f32 $6.400000000e+01, v14;
	v15 =	vmul.f32 $6.400000000e+01, v15  }
0x135: {  	v30 =	vld [tilespmem:s21+$0x8C30];
	v16 =	vmul.f32 $6.400000000e+01, v16;
	v17 =	vmul.f32 $6.400000000e+01, v17  }
0x136: {  	v31 =	vld [tilespmem:s21+$0x8C40];
	v18 =	vmul.f32 $6.400000000e+01, v18;
	v19 =	vmul.f32 $6.400000000e+01, v19  }
0x137: {  	v49 =	vld [tilespmem:s21+$0x8C50];
	v20 =	vmul.f32 $6.400000000e+01, v20;
	v21 =	vmul.f32 $6.400000000e+01, v21  }
0x138: {  	v50 =	vld [tilespmem:s21+$0x8C60];
	v22 =	vmul.f32 $6.400000000e+01, v22;
	v23 =	vmul.f32 $6.400000000e+01, v23  }
0x139: {  	v24 =	vmul.f32 $6.400000000e+01, v24;
	v25 =	vmul.f32 $6.400000000e+01, v25  }
0x13a: {  	v26 =	vmul.f32 $6.400000000e+01, v26;
	v27 =	vmul.f32 $6.400000000e+01, v27  }
0x13b: {  	v28 =	vmul.f32 $6.400000000e+01, v28;
	v29 =	vmul.f32 $6.400000000e+01, v29  }
0x13c: {  	v30 =	vmul.f32 $6.400000000e+01, v30;
	v31 =	vmul.f32 $6.400000000e+01, v31  }
0x13d: {  	v32 =	vmul.f32 $6.400000000e+01, v49;
	v33 =	vmul.f32 $6.400000000e+01, v50  }
0x13e: {  	v0 =	vtrunc.f32 v0;
	v3 =	vtrunc.f32 v3  }
0x13f: {  	s30 =	simm.s32 $0x80;
	s31 =	simm.s32 $0x200;
	v4 =	vtrunc.f32 v4;
	v5 =	vtrunc.f32 v5  }
0x140: {  	s22 =	sand.u32 $0x7000, s31;
	s21 =	sand.u32 $0x380, s30;
	v6 =	vtrunc.f32 v6;
	v7 =	vtrunc.f32 v7  }
0x141: {  	s21 =	sor.u32 s21, s22;
	v8 =	vtrunc.f32 v8;
	v9 =	vtrunc.f32 v9  }
0x142: {  	v36 =	vld [tilespmem:s21+$0x8000];
	v10 =	vtrunc.f32 v10;
	v11 =	vtrunc.f32 v11  }
0x143: {  	v37 =	vld [tilespmem:s21+$0x8010];
	v12 =	vtrunc.f32 v12;
	v13 =	vtrunc.f32 v13  }
0x144: {  	v38 =	vld [tilespmem:s21+$0x8020];
	v14 =	vtrunc.f32 v14;
	v15 =	vtrunc.f32 v15  }
0x145: {  	v39 =	vld [tilespmem:s21+$0x8030];
	v16 =	vtrunc.f32 v16;
	v17 =	vtrunc.f32 v17  }
0x146: {  	v55 =	vld [tilespmem:s21+$0x8060];
	v18 =	vtrunc.f32 v18;
	v19 =	vtrunc.f32 v19  }
0x147: {  	v40 =	vld [tilespmem:s21+$0x8070];
	v20 =	vtrunc.f32 v20;
	v21 =	vtrunc.f32 v21  }
0x148: {  	v41 =	vld [tilespmem:s21+$0x8400];
	v22 =	vtrunc.f32 v22;
	v23 =	vtrunc.f32 v23  }
0x149: {  	v42 =	vld [tilespmem:s21+$0x8410];
	v24 =	vtrunc.f32 v24;
	v25 =	vtrunc.f32 v25  }
0x14a: {  	v43 =	vld [tilespmem:s21+$0x8420];
	v26 =	vtrunc.f32 v26;
	v27 =	vtrunc.f32 v27  }
0x14b: {  	v44 =	vld [tilespmem:s21+$0x8430];
	v28 =	vtrunc.f32 v28;
	v29 =	vtrunc.f32 v29  }
0x14c: {  	v45 =	vld [tilespmem:s21+$0x8440];
	v30 =	vtrunc.f32 v30;
	v31 =	vtrunc.f32 v31  }
0x14d: {  	v46 =	vld [tilespmem:s21+$0x8450];
	v32 =	vtrunc.f32 v32;
	v33 =	vtrunc.f32 v33  }
0x14e: {  	v47 =	vld [tilespmem:s21+$0x8460];
	v52 =	vmul.f32 $6.400000000e+01, v36;
	v54 =	vmul.f32 $6.400000000e+01, v37  }
0x14f: {  	v48 =	vld [tilespmem:s21+$0x8470];
	v38 =	vmul.f32 $6.400000000e+01, v38;
	v39 =	vmul.f32 $6.400000000e+01, v39  }
0x150: {  	v57 =	vld [tilespmem:s21+$0x8800];
	v37 =	vmul.f32 $6.400000000e+01, v55;
	v40 =	vmul.f32 $6.400000000e+01, v40  }
0x151: {  	v41 =	vmul.f32 $6.400000000e+01, v41;
	v42 =	vmul.f32 $6.400000000e+01, v42  }
0x152: {  	v43 =	vmul.f32 $6.400000000e+01, v43;
	v44 =	vmul.f32 $6.400000000e+01, v44  }
0x153: {  	v56 =	vmul.f32 $6.400000000e+01, v45;
	v46 =	vmul.f32 $6.400000000e+01, v46  }
0x154: {  	v47 =	vmul.f32 $6.400000000e+01, v47;
	v48 =	vmul.f32 $6.400000000e+01, v48  }
0x155: {  	v45 =	vmul.f32 $6.400000000e+01, v57;
	v0 =	vcvt.f32.s32 v0  }
0x156: {  	v3 =	vcvt.f32.s32 v3;
	v4 =	vcvt.f32.s32 v4  }
0x157: {  	v5 =	vcvt.f32.s32 v5;
	v6 =	vcvt.f32.s32 v6  }
0x158: {  	v7 =	vcvt.f32.s32 v7;
	v8 =	vcvt.f32.s32 v8  }
0x159: {  	v9 =	vcvt.f32.s32 v9;
	v10 =	vcvt.f32.s32 v10  }
0x15a: {  	v11 =	vcvt.f32.s32 v11;
	v12 =	vcvt.f32.s32 v12  }
0x15b: {  	v13 =	vcvt.f32.s32 v13;
	v14 =	vcvt.f32.s32 v14  }
0x15c: {  	v15 =	vcvt.f32.s32 v15;
	v16 =	vcvt.f32.s32 v16  }
0x15d: {  	v17 =	vcvt.f32.s32 v17;
	v18 =	vcvt.f32.s32 v18  }
0x15e: {  	v19 =	vcvt.f32.s32 v19;
	v20 =	vcvt.f32.s32 v20  }
0x15f: {  	v21 =	vcvt.f32.s32 v21;
	v22 =	vcvt.f32.s32 v22  }
0x160: {  	v23 =	vcvt.f32.s32 v23;
	v24 =	vcvt.f32.s32 v24  }
0x161: {  	v25 =	vcvt.f32.s32 v25;
	v26 =	vcvt.f32.s32 v26  }
0x162: {  	v27 =	vcvt.f32.s32 v27;
	v28 =	vcvt.f32.s32 v28  }
0x163: {  	v29 =	vcvt.f32.s32 v29;
	v30 =	vcvt.f32.s32 v30  }
0x164: {  	v31 =	vcvt.f32.s32 v31;
	v32 =	vcvt.f32.s32 v32  }
0x165: {  	v33 =	vcvt.f32.s32 v33;
	v36 =	vtrunc.f32 v54  }
0x166: {  	v38 =	vtrunc.f32 v38;
	v39 =	vtrunc.f32 v39  }
0x167: {  	v37 =	vtrunc.f32 v37;
	v40 =	vtrunc.f32 v40  }
0x168: {  	v41 =	vtrunc.f32 v41;
	v43 =	vtrunc.f32 v43  }
0x169: {  	v44 =	vtrunc.f32 v44;
	v46 =	vtrunc.f32 v46  }
0x16a: {  	v47 =	vtrunc.f32 v47;
	v48 =	vtrunc.f32 v48  }
0x16b: {  	v45 =	vtrunc.f32 v45;
	v0 =	vmin.u32 v0, $0x3F;
	v3 =	vmin.u32 v3, $0x3F  }
0x16c: {  	v4 =	vmin.u32 v4, $0x3F;
	v5 =	vmin.u32 v5, $0x3F;
	v6 =	vmin.u32 v6, $0x3F  }
0x16d: {  	v7 =	vmin.u32 v7, $0x3F;
	v8 =	vmin.u32 v8, $0x3F;
	v9 =	vmin.u32 v9, $0x3F  }
0x16e: {  	v10 =	vmin.u32 v10, $0x3F;
	v11 =	vmin.u32 v11, $0x3F;
	v12 =	vmin.u32 v12, $0x3F  }
0x16f: {  	v13 =	vmin.u32 v13, $0x3F;
	v14 =	vmin.u32 v14, $0x3F;
	v15 =	vmin.u32 v15, $0x3F  }
0x170: {  	v49 =	vld [tilespmem:s21+$0x8810];
	v16 =	vmin.u32 v16, $0x3F;
	v17 =	vmin.u32 v17, $0x3F;
	v18 =	vmin.u32 v18, $0x3F  }
0x171: {  	v50 =	vld [tilespmem:s21+$0x8820];
	v19 =	vmin.u32 v19, $0x3F;
	v20 =	vmin.u32 v20, $0x3F;
	v21 =	vmin.u32 v21, $0x3F  }
0x172: {  	v22 =	vmin.u32 v22, $0x3F;
	v23 =	vmin.u32 v23, $0x3F;
	v24 =	vmin.u32 v24, $0x3F  }
0x173: {  	v25 =	vmin.u32 v25, $0x3F;
	v26 =	vmin.u32 v26, $0x3F;
	v27 =	vmin.u32 v27, $0x3F  }
0x174: {  	v28 =	vmin.u32 v28, $0x3F;
	v29 =	vmin.u32 v29, $0x3F;
	v30 =	vmin.u32 v30, $0x3F  }
0x175: {  	v31 =	vmin.u32 v31, $0x3F;
	v32 =	vmin.u32 v32, $0x3F;
	v33 =	vmin.u32 v33, $0x3F  }
0x176: {  	v49 =	vmul.f32 $6.400000000e+01, v49;
	v50 =	vmul.f32 $6.400000000e+01, v50;
	v0 =	vshll.u32 v0, $0x4  }
0x177: {  	v3 =	vshll.u32 v3, $0x4;
	v4 =	vshll.u32 v4, $0x4;
	v51 =	vshll.u32 v5, $0x4  }
0x178: {  	v35 =	vshll.u32 v6, $0x4;
	v7 =	vshll.u32 v7, $0x4;
	v8 =	vshll.u32 v8, $0x4  }
0x179: {  	v9 =	vshll.u32 v9, $0x4;
	v10 =	vshll.u32 v10, $0x4;
	v11 =	vshll.u32 v11, $0x4  }
0x17a: {  	v18 =	vshll.u32 v18, $0x4;
	v19 =	vshll.u32 v19, $0x4;
	v20 =	vshll.u32 v20, $0x4  }
0x17b: {  	v21 =	vshll.u32 v21, $0x4;
	v22 =	vshll.u32 v22, $0x4;
	v23 =	vshll.u32 v23, $0x4  }
0x17c: {  	v53 =	vld [tilespmem:s21+$0x8050];
	v24 =	vshll.u32 v24, $0x4;
	v25 =	vshll.u32 v25, $0x4;
	v26 =	vshll.u32 v26, $0x4  }
0x17d: {  	v27 =	vshll.u32 v27, $0x4;
	v28 =	vshll.u32 v28, $0x4;
	v29 =	vshll.u32 v29, $0x4  }
0x17e: {  	v6 =	vshll.u32 v30, $0x4;
	v5 =	vshll.u32 v31, $0x4;
	v0 =	vor.u32 v1, v0  }
0x17f: {  	v3 =	vor.u32 v1, v3;
	v31 =	vor.u32 v1, v4;
	v4 =	vshll.u32 v33, $0x4  }
0x180: {  	v55 =	vld [tilespmem:s21+$0x8870];
	v34 =	vor.u32 v1, v51;
	v35 =	vor.u32 v1, v35;
	v7 =	vor.u32 v1, v7  }
0x181: {  	v54 =	vld [tilespmem:s21+$0x8860];
	v8 =	vor.u32 v1, v8;
	v9 =	vor.u32 v1, v9;
	v33 =	vmul.f32 $6.400000000e+01, v53  }
0x182: {  	v57 =	vld [tilespmem:s21+$0x8C10];
	v10 =	vor.u32 v1, v10;
	v11 =	vor.u32 v1, v11;
	v18 =	vor.u32 v1, v18  }
0x183: {  	v58 =	vld [tilespmem:s21+$0x8C20];
	v19 =	vor.u32 v1, v19;
	v20 =	vor.u32 v1, v20;
	v21 =	vor.u32 v1, v21  }
0x184: {  	v59 =	vld [tilespmem:s21+$0x8C30];
	v22 =	vor.u32 v1, v22;
	v49 =	vtrunc.f32 v49;
	v50 =	vtrunc.f32 v50  }
0x185: {  	v30 =	vld [tilespmem:s21+$0x8040];
	v23 =	vor.u32 v1, v23;
	v55 =	vmul.f32 $6.400000000e+01, v55;
	v61 =	vor.u32 v1, v24  }
0x186: {  	v51 =	vld [tilespmem:s21+$0x8830];
	v62 =	vor.u32 v1, v25;
	v33 =	vtrunc.f32 v33;
	v54 =	vmul.f32 $6.400000000e+01, v54  }
0x187: {  	v53 =	vld [tilespmem:s21+$0x8850];
	v63 =	vor.u32 v1, v26;
	v25 =	vtrunc.f32 v55;
	v55 =	vmul.f32 $6.400000000e+01, v57  }
0x188: {  	[tilespmem:v0+s20+$0x0] =	vst.idx.add.f32.msk $0xffff, v2;
	v0 =	vshll.u32 v12, $0x4;
	v12 =	vshll.u32 v13, $0x4;
	v13 =	vshll.u32 v14, $0x4  }
0x189: {  	v14 =	vshll.u32 v15, $0x4;
	v15 =	vshll.u32 v16, $0x4;
	v16 =	vshll.u32 v17, $0x4;
	v17 =	vld [tilespmem:s21+$0x8C70]  }
0x18a: {  	v27 =	vor.u32 v1, v27;
	v30 =	vmul.f32 $6.400000000e+01, v30;
	v24 =	vtrunc.f32 v54;
	[tilespmem:v3+s20+$0x0] =	vst.idx.add.f32.msk $0xffff, v2  }
0x18b: {  	v3 =	vshll.u32 v32, $0x4;
	v32 =	vtrunc.f32 v52;
	v51 =	vmul.f32 $6.400000000e+01, v51;
	[tilespmem:v8+s20+$0x0] =	vst.idx.add.f32.msk $0xffff, v2  }
0x18c: {  	v28 =	vor.u32 v1, v28;
	v53 =	vmul.f32 $6.400000000e+01, v53;
	v8 =	vcvt.f32.s32 v38;
	[tilespmem:v10+s20+$0x0] =	vst.idx.add.f32.msk $0xffff, v2  }
0x18d: {  	v29 =	vor.u32 v1, v29;
	v10 =	vcvt.f32.s32 v37;
	[tilespmem:v11+s20+$0x0] =	vst.idx.add.f32.msk $0xffff, v2;
	v11 =	vcvt.f32.s32 v41  }
0x18e: {  	v60 =	vld [tilespmem:s21+$0x8C40];
	v4 =	vor.u32 v1, v4;
	v41 =	vcvt.f32.s32 v45;
	v17 =	vmul.f32 $6.400000000e+01, v17  }
0x18f: {  	v52 =	vld [tilespmem:s21+$0x8840];
	v30 =	vtrunc.f32 v30;
	v12 =	vor.u32 v1, v12;
	v32 =	vcvt.f32.s32 v32  }
0x190: {  	v57 =	vld [tilespmem:s21+$0x8C60];
	v13 =	vor.u32 v1, v13;
	v14 =	vor.u32 v1, v14;
	v17 =	vtrunc.f32 v17  }
0x191: {  	[tilespmem:v31+s20+$0x0] =	vst.idx.add.f32.msk $0xffff, v2;
	v15 =	vor.u32 v1, v15;
	v32 =	vmin.u32 v32, $0x3F;
	v17 =	vcvt.f32.s32 v17  }
0x192: {  	[tilespmem:v35+s20+$0x0] =	vst.idx.add.f32.msk $0xffff, v2;
	v51 =	vtrunc.f32 v51;
	v53 =	vtrunc.f32 v53;
	v32 =	vshll.u32 v32, $0x4  }
0x193: {  	[tilespmem:v9+s20+$0x0] =	vst.idx.add.f32.msk $0xffff, v2;
	v9 =	vcvt.f32.s32 v30;
	v32 =	vor.u32 v1, v32;
	v17 =	vmin.u32 v17, $0x3F  }
0x194: {  	v30 =	vmin.u32 v8, $0x3F;
	v52 =	vmul.f32 $6.400000000e+01, v52;
	[tilespmem:v12+s20+$0x0] =	vst.idx.add.f32.msk $0xffff, v2;
	v17 =	vshll.u32 v17, $0x4  }
0x195: {  	v8 =	vcvt.f32.s32 v33;
	v12 =	vcvt.f32.s32 v44;
	[tilespmem:v13+s20+$0x0] =	vst.idx.add.f32.msk $0xffff, v2;
	v17 =	vor.u32 v1, v17  }
0x196: {  	v35 =	vor.u32 v1, v6;
	v13 =	vcvt.f32.s32 v47;
	[tilespmem:v14+s20+$0x0] =	vst.idx.add.f32.msk $0xffff, v2;
	v52 =	vtrunc.f32 v52  }
0x197: {  	v0 =	vor.u32 v1, v0;
	v14 =	vcvt.f32.s32 v48;
	[tilespmem:v15+s20+$0x0] =	vst.idx.add.f32.msk $0xffff, v2;
	v52 =	vcvt.f32.s32 v52  }
0x198: {  	v15 =	vmin.u32 v12, $0x3F;
	v12 =	vcvt.f32.s32 v25;
	[tilespmem:v32+s20+$0x0] =	vst.idx.add.f32.msk $0xffff, v2;
	v32 =	vmul.f32 $6.400000000e+01, v58  }
0x199: {  	[tilespmem:v34+s20+$0x0] =	vst.idx.add.f32.msk $0xffff, v2;
	v16 =	vor.u32 v1, v16;
	v58 =	vmul.f32 $6.400000000e+01, v59;
	v59 =	vmul.f32 $6.400000000e+01, v60  }
0x19a: {  	v3 =	vor.u32 v1, v3;
	v60 =	vmul.f32 $6.400000000e+01, v57;
	v31 =	vtrunc.f32 v32;
	[tilespmem:v17+s20+$0x0] =	vst.idx.add.f32.msk $0xffff, v2  }
0x19b: {  	v38 =	vmin.u32 v8, $0x3F;
	v17 =	vtrunc.f32 v42;
	v42 =	vtrunc.f32 v56;
	v56 =	vld [tilespmem:s21+$0x8C00]  }
0x19c: {  	[tilespmem:v29+s20+$0x0] =	vst.idx.add.f32.msk $0xffff, v2;
	v29 =	vshll.u32 v38, $0x4;
	v34 =	vtrunc.f32 v58;
	v6 =	vtrunc.f32 v59  }
0x19d: {  	[tilespmem:v0+s20+$0x0] =	vst.idx.add.f32.msk $0xffff, v2;
	v0 =	vmin.u32 v9, $0x3F;
	v32 =	vtrunc.f32 v60;
	v31 =	vcvt.f32.s32 v31  }
0x19e: {  	v25 =	vmin.u32 v41, $0x3F;
	v34 =	vcvt.f32.s32 v34;
	v59 =	vcvt.f32.s32 v6  }
0x19f: {  	[tilespmem:v19+s20+$0x0] =	vst.idx.add.f32.msk $0xffff, v2;
	v19 =	vmin.u32 v52, $0x3F;
	v32 =	vcvt.f32.s32 v32;
	v9 =	vcvt.f32.s32 v17  }
0x1a0: {  	v6 =	vmin.u32 v34, $0x3F;
	v17 =	vcvt.f32.s32 v43;
	v54 =	vmul.f32 $6.400000000e+01, v56;
	v56 =	vld [tilespmem:s21+$0x8C50]  }
0x1a1: {  	[tilespmem:v23+s20+$0x0] =	vst.idx.add.f32.msk $0xffff, v2;
	v60 =	vcvt.f32.s32 v42;
	v42 =	vmin.u32 v11, $0x3F;
	v11 =	vcvt.f32.s32 v49  }
0x1a2: {  	[tilespmem:v27+s20+$0x0] =	vst.idx.add.f32.msk $0xffff, v2;
	v43 =	vcvt.f32.s32 v50;
	v27 =	vshll.u32 v42, $0x4;
	v8 =	vmin.u32 v17, $0x3F  }
0x1a3: {  	[tilespmem:v16+s20+$0x0] =	vst.idx.add.f32.msk $0xffff, v2;
	v17 =	vcvt.f32.s32 v53;
	v16 =	vmin.u32 v60, $0x3F;
	v23 =	vmin.u32 v11, $0x3F  }
0x1a4: {  	[tilespmem:v22+s20+$0x0] =	vst.idx.add.f32.msk $0xffff, v2;
	v22 =	vmin.u32 v43, $0x3F;
	v26 =	vtrunc.f32 v54;
	v54 =	vtrunc.f32 v55  }
0x1a5: {  	[tilespmem:v18+s20+$0x0] =	vst.idx.add.f32.msk $0xffff, v2;
	v18 =	vmin.u32 v17, $0x3F;
	v58 =	vcvt.f32.s32 v54;
	v55 =	vmul.f32 $6.400000000e+01, v56  }
0x1a6: {  	v57 =	vcvt.f32.s32 v26;
	v56 =	vor.u32 v1, v5;
	v5 =	vcvt.f32.s32 v36  }
0x1a7: {  	[tilespmem:v7+s20+$0x0] =	vst.idx.add.f32.msk $0xffff, v2;
	v26 =	vmin.u32 v14, $0x3F;
	v14 =	vmin.u32 v58, $0x3F;
	v7 =	vtrunc.f32 v55  }
0x1a8: {  	v36 =	vmin.u32 v5, $0x3F;
	v5 =	vcvt.f32.s32 v39;
	v39 =	vmin.u32 v10, $0x3F  }
0x1a9: {  	[tilespmem:v20+s20+$0x0] =	vst.idx.add.f32.msk $0xffff, v2;
	v10 =	vcvt.f32.s32 v46;
	v55 =	vcvt.f32.s32 v24;
	v24 =	vmin.u32 v13, $0x3F  }
0x1aa: {  	[tilespmem:v21+s20+$0x0] =	vst.idx.add.f32.msk $0xffff, v2;
	v13 =	vmin.u32 v59, $0x3F;
	v60 =	vcvt.f32.s32 v7;
	v7 =	vmin.u32 v31, $0x3F  }
0x1ab: {  	[tilespmem:v61+s20+$0x0] =	vst.idx.add.f32.msk $0xffff, v2;
	v33 =	vshll.u32 v36, $0x4;
	v31 =	vshll.u32 v30, $0x4;
	v30 =	vshll.u32 v39, $0x4  }
0x1ac: {  	[tilespmem:v62+s20+$0x0] =	vst.idx.add.f32.msk $0xffff, v2;
	v37 =	vmin.u32 v5, $0x3F;
	v5 =	vcvt.f32.s32 v40;
	v20 =	vmin.u32 v10, $0x3F  }
0x1ad: {  	[tilespmem:v63+s20+$0x0] =	vst.idx.add.f32.msk $0xffff, v2;
	v17 =	vmin.u32 v55, $0x3F;
	v10 =	vmin.u32 v12, $0x3F;
	v12 =	vmin.u32 v32, $0x3F  }
0x1ae: {  	[tilespmem:v28+s20+$0x0] =	vst.idx.add.f32.msk $0xffff, v2;
	v40 =	vmin.u32 v5, $0x3F;
	v5 =	vmin.u32 v9, $0x3F;
	v9 =	vcvt.f32.s32 v51  }
0x1af: {  	[tilespmem:v35+s20+$0x0] =	vst.idx.add.f32.msk $0xffff, v2;
	v32 =	vshll.u32 v0, $0x4;
	v11 =	vmin.u32 v60, $0x3F;
	v34 =	vshll.u32 v37, $0x4  }
0x1b0: {  	s23 =	simm.s32 $0x400;
	s22 =	simm.s32 $0x100;
	s21 =	simm.s32 $0x20;
	[tilespmem:v56+s20+$0x0] =	vst.idx.add.f32.msk $0xffff, v2;
	v28 =	vshll.u32 v40, $0x4;
	v21 =	vmin.u32 v9, $0x3F;
	v9 =	vmin.u32 v57, $0x3F  }
.LBB2_7:
0x1b1: {  	s24 =	sand.u32 $0x7000, s23;
	s25 =	sand.u32 $0x380, s22;
	s21 =	sadd.s32 $0x20, s21;
	v0 =	vshll.u32 v5, $0x4;
	v35 =	vshll.u32 v8, $0x4;
	v36 =	vshll.u32 v15, $0x4;
	[tilespmem:v3+s20+$0x0] =	vst.idx.add.f32.msk $0xffff, v2  }
0x1b2: {  	v37 =	vshll.u32 v16, $0x4;
	v40 =	vshll.u32 v20, $0x4;
	v41 =	vshll.u32 v24, $0x4;
	s24 =	sor.u32 s25, s24;
	p0 =	slt.u32 s21, $0x7E0;
	[tilespmem:v4+s20+$0x0] =	vst.idx.add.f32.msk $0xffff, v2  }
0x1b3: {  	v42 =	vshll.u32 v26, $0x4;
	v43 =	vshll.u32 v25, $0x4;
	v44 =	vshll.u32 v23, $0x4;
	v4 =	vld [tilespmem:s24+$0x8C70]  }
0x1b4: {  	v45 =	vshll.u32 v22, $0x4;
	v46 =	vshll.u32 v21, $0x4;
	v22 =	vshll.u32 v19, $0x4;
	v20 =	vld [tilespmem:s24+$0x8000]  }
0x1b5: {  	v18 =	vshll.u32 v18, $0x4;
	v15 =	vshll.u32 v17, $0x4;
	v10 =	vshll.u32 v10, $0x4;
	v19 =	vld [tilespmem:s24+$0x8010]  }
0x1b6: {  	v9 =	vshll.u32 v9, $0x4;
	v8 =	vshll.u32 v14, $0x4;
	v7 =	vshll.u32 v7, $0x4;
	v21 =	vld [tilespmem:s24+$0x8020]  }
0x1b7: {  	v6 =	vshll.u32 v6, $0x4;
	v5 =	vshll.u32 v13, $0x4;
	v3 =	vshll.u32 v11, $0x4;
	v14 =	vld [tilespmem:s24+$0x8030]  }
0x1b8: {  	v16 =	vor.u32 v1, v33;
	v23 =	vld [tilespmem:s24+$0x8040];
	v13 =	vmul.f32 $6.400000000e+01, v4;
	v4 =	vshll.u32 v12, $0x4  }
0x1b9: {  	v17 =	vor.u32 v1, v31;
	v11 =	vor.u32 v1, v34;
	v20 =	vmul.f32 $6.400000000e+01, v20;
	v24 =	vld [tilespmem:s24+$0x8050]  }
0x1ba: {  	v12 =	vor.u32 v1, v32;
	v19 =	vmul.f32 $6.400000000e+01, v19;
	v25 =	vld [tilespmem:s24+$0x8060];
	v13 =	vtrunc.f32 v13  }
0x1bb: {  	v21 =	vmul.f32 $6.400000000e+01, v21;
	v26 =	vld [tilespmem:s24+$0x8070];
	v31 =	vcvt.f32.s32 v13;
	v13 =	vor.u32 v1, v29  }
0x1bc: {  	v47 =	vtrunc.f32 v20;
	v29 =	vmul.f32 $6.400000000e+01, v14;
	v32 =	vld [tilespmem:s24+$0x8400];
	v14 =	vor.u32 v1, v30  }
0x1bd: {  	v20 =	vtrunc.f32 v19;
	v23 =	vmul.f32 $6.400000000e+01, v23;
	v30 =	vld [tilespmem:s24+$0x8410];
	v19 =	vmin.u32 v31, $0x3F  }
0x1be: {  	v21 =	vtrunc.f32 v21;
	v24 =	vmul.f32 $6.400000000e+01, v24;
	v31 =	vld [tilespmem:s24+$0x8420];
	v33 =	vshll.u32 v19, $0x4  }
0x1bf: {  	v19 =	vtrunc.f32 v29;
	v29 =	vmul.f32 $6.400000000e+01, v25;
	v34 =	vld [tilespmem:s24+$0x8430];
	v33 =	vor.u32 v1, v33  }
0x1c0: {  	v23 =	vtrunc.f32 v23;
	v25 =	vor.u32 v1, v28;
	v39 =	vmul.f32 $6.400000000e+01, v26;
	v48 =	vld [tilespmem:s24+$0x8440]  }
0x1c1: {  	v24 =	vtrunc.f32 v24;
	v26 =	vor.u32 v1, v27;
	v32 =	vmul.f32 $6.400000000e+01, v32;
	v49 =	vld [tilespmem:s24+$0x8450]  }
0x1c2: {  	v27 =	vor.u32 v1, v0;
	v38 =	vtrunc.f32 v29;
	v30 =	vmul.f32 $6.400000000e+01, v30;
	v50 =	vld [tilespmem:s24+$0x8460]  }
0x1c3: {  	v28 =	vor.u32 v1, v35;
	v39 =	vtrunc.f32 v39;
	v0 =	vmul.f32 $6.400000000e+01, v31;
	v51 =	vld [tilespmem:s24+$0x8470]  }
0x1c4: {  	v29 =	vor.u32 v1, v36;
	v52 =	vtrunc.f32 v32;
	v32 =	vmul.f32 $6.400000000e+01, v34;
	[tilespmem:v33+s20+$0x0] =	vst.idx.add.f32.msk $0xffff, v2  }
0x1c5: {  	v53 =	vtrunc.f32 v30;
	v30 =	vor.u32 v1, v37;
	v33 =	vmul.f32 $6.400000000e+01, v48;
	v35 =	vld [tilespmem:s24+$0x8800]  }
0x1c6: {  	v31 =	vor.u32 v1, v40;
	v0 =	vtrunc.f32 v0;
	v34 =	vmul.f32 $6.400000000e+01, v49;
	v36 =	vld [tilespmem:s24+$0x8810]  }
0x1c7: {  	v40 =	vtrunc.f32 v32;
	v32 =	vor.u32 v1, v41;
	v37 =	vmul.f32 $6.400000000e+01, v50;
	v48 =	vld [tilespmem:s24+$0x8820]  }
0x1c8: {  	v41 =	vtrunc.f32 v33;
	v33 =	vor.u32 v1, v42;
	v49 =	vmul.f32 $6.400000000e+01, v51;
	v50 =	vld [tilespmem:s24+$0x8830]  }
0x1c9: {  	v42 =	vtrunc.f32 v34;
	v34 =	vor.u32 v1, v43;
	v51 =	vtrunc.f32 v37;
	v54 =	vld [tilespmem:s24+$0x8840]  }
0x1ca: {  	v43 =	vtrunc.f32 v49;
	v37 =	vmul.f32 $6.400000000e+01, v35;
	v49 =	vld [tilespmem:s24+$0x8850];
	v35 =	vor.u32 v1, v44  }
0x1cb: {  	v44 =	vcvt.f32.s32 v47;
	v47 =	vmul.f32 $6.400000000e+01, v36;
	v55 =	vld [tilespmem:s24+$0x8860];
	v36 =	vor.u32 v1, v45  }
0x1cc: {  	v45 =	vtrunc.f32 v37;
	v48 =	vmul.f32 $6.400000000e+01, v48;
	v56 =	vld [tilespmem:s24+$0x8870];
	v37 =	vor.u32 v1, v46  }
0x1cd: {  	v44 =	vmin.u32 v44, $0x3F;
	v46 =	vtrunc.f32 v47;
	v47 =	vmul.f32 $6.400000000e+01, v50;
	v50 =	vld [tilespmem:s24+$0x8C00]  }
0x1ce: {  	v44 =	vshll.u32 v44, $0x4;
	v48 =	vtrunc.f32 v48;
	v54 =	vmul.f32 $6.400000000e+01, v54;
	v57 =	vld [tilespmem:s24+$0x8C10]  }
0x1cf: {  	v44 =	vor.u32 v1, v44;
	v47 =	vtrunc.f32 v47;
	v49 =	vmul.f32 $6.400000000e+01, v49;
	v58 =	vld [tilespmem:s24+$0x8C20]  }
0x1d0: {  	v22 =	vor.u32 v1, v22;
	v54 =	vtrunc.f32 v54;
	v55 =	vmul.f32 $6.400000000e+01, v55;
	v59 =	vld [tilespmem:s24+$0x8C30]  }
0x1d1: {  	v18 =	vor.u32 v1, v18;
	v49 =	vtrunc.f32 v49;
	v56 =	vmul.f32 $6.400000000e+01, v56;
	v60 =	vld [tilespmem:s24+$0x8C40]  }
0x1d2: {  	v62 =	vor.u32 v1, v15;
	v55 =	vtrunc.f32 v55;
	v50 =	vmul.f32 $6.400000000e+01, v50;
	v61 =	vld [tilespmem:s24+$0x8C50]  }
0x1d3: {  	v63 =	vor.u32 v1, v10;
	v56 =	vtrunc.f32 v56;
	v15 =	vmul.f32 $6.400000000e+01, v57;
	v57 =	vld [tilespmem:s24+$0x8C60]  }
0x1d4: {  	[tilespmem:v44+s20+$0x0] =	vst.idx.add.f32.msk $0xffff, v2;
	v10 =	vtrunc.f32 v50;
	v44 =	vmul.f32 $6.400000000e+01, v58;
	v50 =	vor.u32 v1, v9  }
0x1d5: {  	v58 =	vor.u32 v1, v8;
	v9 =	vtrunc.f32 v15;
	v15 =	vmul.f32 $6.400000000e+01, v59;
	[tilespmem:v16+s20+$0x0] =	vst.idx.add.f32.msk $0xffff, v2  }
0x1d6: {  	v59 =	vor.u32 v1, v7;
	v44 =	vtrunc.f32 v44;
	v8 =	vmul.f32 $6.400000000e+01, v60;
	[tilespmem:v17+s20+$0x0] =	vst.idx.add.f32.msk $0xffff, v2  }
0x1d7: {  	v60 =	vor.u32 v1, v6;
	v7 =	vtrunc.f32 v15;
	v15 =	vmul.f32 $6.400000000e+01, v61;
	[tilespmem:v11+s20+$0x0] =	vst.idx.add.f32.msk $0xffff, v2  }
0x1d8: {  	v6 =	vtrunc.f32 v8;
	v8 =	vmul.f32 $6.400000000e+01, v57;
	[tilespmem:v12+s20+$0x0] =	vst.idx.add.f32.msk $0xffff, v2;
	v57 =	vor.u32 v1, v5  }
0x1d9: {  	v3 =	vor.u32 v1, v3;
	v5 =	vcvt.f32.s32 v20;
	v11 =	vtrunc.f32 v15;
	[tilespmem:v13+s20+$0x0] =	vst.idx.add.f32.msk $0xffff, v2  }
0x1da: {  	v4 =	vor.u32 v1, v4;
	v12 =	vcvt.f32.s32 v21;
	v13 =	vtrunc.f32 v8;
	[tilespmem:v14+s20+$0x0] =	vst.idx.add.f32.msk $0xffff, v2  }
0x1db: {  	v61 =	vmin.u32 v5, $0x3F;
	v5 =	vcvt.f32.s32 v19;
	v8 =	vcvt.f32.s32 v23;
	[tilespmem:v25+s20+$0x0] =	vst.idx.add.f32.msk $0xffff, v2  }
0x1dc: {  	v15 =	vcvt.f32.s32 v38;
	v12 =	vmin.u32 v12, $0x3F;
	v14 =	vcvt.f32.s32 v24;
	[tilespmem:v26+s20+$0x0] =	vst.idx.add.f32.msk $0xffff, v2  }
0x1dd: {  	v16 =	vcvt.f32.s32 v52;
	v38 =	vmin.u32 v5, $0x3F;
	v5 =	vcvt.f32.s32 v39;
	[tilespmem:v27+s20+$0x0] =	vst.idx.add.f32.msk $0xffff, v2  }
0x1de: {  	v0 =	vcvt.f32.s32 v0;
	v27 =	vmin.u32 v8, $0x3F;
	v8 =	vcvt.f32.s32 v53;
	[tilespmem:v28+s20+$0x0] =	vst.idx.add.f32.msk $0xffff, v2  }
0x1df: {  	v17 =	vcvt.f32.s32 v41;
	v28 =	vmin.u32 v14, $0x3F;
	v14 =	vcvt.f32.s32 v40;
	[tilespmem:v29+s20+$0x0] =	vst.idx.add.f32.msk $0xffff, v2  }
0x1e0: {  	v21 =	vcvt.f32.s32 v51;
	v19 =	vcvt.f32.s32 v42;
	v39 =	vmin.u32 v15, $0x3F;
	[tilespmem:v30+s20+$0x0] =	vst.idx.add.f32.msk $0xffff, v2  }
0x1e1: {  	v23 =	vcvt.f32.s32 v43;
	v25 =	vcvt.f32.s32 v45;
	v40 =	vmin.u32 v5, $0x3F;
	[tilespmem:v31+s20+$0x0] =	vst.idx.add.f32.msk $0xffff, v2  }
0x1e2: {  	v41 =	vmin.u32 v16, $0x3F;
	v29 =	vcvt.f32.s32 v46;
	v30 =	vcvt.f32.s32 v48;
	[tilespmem:v32+s20+$0x0] =	vst.idx.add.f32.msk $0xffff, v2  }
0x1e3: {  	v5 =	vmin.u32 v8, $0x3F;
	v31 =	vcvt.f32.s32 v47;
	v32 =	vcvt.f32.s32 v54;
	[tilespmem:v33+s20+$0x0] =	vst.idx.add.f32.msk $0xffff, v2  }
0x1e4: {  	v8 =	vmin.u32 v0, $0x3F;
	v0 =	vcvt.f32.s32 v49;
	v33 =	vcvt.f32.s32 v55;
	[tilespmem:v34+s20+$0x0] =	vst.idx.add.f32.msk $0xffff, v2  }
0x1e5: {  	v15 =	vmin.u32 v14, $0x3F;
	v14 =	vcvt.f32.s32 v56;
	v34 =	vcvt.f32.s32 v10;
	[tilespmem:v35+s20+$0x0] =	vst.idx.add.f32.msk $0xffff, v2  }
0x1e6: {  	v16 =	vmin.u32 v17, $0x3F;
	v42 =	vcvt.f32.s32 v44;
	v35 =	vcvt.f32.s32 v9;
	[tilespmem:v36+s20+$0x0] =	vst.idx.add.f32.msk $0xffff, v2  }
0x1e7: {  	v43 =	vcvt.f32.s32 v6;
	v20 =	vmin.u32 v19, $0x3F;
	v36 =	vcvt.f32.s32 v7;
	[tilespmem:v37+s20+$0x0] =	vst.idx.add.f32.msk $0xffff, v2  }
0x1e8: {  	v24 =	vmin.u32 v21, $0x3F;
	v11 =	vcvt.f32.s32 v11;
	v37 =	vcvt.f32.s32 v13;
	[tilespmem:v22+s20+$0x0] =	vst.idx.add.f32.msk $0xffff, v2  }
0x1e9: {  	v26 =	vmin.u32 v23, $0x3F;
	v25 =	vmin.u32 v25, $0x3F;
	v23 =	vmin.u32 v29, $0x3F;
	[tilespmem:v18+s20+$0x0] =	vst.idx.add.f32.msk $0xffff, v2  }
0x1ea: {  	v21 =	vmin.u32 v31, $0x3F;
	v19 =	vmin.u32 v32, $0x3F;
	v22 =	vmin.u32 v30, $0x3F;
	[tilespmem:v62+s20+$0x0] =	vst.idx.add.f32.msk $0xffff, v2  }
0x1eb: {  	v10 =	vmin.u32 v14, $0x3F;
	v17 =	vmin.u32 v33, $0x3F;
	v18 =	vmin.u32 v0, $0x3F;
	[tilespmem:v63+s20+$0x0] =	vst.idx.add.f32.msk $0xffff, v2  }
.Ltmp2:
0x1ec: {  	v9 =	vmin.u32 v34, $0x3F;
	v7 =	vmin.u32 v42, $0x3F;
	v14 =	vmin.u32 v35, $0x3F;
	[tilespmem:v50+s20+$0x0] =	vst.idx.add.f32.msk $0xffff, v2;
	(pc) =	sbr.rel @p0 .LBB2_7-.Ltmp2, $4  }
0x1ed: {  	v11 =	vmin.u32 v11, $0x3F;
	v13 =	vmin.u32 v43, $0x3F;
	v6 =	vmin.u32 v36, $0x3F;
	[tilespmem:v58+s20+$0x0] =	vst.idx.add.f32.msk $0xffff, v2  }
0x1ee: {  	v31 =	vshll.u32 v12, $0x4;
	v33 =	vshll.u32 v61, $0x4;
	v12 =	vmin.u32 v37, $0x3F;
	[tilespmem:v59+s20+$0x0] =	vst.idx.add.f32.msk $0xffff, v2  }
0x1ef: {  	v29 =	vshll.u32 v28, $0x4;
	v32 =	vshll.u32 v27, $0x4;
	v34 =	vshll.u32 v38, $0x4;
	[tilespmem:v60+s20+$0x0] =	vst.idx.add.f32.msk $0xffff, v2  }
0x1f0: {  	s22 =	sadd.s32 $0x80, s22;
	s23 =	sadd.s32 $0x200, s23;
	v28 =	vshll.u32 v40, $0x4;
	v27 =	vshll.u32 v41, $0x4;
	v30 =	vshll.u32 v39, $0x4;
	[tilespmem:v57+s20+$0x0] =	vst.idx.add.f32.msk $0xffff, v2  }
0x1f1: {  	_ = 	snop  }
0x1f2: {  	v0 =	vor.u32 v1, v33  }
0x1f3: {  	v31 =	vor.u32 v1, v31  }
0x1f4: {  	v47 =	vor.u32 v1, v34  }
0x1f5: {  	[tilespmem:v3+s20+$0x0] =	vst.idx.add.f32.msk $0xffff, v2;
	v3 =	vor.u32 v1, v32  }
0x1f6: {  	[tilespmem:v4+s20+$0x0] =	vst.idx.add.f32.msk $0xffff, v2;
	v48 =	vor.u32 v1, v29  }
0x1f7: {  	v49 =	vor.u32 v1, v30;
	[tilespmem:v0+s20+$0x0] =	vst.idx.add.f32.msk $0xffff, v2  }
0x1f8: {  	v5 =	vshll.u32 v5, $0x4;
	v27 =	vor.u32 v1, v27;
	[tilespmem:v31+s20+$0x0] =	vst.idx.add.f32.msk $0xffff, v2  }
0x1f9: {  	v8 =	vshll.u32 v8, $0x4;
	v5 =	vor.u32 v1, v5;
	[tilespmem:v47+s20+$0x0] =	vst.idx.add.f32.msk $0xffff, v2  }
0x1fa: {  	v50 =	vshll.u32 v16, $0x4;
	v8 =	vor.u32 v1, v8;
	[tilespmem:v3+s20+$0x0] =	vst.idx.add.f32.msk $0xffff, v2  }
0x1fb: {  	v52 =	vshll.u32 v26, $0x4;
	v4 =	vor.u32 v1, v50;
	[tilespmem:v48+s20+$0x0] =	vst.idx.add.f32.msk $0xffff, v2  }
0x1fc: {  	v16 =	vor.u32 v1, v52;
	[tilespmem:v49+s20+$0x0] =	vst.idx.add.f32.msk $0xffff, v2  }
0x1fd: {  	v57 =	vshll.u32 v17, $0x4;
	v0 =	vor.u32 v1, v28;
	[tilespmem:v27+s20+$0x0] =	vst.idx.add.f32.msk $0xffff, v2  }
0x1fe: {  	v6 =	vshll.u32 v6, $0x4;
	v59 =	vor.u32 v1, v57;
	[tilespmem:v5+s20+$0x0] =	vst.idx.add.f32.msk $0xffff, v2  }
0x1ff: {  	v62 =	vshll.u32 v11, $0x4;
	v6 =	vor.u32 v1, v6;
	[tilespmem:v8+s20+$0x0] =	vst.idx.add.f32.msk $0xffff, v2  }
0x200: {  	v61 =	vshll.u32 v7, $0x4;
	v7 =	vor.u32 v1, v62;
	v3 =	vshll.u32 v15, $0x4;
	[tilespmem:v4+s20+$0x0] =	vst.idx.add.f32.msk $0xffff, v2  }
0x201: {  	v53 =	vshll.u32 v25, $0x4;
	v3 =	vor.u32 v1, v3;
	[tilespmem:v16+s20+$0x0] =	vst.idx.add.f32.msk $0xffff, v2  }
0x202: {  	v5 =	vor.u32 v1, v53;
	[tilespmem:v0+s20+$0x0] =	vst.idx.add.f32.msk $0xffff, v2;
	v0 =	vshll.u32 v24, $0x4  }
0x203: {  	v51 =	vshll.u32 v20, $0x4;
	[tilespmem:v59+s20+$0x0] =	vst.idx.add.f32.msk $0xffff, v2;
	v0 =	vor.u32 v1, v0  }
0x204: {  	v54 =	vshll.u32 v23, $0x4;
	v15 =	vor.u32 v1, v51;
	[tilespmem:v6+s20+$0x0] =	vst.idx.add.f32.msk $0xffff, v2  }
0x205: {  	v55 =	vshll.u32 v21, $0x4;
	v8 =	vor.u32 v1, v54;
	[tilespmem:v7+s20+$0x0] =	vst.idx.add.f32.msk $0xffff, v2  }
0x206: {  	v58 =	vshll.u32 v10, $0x4;
	v4 =	vor.u32 v1, v55;
	[tilespmem:v3+s20+$0x0] =	vst.idx.add.f32.msk $0xffff, v2  }
0x207: {  	v3 =	vshll.u32 v22, $0x4;
	[tilespmem:v5+s20+$0x0] =	vst.idx.add.f32.msk $0xffff, v2;
	v5 =	vor.u32 v1, v58  }
0x208: {  	v3 =	vor.u32 v1, v3;
	[tilespmem:v0+s20+$0x0] =	vst.idx.add.f32.msk $0xffff, v2;
	v0 =	vshll.u32 v18, $0x4  }
0x209: {  	v56 =	vshll.u32 v19, $0x4;
	[tilespmem:v15+s20+$0x0] =	vst.idx.add.f32.msk $0xffff, v2;
	v0 =	vor.u32 v1, v0  }
0x20a: {  	v60 =	vshll.u32 v9, $0x4;
	v15 =	vor.u32 v1, v56;
	[tilespmem:v8+s20+$0x0] =	vst.idx.add.f32.msk $0xffff, v2  }
0x20b: {  	v8 =	vor.u32 v1, v60;
	[tilespmem:v4+s20+$0x0] =	vst.idx.add.f32.msk $0xffff, v2  }
0x20c: {  	v63 =	vshll.u32 v12, $0x4;
	v4 =	vor.u32 v1, v61;
	[tilespmem:v5+s20+$0x0] =	vst.idx.add.f32.msk $0xffff, v2  }
0x20d: {  	v5 =	vor.u32 v1, v63;
	[tilespmem:v3+s20+$0x0] =	vst.idx.add.f32.msk $0xffff, v2;
	v3 =	vshll.u32 v14, $0x4  }
0x20e: {  	s19 =	sadd.s32 $0x1, s19;
	v3 =	vor.u32 v1, v3;
	[tilespmem:v0+s20+$0x0] =	vst.idx.add.f32.msk $0xffff, v2;
	v0 =	vshll.u32 v13, $0x4  }
0x20f: {  	p0 =	sne.s32 s19, $0x18;
	[tilespmem:v15+s20+$0x0] =	vst.idx.add.f32.msk $0xffff, v2;
	v0 =	vor.u32 v1, v0  }
.Ltmp3:
0x210: {  	[tilespmem:v8+s20+$0x0] =	vst.idx.add.f32.msk $0xffff, v2;
	(pc) =	sbr.rel @p0 .LBB2_4-.Ltmp3, $4  }
0x211: {  	[tilespmem:v4+s20+$0x0] =	vst.idx.add.f32.msk $0xffff, v2  }
0x212: {  	[tilespmem:v5+s20+$0x0] =	vst.idx.add.f32.msk $0xffff, v2  }
0x213: {  	[tilespmem:v3+s20+$0x0] =	vst.idx.add.f32.msk $0xffff, v2  }
0x214: {  	[tilespmem:v0+s20+$0x0] =	vst.idx.add.f32.msk $0xffff, v2  }
0x215: {  	s18 =	simm.s32 $0x0;
	s19 =	simm.s32 $0x0  }
0x216: {  	[tilespmem:s18], [sflag:$0x1] =	stream.linear.gather [hbm4b:s8+s18], $0x8000, $0x38;
	[tilespmem:$0x11800] =	vst v63  }
.LBB2_10:
0x217: {  	s21 =	sshll.u32 s19, $0x10  }
0x218: {  	s20 =	sadd.s32 s21, s6  }
0x219: {  	s20 =	sshrl.u32 s20, $0x3  }
0x21a: {  	s20 =	sadd.s32 s3, s20  }
0x21b: {  	[tilespmem:s11], [sflag:$0x2] =	stream.linear.gather [hbm4b:s20+s18], $0x8000, $0x38;
	[tilespmem:$0x11800] =	vst v63  }
0x21c: {  	_ =	swait.ge [sflag:s12], $0x8000  }
0x21d: {  	s29 =	sand.u32 $0x7000, s18;
	s22 =	sand.u32 $0x380, s18;
	[sflag:s12] =	ssyncset.done $0x0  }
0x21e: {  	s20 =	sor.u32 s22, s29;
	[sflag:s12] =	ssyncadd.s32 $0xFFFF8000  }
0x21f: {  	v0 =	vld [tilespmem:s20+$0xC70]  }
0x220: {  	v3 =	vld [tilespmem:s20+$0x0]  }
0x221: {  	v4 =	vld [tilespmem:s20+$0x10]  }
0x222: {  	v5 =	vld [tilespmem:s20+$0x20]  }
0x223: {  	v6 =	vld [tilespmem:s20+$0x30]  }
0x224: {  	v7 =	vld [tilespmem:s20+$0x40]  }
0x225: {  	v8 =	vld [tilespmem:s20+$0x50]  }
0x226: {  	v9 =	vld [tilespmem:s20+$0x60]  }
0x227: {  	v10 =	vld [tilespmem:s20+$0x70]  }
0x228: {  	v11 =	vld [tilespmem:s20+$0x400]  }
0x229: {  	v12 =	vld [tilespmem:s20+$0x410]  }
0x22a: {  	v13 =	vld [tilespmem:s20+$0x420]  }
0x22b: {  	v14 =	vld [tilespmem:s20+$0x430]  }
0x22c: {  	v15 =	vld [tilespmem:s20+$0x440]  }
0x22d: {  	v16 =	vld [tilespmem:s20+$0x450]  }
0x22e: {  	v17 =	vld [tilespmem:s20+$0x460]  }
0x22f: {  	v18 =	vld [tilespmem:s20+$0x470]  }
0x230: {  	v19 =	vld [tilespmem:s20+$0x800]  }
0x231: {  	v20 =	vld [tilespmem:s20+$0x810]  }
0x232: {  	v21 =	vld [tilespmem:s20+$0x820]  }
0x233: {  	v22 =	vld [tilespmem:s20+$0x830];
	v0 =	vmul.f32 $6.400000000e+01, v0  }
0x234: {  	v23 =	vld [tilespmem:s20+$0x840];
	v3 =	vmul.f32 $6.400000000e+01, v3;
	v4 =	vmul.f32 $6.400000000e+01, v4  }
0x235: {  	v24 =	vld [tilespmem:s20+$0x850];
	v5 =	vmul.f32 $6.400000000e+01, v5;
	v6 =	vmul.f32 $6.400000000e+01, v6  }
0x236: {  	v25 =	vld [tilespmem:s20+$0x860];
	v7 =	vmul.f32 $6.400000000e+01, v7;
	v8 =	vmul.f32 $6.400000000e+01, v8  }
0x237: {  	v26 =	vld [tilespmem:s20+$0x870];
	v9 =	vmul.f32 $6.400000000e+01, v9;
	v10 =	vmul.f32 $6.400000000e+01, v10  }
0x238: {  	v27 =	vld [tilespmem:s20+$0xC00];
	v11 =	vmul.f32 $6.400000000e+01, v11;
	v12 =	vmul.f32 $6.400000000e+01, v12  }
0x239: {  	v28 =	vld [tilespmem:s20+$0xC10];
	v13 =	vmul.f32 $6.400000000e+01, v13;
	v14 =	vmul.f32 $6.400000000e+01, v14  }
0x23a: {  	v29 =	vld [tilespmem:s20+$0xC20];
	v15 =	vmul.f32 $6.400000000e+01, v15;
	v16 =	vmul.f32 $6.400000000e+01, v16  }
0x23b: {  	v30 =	vld [tilespmem:s20+$0xC30];
	v17 =	vmul.f32 $6.400000000e+01, v17;
	v18 =	vmul.f32 $6.400000000e+01, v18  }
0x23c: {  	v31 =	vld [tilespmem:s20+$0xC40];
	v19 =	vmul.f32 $6.400000000e+01, v19;
	v20 =	vmul.f32 $6.400000000e+01, v20  }
0x23d: {  	v32 =	vld [tilespmem:s20+$0xC50];
	v21 =	vmul.f32 $6.400000000e+01, v21;
	v22 =	vmul.f32 $6.400000000e+01, v22  }
0x23e: {  	v33 =	vld [tilespmem:s20+$0xC60];
	v23 =	vmul.f32 $6.400000000e+01, v23;
	v24 =	vmul.f32 $6.400000000e+01, v24  }
0x23f: {  	v25 =	vmul.f32 $6.400000000e+01, v25;
	v26 =	vmul.f32 $6.400000000e+01, v26  }
0x240: {  	v27 =	vmul.f32 $6.400000000e+01, v27;
	v28 =	vmul.f32 $6.400000000e+01, v28  }
0x241: {  	v29 =	vmul.f32 $6.400000000e+01, v29;
	v30 =	vmul.f32 $6.400000000e+01, v30  }
0x242: {  	v31 =	vmul.f32 $6.400000000e+01, v31;
	v32 =	vmul.f32 $6.400000000e+01, v32  }
0x243: {  	v33 =	vmul.f32 $6.400000000e+01, v33;
	v0 =	vtrunc.f32 v0  }
0x244: {  	v3 =	vtrunc.f32 v3;
	v4 =	vtrunc.f32 v4  }
0x245: {  	v5 =	vtrunc.f32 v5;
	v6 =	vtrunc.f32 v6  }
0x246: {  	v7 =	vtrunc.f32 v7;
	v8 =	vtrunc.f32 v8  }
0x247: {  	v9 =	vtrunc.f32 v9;
	v10 =	vtrunc.f32 v10  }
0x248: {  	v11 =	vtrunc.f32 v11;
	v12 =	vtrunc.f32 v12  }
0x249: {  	v13 =	vtrunc.f32 v13;
	v14 =	vtrunc.f32 v14  }
0x24a: {  	v15 =	vtrunc.f32 v15;
	v16 =	vtrunc.f32 v16  }
0x24b: {  	v17 =	vtrunc.f32 v17;
	v18 =	vtrunc.f32 v18  }
0x24c: {  	v19 =	vtrunc.f32 v19;
	v20 =	vtrunc.f32 v20  }
0x24d: {  	v21 =	vtrunc.f32 v21;
	v22 =	vtrunc.f32 v22  }
0x24e: {  	v23 =	vtrunc.f32 v23;
	v24 =	vtrunc.f32 v24  }
0x24f: {  	v25 =	vtrunc.f32 v25;
	v26 =	vtrunc.f32 v26  }
0x250: {  	v27 =	vtrunc.f32 v27;
	v28 =	vtrunc.f32 v28  }
0x251: {  	v29 =	vtrunc.f32 v29;
	v30 =	vtrunc.f32 v30  }
0x252: {  	v31 =	vtrunc.f32 v31;
	v32 =	vtrunc.f32 v32  }
0x253: {  	v33 =	vtrunc.f32 v33;
	v0 =	vcvt.f32.s32 v0  }
0x254: {  	v3 =	vcvt.f32.s32 v3;
	v4 =	vcvt.f32.s32 v4  }
0x255: {  	v5 =	vcvt.f32.s32 v5;
	v6 =	vcvt.f32.s32 v6  }
0x256: {  	v7 =	vcvt.f32.s32 v7;
	v8 =	vcvt.f32.s32 v8  }
0x257: {  	s30 =	sshll.u32 s19, $0xA;
	v9 =	vcvt.f32.s32 v9;
	v10 =	vcvt.f32.s32 v10  }
0x258: {  	s20 =	sand.u32 $0xFFFFF000, s30;
	v11 =	vcvt.f32.s32 v11;
	v12 =	vcvt.f32.s32 v12  }
0x259: {  	p0 =	slt.u32 s19, $0xC;
	s22 =	sadd.s32 $0xFFFFD000, s20;
	v13 =	vcvt.f32.s32 v13;
	v14 =	vcvt.f32.s32 v14  }
0x25a: {  	s31 =	simm.s32 $0x80;
	s23 =	simm.s32 $0x200;
	s22 =	smov.u32 @p0 s20;
	v15 =	vcvt.f32.s32 v15;
	v16 =	vcvt.f32.s32 v16  }
0x25b: {  	s23 =	sand.u32 $0x7000, s23;
	s20 =	sshra.s32 s22, $0x2;
	s22 =	sand.u32 $0x380, s31;
	v17 =	vcvt.f32.s32 v17;
	v18 =	vcvt.f32.s32 v18  }
0x25c: {  	s22 =	sor.u32 s22, s23;
	v19 =	vcvt.f32.s32 v19;
	v20 =	vcvt.f32.s32 v20  }
0x25d: {  	v36 =	vld [tilespmem:s22+$0x0];
	v21 =	vcvt.f32.s32 v21;
	v22 =	vcvt.f32.s32 v22  }
0x25e: {  	v37 =	vld [tilespmem:s22+$0x10];
	v23 =	vcvt.f32.s32 v23;
	v24 =	vcvt.f32.s32 v24  }
0x25f: {  	v38 =	vld [tilespmem:s22+$0x20];
	v25 =	vcvt.f32.s32 v25;
	v26 =	vcvt.f32.s32 v26  }
0x260: {  	v39 =	vld [tilespmem:s22+$0x30];
	v27 =	vcvt.f32.s32 v27;
	v28 =	vcvt.f32.s32 v28  }
0x261: {  	v55 =	vld [tilespmem:s22+$0x60];
	v29 =	vcvt.f32.s32 v29;
	v30 =	vcvt.f32.s32 v30  }
0x262: {  	v40 =	vld [tilespmem:s22+$0x70];
	v31 =	vcvt.f32.s32 v31;
	v32 =	vcvt.f32.s32 v32  }
0x263: {  	v41 =	vld [tilespmem:s22+$0x400];
	v33 =	vcvt.f32.s32 v33;
	v0 =	vmin.u32 v0, $0x3F;
	v3 =	vmin.u32 v3, $0x3F  }
0x264: {  	v42 =	vld [tilespmem:s22+$0x410];
	v4 =	vmin.u32 v4, $0x3F;
	v5 =	vmin.u32 v5, $0x3F;
	v6 =	vmin.u32 v6, $0x3F  }
0x265: {  	v43 =	vld [tilespmem:s22+$0x420];
	v7 =	vmin.u32 v7, $0x3F;
	v8 =	vmin.u32 v8, $0x3F;
	v9 =	vmin.u32 v9, $0x3F  }
0x266: {  	v44 =	vld [tilespmem:s22+$0x430];
	v10 =	vmin.u32 v10, $0x3F;
	v11 =	vmin.u32 v11, $0x3F;
	v12 =	vmin.u32 v12, $0x3F  }
0x267: {  	v45 =	vld [tilespmem:s22+$0x440];
	v13 =	vmin.u32 v13, $0x3F;
	v14 =	vmin.u32 v14, $0x3F;
	v15 =	vmin.u32 v15, $0x3F  }
0x268: {  	v46 =	vld [tilespmem:s22+$0x450];
	v16 =	vmin.u32 v16, $0x3F;
	v17 =	vmin.u32 v17, $0x3F;
	v18 =	vmin.u32 v18, $0x3F  }
0x269: {  	v47 =	vld [tilespmem:s22+$0x460];
	v19 =	vmin.u32 v19, $0x3F;
	v20 =	vmin.u32 v20, $0x3F;
	v21 =	vmin.u32 v21, $0x3F  }
0x26a: {  	v48 =	vld [tilespmem:s22+$0x470];
	v22 =	vmin.u32 v22, $0x3F;
	v23 =	vmin.u32 v23, $0x3F;
	v24 =	vmin.u32 v24, $0x3F  }
0x26b: {  	v57 =	vld [tilespmem:s22+$0x800];
	v25 =	vmin.u32 v25, $0x3F;
	v52 =	vmul.f32 $6.400000000e+01, v36;
	v54 =	vmul.f32 $6.400000000e+01, v37  }
0x26c: {  	v49 =	vld [tilespmem:s22+$0x810];
	v26 =	vmin.u32 v26, $0x3F;
	v38 =	vmul.f32 $6.400000000e+01, v38;
	v39 =	vmul.f32 $6.400000000e+01, v39  }
0x26d: {  	v50 =	vld [tilespmem:s22+$0x820];
	v27 =	vmin.u32 v27, $0x3F;
	v37 =	vmul.f32 $6.400000000e+01, v55;
	v40 =	vmul.f32 $6.400000000e+01, v40  }
0x26e: {  	v51 =	vld [tilespmem:s22+$0x830];
	v28 =	vmin.u32 v28, $0x3F;
	v41 =	vmul.f32 $6.400000000e+01, v41;
	v42 =	vmul.f32 $6.400000000e+01, v42  }
0x26f: {  	v29 =	vmin.u32 v29, $0x3F;
	v43 =	vmul.f32 $6.400000000e+01, v43;
	v44 =	vmul.f32 $6.400000000e+01, v44  }
0x270: {  	v30 =	vmin.u32 v30, $0x3F;
	v56 =	vmul.f32 $6.400000000e+01, v45;
	v46 =	vmul.f32 $6.400000000e+01, v46  }
0x271: {  	v31 =	vmin.u32 v31, $0x3F;
	v47 =	vmul.f32 $6.400000000e+01, v47;
	v48 =	vmul.f32 $6.400000000e+01, v48  }
0x272: {  	v32 =	vmin.u32 v32, $0x3F;
	v45 =	vmul.f32 $6.400000000e+01, v57;
	v49 =	vmul.f32 $6.400000000e+01, v49  }
0x273: {  	v33 =	vmin.u32 v33, $0x3F;
	v50 =	vmul.f32 $6.400000000e+01, v50;
	v51 =	vmul.f32 $6.400000000e+01, v51  }
0x274: {  	v0 =	vshll.u32 v0, $0x4;
	v3 =	vshll.u32 v3, $0x4;
	v4 =	vshll.u32 v4, $0x4  }
0x275: {  	v34 =	vshll.u32 v5, $0x4;
	v35 =	vshll.u32 v6, $0x4;
	v7 =	vshll.u32 v7, $0x4  }
0x276: {  	v8 =	vshll.u32 v8, $0x4;
	v9 =	vshll.u32 v9, $0x4;
	v10 =	vshll.u32 v10, $0x4  }
0x277: {  	v11 =	vshll.u32 v11, $0x4;
	v18 =	vshll.u32 v18, $0x4;
	v19 =	vshll.u32 v19, $0x4  }
0x278: {  	v20 =	vshll.u32 v20, $0x4;
	v21 =	vshll.u32 v21, $0x4;
	v22 =	vshll.u32 v22, $0x4  }
0x279: {  	v23 =	vshll.u32 v23, $0x4;
	v24 =	vshll.u32 v24, $0x4;
	v25 =	vshll.u32 v25, $0x4  }
0x27a: {  	v53 =	vld [tilespmem:s22+$0x50];
	v26 =	vshll.u32 v26, $0x4;
	v27 =	vshll.u32 v27, $0x4;
	v28 =	vshll.u32 v28, $0x4  }
0x27b: {  	v29 =	vshll.u32 v29, $0x4;
	v6 =	vshll.u32 v30, $0x4;
	v5 =	vshll.u32 v31, $0x4  }
0x27c: {  	v0 =	vor.u32 v1, v0;
	v3 =	vor.u32 v1, v3;
	v31 =	vor.u32 v1, v4  }
0x27d: {  	v4 =	vshll.u32 v33, $0x4;
	v34 =	vor.u32 v1, v34;
	v35 =	vor.u32 v1, v35  }
0x27e: {  	v7 =	vor.u32 v1, v7;
	v8 =	vor.u32 v1, v8;
	v36 =	vtrunc.f32 v54  }
0x27f: {  	v9 =	vor.u32 v1, v9;
	v38 =	vtrunc.f32 v38;
	v33 =	vmul.f32 $6.400000000e+01, v53  }
0x280: {  	v39 =	vtrunc.f32 v39;
	v10 =	vor.u32 v1, v10;
	v37 =	vtrunc.f32 v37  }
0x281: {  	v11 =	vor.u32 v1, v11;
	v40 =	vtrunc.f32 v40;
	v41 =	vtrunc.f32 v41  }
0x282: {  	v55 =	vld [tilespmem:s22+$0x870];
	v43 =	vtrunc.f32 v43;
	v44 =	vtrunc.f32 v44;
	v18 =	vor.u32 v1, v18  }
0x283: {  	v30 =	vld [tilespmem:s22+$0x40];
	v46 =	vtrunc.f32 v46;
	v47 =	vtrunc.f32 v47;
	v19 =	vor.u32 v1, v19  }
0x284: {  	v58 =	vld [tilespmem:s22+$0xC20];
	v48 =	vtrunc.f32 v48;
	v20 =	vor.u32 v1, v20;
	v21 =	vor.u32 v1, v21  }
0x285: {  	v59 =	vld [tilespmem:s22+$0xC30];
	v45 =	vtrunc.f32 v45;
	v22 =	vor.u32 v1, v22;
	v49 =	vtrunc.f32 v49  }
0x286: {  	v53 =	vld [tilespmem:s22+$0x850];
	v50 =	vtrunc.f32 v50;
	v51 =	vtrunc.f32 v51;
	v23 =	vor.u32 v1, v23  }
0x287: {  	v54 =	vld [tilespmem:s22+$0x860];
	v61 =	vor.u32 v1, v24;
	v62 =	vor.u32 v1, v25;
	v33 =	vtrunc.f32 v33  }
0x288: {  	s20 =	sadd.s32 $0x10C00, s20;
	v57 =	vld [tilespmem:s22+$0xC10];
	v63 =	vor.u32 v1, v26;
	v55 =	vmul.f32 $6.400000000e+01, v55;
	v30 =	vmul.f32 $6.400000000e+01, v30  }
0x289: {  	[tilespmem:v0+s20+$0x0] =	vst.idx.add.f32.msk $0xffff, v2;
	v0 =	vshll.u32 v12, $0x4;
	v12 =	vshll.u32 v13, $0x4;
	v13 =	vshll.u32 v14, $0x4  }
0x28a: {  	v14 =	vshll.u32 v15, $0x4;
	v15 =	vshll.u32 v16, $0x4;
	v16 =	vshll.u32 v17, $0x4;
	v17 =	vld [tilespmem:s22+$0xC70]  }
0x28b: {  	[tilespmem:v3+s20+$0x0] =	vst.idx.add.f32.msk $0xffff, v2;
	v3 =	vshll.u32 v32, $0x4;
	v32 =	vtrunc.f32 v52;
	v53 =	vmul.f32 $6.400000000e+01, v53  }
0x28c: {  	v27 =	vor.u32 v1, v27;
	v54 =	vmul.f32 $6.400000000e+01, v54;
	v25 =	vtrunc.f32 v55;
	[tilespmem:v8+s20+$0x0] =	vst.idx.add.f32.msk $0xffff, v2  }
0x28d: {  	v28 =	vor.u32 v1, v28;
	v55 =	vmul.f32 $6.400000000e+01, v57;
	v8 =	vcvt.f32.s32 v38;
	[tilespmem:v10+s20+$0x0] =	vst.idx.add.f32.msk $0xffff, v2  }
0x28e: {  	v29 =	vor.u32 v1, v29;
	v10 =	vcvt.f32.s32 v37;
	[tilespmem:v11+s20+$0x0] =	vst.idx.add.f32.msk $0xffff, v2;
	v11 =	vcvt.f32.s32 v41  }
0x28f: {  	v60 =	vld [tilespmem:s22+$0xC40];
	v4 =	vor.u32 v1, v4;
	v41 =	vcvt.f32.s32 v45;
	v17 =	vmul.f32 $6.400000000e+01, v17  }
0x290: {  	v52 =	vld [tilespmem:s22+$0x840];
	v30 =	vtrunc.f32 v30;
	v12 =	vor.u32 v1, v12;
	v32 =	vcvt.f32.s32 v32  }
0x291: {  	v57 =	vld [tilespmem:s22+$0xC60];
	v13 =	vor.u32 v1, v13;
	v14 =	vor.u32 v1, v14;
	v17 =	vtrunc.f32 v17  }
0x292: {  	[tilespmem:v31+s20+$0x0] =	vst.idx.add.f32.msk $0xffff, v2;
	v15 =	vor.u32 v1, v15;
	v32 =	vmin.u32 v32, $0x3F;
	v17 =	vcvt.f32.s32 v17  }
0x293: {  	[tilespmem:v35+s20+$0x0] =	vst.idx.add.f32.msk $0xffff, v2;
	v53 =	vtrunc.f32 v53;
	v24 =	vtrunc.f32 v54;
	v32 =	vshll.u32 v32, $0x4  }
0x294: {  	[tilespmem:v9+s20+$0x0] =	vst.idx.add.f32.msk $0xffff, v2;
	v9 =	vcvt.f32.s32 v30;
	v32 =	vor.u32 v1, v32;
	v17 =	vmin.u32 v17, $0x3F  }
0x295: {  	v30 =	vmin.u32 v8, $0x3F;
	v52 =	vmul.f32 $6.400000000e+01, v52;
	[tilespmem:v12+s20+$0x0] =	vst.idx.add.f32.msk $0xffff, v2;
	v17 =	vshll.u32 v17, $0x4  }
0x296: {  	v8 =	vcvt.f32.s32 v33;
	v12 =	vcvt.f32.s32 v44;
	[tilespmem:v13+s20+$0x0] =	vst.idx.add.f32.msk $0xffff, v2;
	v17 =	vor.u32 v1, v17  }
0x297: {  	v35 =	vor.u32 v1, v6;
	v13 =	vcvt.f32.s32 v47;
	[tilespmem:v14+s20+$0x0] =	vst.idx.add.f32.msk $0xffff, v2;
	v52 =	vtrunc.f32 v52  }
0x298: {  	v0 =	vor.u32 v1, v0;
	v14 =	vcvt.f32.s32 v48;
	[tilespmem:v15+s20+$0x0] =	vst.idx.add.f32.msk $0xffff, v2;
	v52 =	vcvt.f32.s32 v52  }
0x299: {  	v15 =	vmin.u32 v12, $0x3F;
	v12 =	vcvt.f32.s32 v25;
	[tilespmem:v32+s20+$0x0] =	vst.idx.add.f32.msk $0xffff, v2;
	v32 =	vmul.f32 $6.400000000e+01, v58  }
0x29a: {  	[tilespmem:v34+s20+$0x0] =	vst.idx.add.f32.msk $0xffff, v2;
	v16 =	vor.u32 v1, v16;
	v58 =	vmul.f32 $6.400000000e+01, v59;
	v59 =	vmul.f32 $6.400000000e+01, v60  }
0x29b: {  	v3 =	vor.u32 v1, v3;
	v60 =	vmul.f32 $6.400000000e+01, v57;
	v31 =	vtrunc.f32 v32;
	[tilespmem:v17+s20+$0x0] =	vst.idx.add.f32.msk $0xffff, v2  }
0x29c: {  	v38 =	vmin.u32 v8, $0x3F;
	v17 =	vtrunc.f32 v42;
	v42 =	vtrunc.f32 v56;
	v56 =	vld [tilespmem:s22+$0xC00]  }
0x29d: {  	[tilespmem:v29+s20+$0x0] =	vst.idx.add.f32.msk $0xffff, v2;
	v29 =	vshll.u32 v38, $0x4;
	v34 =	vtrunc.f32 v58;
	v6 =	vtrunc.f32 v59  }
0x29e: {  	[tilespmem:v0+s20+$0x0] =	vst.idx.add.f32.msk $0xffff, v2;
	v0 =	vmin.u32 v9, $0x3F;
	v32 =	vtrunc.f32 v60;
	v31 =	vcvt.f32.s32 v31  }
0x29f: {  	v25 =	vmin.u32 v41, $0x3F;
	v34 =	vcvt.f32.s32 v34;
	v59 =	vcvt.f32.s32 v6  }
0x2a0: {  	[tilespmem:v19+s20+$0x0] =	vst.idx.add.f32.msk $0xffff, v2;
	v19 =	vmin.u32 v52, $0x3F;
	v32 =	vcvt.f32.s32 v32;
	v9 =	vcvt.f32.s32 v17  }
0x2a1: {  	v6 =	vmin.u32 v34, $0x3F;
	v17 =	vcvt.f32.s32 v43;
	v54 =	vmul.f32 $6.400000000e+01, v56;
	v56 =	vld [tilespmem:s22+$0xC50]  }
0x2a2: {  	[tilespmem:v23+s20+$0x0] =	vst.idx.add.f32.msk $0xffff, v2;
	v60 =	vcvt.f32.s32 v42;
	v42 =	vmin.u32 v11, $0x3F;
	v11 =	vcvt.f32.s32 v49  }
0x2a3: {  	[tilespmem:v27+s20+$0x0] =	vst.idx.add.f32.msk $0xffff, v2;
	v43 =	vcvt.f32.s32 v50;
	v27 =	vshll.u32 v42, $0x4;
	v8 =	vmin.u32 v17, $0x3F  }
0x2a4: {  	[tilespmem:v16+s20+$0x0] =	vst.idx.add.f32.msk $0xffff, v2;
	v17 =	vcvt.f32.s32 v53;
	v16 =	vmin.u32 v60, $0x3F;
	v23 =	vmin.u32 v11, $0x3F  }
0x2a5: {  	[tilespmem:v22+s20+$0x0] =	vst.idx.add.f32.msk $0xffff, v2;
	v22 =	vmin.u32 v43, $0x3F;
	v26 =	vtrunc.f32 v54;
	v54 =	vtrunc.f32 v55  }
0x2a6: {  	[tilespmem:v18+s20+$0x0] =	vst.idx.add.f32.msk $0xffff, v2;
	v18 =	vmin.u32 v17, $0x3F;
	v58 =	vcvt.f32.s32 v54;
	v55 =	vmul.f32 $6.400000000e+01, v56  }
0x2a7: {  	v57 =	vcvt.f32.s32 v26;
	v56 =	vor.u32 v1, v5;
	v5 =	vcvt.f32.s32 v36  }
0x2a8: {  	[tilespmem:v7+s20+$0x0] =	vst.idx.add.f32.msk $0xffff, v2;
	v26 =	vmin.u32 v14, $0x3F;
	v14 =	vmin.u32 v58, $0x3F;
	v7 =	vtrunc.f32 v55  }
0x2a9: {  	v36 =	vmin.u32 v5, $0x3F;
	v5 =	vcvt.f32.s32 v39;
	v39 =	vmin.u32 v10, $0x3F  }
0x2aa: {  	[tilespmem:v20+s20+$0x0] =	vst.idx.add.f32.msk $0xffff, v2;
	v10 =	vcvt.f32.s32 v46;
	v55 =	vcvt.f32.s32 v24;
	v24 =	vmin.u32 v13, $0x3F  }
0x2ab: {  	[tilespmem:v21+s20+$0x0] =	vst.idx.add.f32.msk $0xffff, v2;
	v13 =	vmin.u32 v59, $0x3F;
	v60 =	vcvt.f32.s32 v7;
	v7 =	vmin.u32 v31, $0x3F  }
0x2ac: {  	[tilespmem:v61+s20+$0x0] =	vst.idx.add.f32.msk $0xffff, v2;
	v33 =	vshll.u32 v36, $0x4;
	v31 =	vshll.u32 v30, $0x4;
	v30 =	vshll.u32 v39, $0x4  }
0x2ad: {  	[tilespmem:v62+s20+$0x0] =	vst.idx.add.f32.msk $0xffff, v2;
	v37 =	vmin.u32 v5, $0x3F;
	v5 =	vcvt.f32.s32 v40;
	v20 =	vmin.u32 v10, $0x3F  }
0x2ae: {  	[tilespmem:v63+s20+$0x0] =	vst.idx.add.f32.msk $0xffff, v2;
	v17 =	vmin.u32 v55, $0x3F;
	v10 =	vmin.u32 v12, $0x3F;
	v12 =	vmin.u32 v32, $0x3F  }
0x2af: {  	[tilespmem:v28+s20+$0x0] =	vst.idx.add.f32.msk $0xffff, v2;
	v40 =	vmin.u32 v5, $0x3F;
	v5 =	vmin.u32 v9, $0x3F;
	v9 =	vcvt.f32.s32 v51  }
0x2b0: {  	[tilespmem:v35+s20+$0x0] =	vst.idx.add.f32.msk $0xffff, v2;
	v32 =	vshll.u32 v0, $0x4;
	v11 =	vmin.u32 v60, $0x3F;
	v34 =	vshll.u32 v37, $0x4  }
0x2b1: {  	s24 =	simm.s32 $0x400;
	s23 =	simm.s32 $0x100;
	s22 =	simm.s32 $0x20;
	[tilespmem:v56+s20+$0x0] =	vst.idx.add.f32.msk $0xffff, v2;
	v28 =	vshll.u32 v40, $0x4;
	v21 =	vmin.u32 v9, $0x3F;
	v9 =	vmin.u32 v57, $0x3F  }
.LBB2_11:
0x2b2: {  	s25 =	sand.u32 $0x7000, s24;
	s26 =	sand.u32 $0x380, s23;
	s22 =	sadd.s32 $0x20, s22;
	v0 =	vshll.u32 v5, $0x4;
	v35 =	vshll.u32 v8, $0x4;
	v36 =	vshll.u32 v15, $0x4;
	[tilespmem:v3+s20+$0x0] =	vst.idx.add.f32.msk $0xffff, v2  }
0x2b3: {  	v37 =	vshll.u32 v16, $0x4;
	v40 =	vshll.u32 v20, $0x4;
	v41 =	vshll.u32 v24, $0x4;
	s25 =	sor.u32 s26, s25;
	p0 =	slt.u32 s22, $0x7E0;
	[tilespmem:v4+s20+$0x0] =	vst.idx.add.f32.msk $0xffff, v2  }
0x2b4: {  	v42 =	vshll.u32 v26, $0x4;
	v43 =	vshll.u32 v25, $0x4;
	v44 =	vshll.u32 v23, $0x4;
	v4 =	vld [tilespmem:s25+$0xC70]  }
0x2b5: {  	v45 =	vshll.u32 v22, $0x4;
	v46 =	vshll.u32 v21, $0x4;
	v22 =	vshll.u32 v19, $0x4;
	v20 =	vld [tilespmem:s25+$0x0]  }
0x2b6: {  	v18 =	vshll.u32 v18, $0x4;
	v15 =	vshll.u32 v17, $0x4;
	v10 =	vshll.u32 v10, $0x4;
	v19 =	vld [tilespmem:s25+$0x10]  }
0x2b7: {  	v9 =	vshll.u32 v9, $0x4;
	v8 =	vshll.u32 v14, $0x4;
	v7 =	vshll.u32 v7, $0x4;
	v21 =	vld [tilespmem:s25+$0x20]  }
0x2b8: {  	v6 =	vshll.u32 v6, $0x4;
	v5 =	vshll.u32 v13, $0x4;
	v3 =	vshll.u32 v11, $0x4;
	v14 =	vld [tilespmem:s25+$0x30]  }
0x2b9: {  	v16 =	vor.u32 v1, v33;
	v23 =	vld [tilespmem:s25+$0x40];
	v13 =	vmul.f32 $6.400000000e+01, v4;
	v4 =	vshll.u32 v12, $0x4  }
0x2ba: {  	v17 =	vor.u32 v1, v31;
	v11 =	vor.u32 v1, v34;
	v20 =	vmul.f32 $6.400000000e+01, v20;
	v24 =	vld [tilespmem:s25+$0x50]  }
0x2bb: {  	v12 =	vor.u32 v1, v32;
	v19 =	vmul.f32 $6.400000000e+01, v19;
	v25 =	vld [tilespmem:s25+$0x60];
	v13 =	vtrunc.f32 v13  }
0x2bc: {  	v21 =	vmul.f32 $6.400000000e+01, v21;
	v26 =	vld [tilespmem:s25+$0x70];
	v31 =	vcvt.f32.s32 v13;
	v13 =	vor.u32 v1, v29  }
0x2bd: {  	v47 =	vtrunc.f32 v20;
	v29 =	vmul.f32 $6.400000000e+01, v14;
	v32 =	vld [tilespmem:s25+$0x400];
	v14 =	vor.u32 v1, v30  }
0x2be: {  	v20 =	vtrunc.f32 v19;
	v23 =	vmul.f32 $6.400000000e+01, v23;
	v30 =	vld [tilespmem:s25+$0x410];
	v19 =	vmin.u32 v31, $0x3F  }
0x2bf: {  	v21 =	vtrunc.f32 v21;
	v24 =	vmul.f32 $6.400000000e+01, v24;
	v31 =	vld [tilespmem:s25+$0x420];
	v33 =	vshll.u32 v19, $0x4  }
0x2c0: {  	v19 =	vtrunc.f32 v29;
	v29 =	vmul.f32 $6.400000000e+01, v25;
	v34 =	vld [tilespmem:s25+$0x430];
	v33 =	vor.u32 v1, v33  }
0x2c1: {  	v23 =	vtrunc.f32 v23;
	v25 =	vor.u32 v1, v28;
	v39 =	vmul.f32 $6.400000000e+01, v26;
	v48 =	vld [tilespmem:s25+$0x440]  }
0x2c2: {  	v24 =	vtrunc.f32 v24;
	v26 =	vor.u32 v1, v27;
	v32 =	vmul.f32 $6.400000000e+01, v32;
	v49 =	vld [tilespmem:s25+$0x450]  }
0x2c3: {  	v27 =	vor.u32 v1, v0;
	v38 =	vtrunc.f32 v29;
	v30 =	vmul.f32 $6.400000000e+01, v30;
	v50 =	vld [tilespmem:s25+$0x460]  }
0x2c4: {  	v28 =	vor.u32 v1, v35;
	v39 =	vtrunc.f32 v39;
	v0 =	vmul.f32 $6.400000000e+01, v31;
	v51 =	vld [tilespmem:s25+$0x470]  }
0x2c5: {  	v29 =	vor.u32 v1, v36;
	v52 =	vtrunc.f32 v32;
	v32 =	vmul.f32 $6.400000000e+01, v34;
	[tilespmem:v33+s20+$0x0] =	vst.idx.add.f32.msk $0xffff, v2  }
0x2c6: {  	v53 =	vtrunc.f32 v30;
	v30 =	vor.u32 v1, v37;
	v33 =	vmul.f32 $6.400000000e+01, v48;
	v35 =	vld [tilespmem:s25+$0x800]  }
0x2c7: {  	v31 =	vor.u32 v1, v40;
	v0 =	vtrunc.f32 v0;
	v34 =	vmul.f32 $6.400000000e+01, v49;
	v36 =	vld [tilespmem:s25+$0x810]  }
0x2c8: {  	v40 =	vtrunc.f32 v32;
	v32 =	vor.u32 v1, v41;
	v37 =	vmul.f32 $6.400000000e+01, v50;
	v48 =	vld [tilespmem:s25+$0x820]  }
0x2c9: {  	v41 =	vtrunc.f32 v33;
	v33 =	vor.u32 v1, v42;
	v49 =	vmul.f32 $6.400000000e+01, v51;
	v50 =	vld [tilespmem:s25+$0x830]  }
0x2ca: {  	v42 =	vtrunc.f32 v34;
	v34 =	vor.u32 v1, v43;
	v51 =	vtrunc.f32 v37;
	v54 =	vld [tilespmem:s25+$0x840]  }
0x2cb: {  	v43 =	vtrunc.f32 v49;
	v37 =	vmul.f32 $6.400000000e+01, v35;
	v49 =	vld [tilespmem:s25+$0x850];
	v35 =	vor.u32 v1, v44  }
0x2cc: {  	v44 =	vcvt.f32.s32 v47;
	v47 =	vmul.f32 $6.400000000e+01, v36;
	v55 =	vld [tilespmem:s25+$0x860];
	v36 =	vor.u32 v1, v45  }
0x2cd: {  	v45 =	vtrunc.f32 v37;
	v48 =	vmul.f32 $6.400000000e+01, v48;
	v56 =	vld [tilespmem:s25+$0x870];
	v37 =	vor.u32 v1, v46  }
0x2ce: {  	v44 =	vmin.u32 v44, $0x3F;
	v46 =	vtrunc.f32 v47;
	v47 =	vmul.f32 $6.400000000e+01, v50;
	v50 =	vld [tilespmem:s25+$0xC00]  }
0x2cf: {  	v44 =	vshll.u32 v44, $0x4;
	v48 =	vtrunc.f32 v48;
	v54 =	vmul.f32 $6.400000000e+01, v54;
	v57 =	vld [tilespmem:s25+$0xC10]  }
0x2d0: {  	v44 =	vor.u32 v1, v44;
	v47 =	vtrunc.f32 v47;
	v49 =	vmul.f32 $6.400000000e+01, v49;
	v58 =	vld [tilespmem:s25+$0xC20]  }
0x2d1: {  	v22 =	vor.u32 v1, v22;
	v54 =	vtrunc.f32 v54;
	v55 =	vmul.f32 $6.400000000e+01, v55;
	v59 =	vld [tilespmem:s25+$0xC30]  }
0x2d2: {  	v18 =	vor.u32 v1, v18;
	v49 =	vtrunc.f32 v49;
	v56 =	vmul.f32 $6.400000000e+01, v56;
	v60 =	vld [tilespmem:s25+$0xC40]  }
0x2d3: {  	v62 =	vor.u32 v1, v15;
	v55 =	vtrunc.f32 v55;
	v50 =	vmul.f32 $6.400000000e+01, v50;
	v61 =	vld [tilespmem:s25+$0xC50]  }
0x2d4: {  	v63 =	vor.u32 v1, v10;
	v56 =	vtrunc.f32 v56;
	v15 =	vmul.f32 $6.400000000e+01, v57;
	v57 =	vld [tilespmem:s25+$0xC60]  }
0x2d5: {  	[tilespmem:v44+s20+$0x0] =	vst.idx.add.f32.msk $0xffff, v2;
	v10 =	vtrunc.f32 v50;
	v44 =	vmul.f32 $6.400000000e+01, v58;
	v50 =	vor.u32 v1, v9  }
0x2d6: {  	v58 =	vor.u32 v1, v8;
	v9 =	vtrunc.f32 v15;
	v15 =	vmul.f32 $6.400000000e+01, v59;
	[tilespmem:v16+s20+$0x0] =	vst.idx.add.f32.msk $0xffff, v2  }
0x2d7: {  	v59 =	vor.u32 v1, v7;
	v44 =	vtrunc.f32 v44;
	v8 =	vmul.f32 $6.400000000e+01, v60;
	[tilespmem:v17+s20+$0x0] =	vst.idx.add.f32.msk $0xffff, v2  }
0x2d8: {  	v60 =	vor.u32 v1, v6;
	v7 =	vtrunc.f32 v15;
	v15 =	vmul.f32 $6.400000000e+01, v61;
	[tilespmem:v11+s20+$0x0] =	vst.idx.add.f32.msk $0xffff, v2  }
0x2d9: {  	v6 =	vtrunc.f32 v8;
	v8 =	vmul.f32 $6.400000000e+01, v57;
	[tilespmem:v12+s20+$0x0] =	vst.idx.add.f32.msk $0xffff, v2;
	v57 =	vor.u32 v1, v5  }
0x2da: {  	v3 =	vor.u32 v1, v3;
	v5 =	vcvt.f32.s32 v20;
	v11 =	vtrunc.f32 v15;
	[tilespmem:v13+s20+$0x0] =	vst.idx.add.f32.msk $0xffff, v2  }
0x2db: {  	v4 =	vor.u32 v1, v4;
	v12 =	vcvt.f32.s32 v21;
	v13 =	vtrunc.f32 v8;
	[tilespmem:v14+s20+$0x0] =	vst.idx.add.f32.msk $0xffff, v2  }
0x2dc: {  	v61 =	vmin.u32 v5, $0x3F;
	v5 =	vcvt.f32.s32 v19;
	v8 =	vcvt.f32.s32 v23;
	[tilespmem:v25+s20+$0x0] =	vst.idx.add.f32.msk $0xffff, v2  }
0x2dd: {  	v15 =	vcvt.f32.s32 v38;
	v12 =	vmin.u32 v12, $0x3F;
	v14 =	vcvt.f32.s32 v24;
	[tilespmem:v26+s20+$0x0] =	vst.idx.add.f32.msk $0xffff, v2  }
0x2de: {  	v16 =	vcvt.f32.s32 v52;
	v38 =	vmin.u32 v5, $0x3F;
	v5 =	vcvt.f32.s32 v39;
	[tilespmem:v27+s20+$0x0] =	vst.idx.add.f32.msk $0xffff, v2  }
0x2df: {  	v0 =	vcvt.f32.s32 v0;
	v27 =	vmin.u32 v8, $0x3F;
	v8 =	vcvt.f32.s32 v53;
	[tilespmem:v28+s20+$0x0] =	vst.idx.add.f32.msk $0xffff, v2  }
0x2e0: {  	v17 =	vcvt.f32.s32 v41;
	v28 =	vmin.u32 v14, $0x3F;
	v14 =	vcvt.f32.s32 v40;
	[tilespmem:v29+s20+$0x0] =	vst.idx.add.f32.msk $0xffff, v2  }
0x2e1: {  	v21 =	vcvt.f32.s32 v51;
	v19 =	vcvt.f32.s32 v42;
	v39 =	vmin.u32 v15, $0x3F;
	[tilespmem:v30+s20+$0x0] =	vst.idx.add.f32.msk $0xffff, v2  }
0x2e2: {  	v23 =	vcvt.f32.s32 v43;
	v25 =	vcvt.f32.s32 v45;
	v40 =	vmin.u32 v5, $0x3F;
	[tilespmem:v31+s20+$0x0] =	vst.idx.add.f32.msk $0xffff, v2  }
0x2e3: {  	v41 =	vmin.u32 v16, $0x3F;
	v29 =	vcvt.f32.s32 v46;
	v30 =	vcvt.f32.s32 v48;
	[tilespmem:v32+s20+$0x0] =	vst.idx.add.f32.msk $0xffff, v2  }
0x2e4: {  	v5 =	vmin.u32 v8, $0x3F;
	v31 =	vcvt.f32.s32 v47;
	v32 =	vcvt.f32.s32 v54;
	[tilespmem:v33+s20+$0x0] =	vst.idx.add.f32.msk $0xffff, v2  }
0x2e5: {  	v8 =	vmin.u32 v0, $0x3F;
	v0 =	vcvt.f32.s32 v49;
	v33 =	vcvt.f32.s32 v55;
	[tilespmem:v34+s20+$0x0] =	vst.idx.add.f32.msk $0xffff, v2  }
0x2e6: {  	v15 =	vmin.u32 v14, $0x3F;
	v14 =	vcvt.f32.s32 v56;
	v34 =	vcvt.f32.s32 v10;
	[tilespmem:v35+s20+$0x0] =	vst.idx.add.f32.msk $0xffff, v2  }
0x2e7: {  	v16 =	vmin.u32 v17, $0x3F;
	v42 =	vcvt.f32.s32 v44;
	v35 =	vcvt.f32.s32 v9;
	[tilespmem:v36+s20+$0x0] =	vst.idx.add.f32.msk $0xffff, v2  }
0x2e8: {  	v43 =	vcvt.f32.s32 v6;
	v20 =	vmin.u32 v19, $0x3F;
	v36 =	vcvt.f32.s32 v7;
	[tilespmem:v37+s20+$0x0] =	vst.idx.add.f32.msk $0xffff, v2  }
0x2e9: {  	v24 =	vmin.u32 v21, $0x3F;
	v11 =	vcvt.f32.s32 v11;
	v37 =	vcvt.f32.s32 v13;
	[tilespmem:v22+s20+$0x0] =	vst.idx.add.f32.msk $0xffff, v2  }
0x2ea: {  	v26 =	vmin.u32 v23, $0x3F;
	v25 =	vmin.u32 v25, $0x3F;
	v23 =	vmin.u32 v29, $0x3F;
	[tilespmem:v18+s20+$0x0] =	vst.idx.add.f32.msk $0xffff, v2  }
0x2eb: {  	v21 =	vmin.u32 v31, $0x3F;
	v19 =	vmin.u32 v32, $0x3F;
	v22 =	vmin.u32 v30, $0x3F;
	[tilespmem:v62+s20+$0x0] =	vst.idx.add.f32.msk $0xffff, v2  }
0x2ec: {  	v10 =	vmin.u32 v14, $0x3F;
	v17 =	vmin.u32 v33, $0x3F;
	v18 =	vmin.u32 v0, $0x3F;
	[tilespmem:v63+s20+$0x0] =	vst.idx.add.f32.msk $0xffff, v2  }
.Ltmp4:
0x2ed: {  	v9 =	vmin.u32 v34, $0x3F;
	v7 =	vmin.u32 v42, $0x3F;
	v14 =	vmin.u32 v35, $0x3F;
	[tilespmem:v50+s20+$0x0] =	vst.idx.add.f32.msk $0xffff, v2;
	(pc) =	sbr.rel @p0 .LBB2_11-.Ltmp4, $4  }
0x2ee: {  	v11 =	vmin.u32 v11, $0x3F;
	v13 =	vmin.u32 v43, $0x3F;
	v6 =	vmin.u32 v36, $0x3F;
	[tilespmem:v58+s20+$0x0] =	vst.idx.add.f32.msk $0xffff, v2  }
0x2ef: {  	v31 =	vshll.u32 v12, $0x4;
	v33 =	vshll.u32 v61, $0x4;
	v12 =	vmin.u32 v37, $0x3F;
	[tilespmem:v59+s20+$0x0] =	vst.idx.add.f32.msk $0xffff, v2  }
0x2f0: {  	v29 =	vshll.u32 v28, $0x4;
	v32 =	vshll.u32 v27, $0x4;
	v34 =	vshll.u32 v38, $0x4;
	[tilespmem:v60+s20+$0x0] =	vst.idx.add.f32.msk $0xffff, v2  }
0x2f1: {  	s23 =	sadd.s32 $0x80, s23;
	s24 =	sadd.s32 $0x200, s24;
	v28 =	vshll.u32 v40, $0x4;
	v27 =	vshll.u32 v41, $0x4;
	v30 =	vshll.u32 v39, $0x4;
	[tilespmem:v57+s20+$0x0] =	vst.idx.add.f32.msk $0xffff, v2  }
0x2f2: {  	_ = 	snop  }
0x2f3: {  	v0 =	vor.u32 v1, v33  }
0x2f4: {  	v31 =	vor.u32 v1, v31  }
0x2f5: {  	v48 =	vor.u32 v1, v34  }
0x2f6: {  	[tilespmem:v3+s20+$0x0] =	vst.idx.add.f32.msk $0xffff, v2;
	v3 =	vor.u32 v1, v32  }
0x2f7: {  	[tilespmem:v4+s20+$0x0] =	vst.idx.add.f32.msk $0xffff, v2;
	v4 =	vor.u32 v1, v29  }
0x2f8: {  	v29 =	vor.u32 v1, v30;
	[tilespmem:v0+s20+$0x0] =	vst.idx.add.f32.msk $0xffff, v2  }
0x2f9: {  	v5 =	vshll.u32 v5, $0x4;
	v27 =	vor.u32 v1, v27;
	[tilespmem:v31+s20+$0x0] =	vst.idx.add.f32.msk $0xffff, v2  }
0x2fa: {  	v8 =	vshll.u32 v8, $0x4;
	v5 =	vor.u32 v1, v5;
	[tilespmem:v48+s20+$0x0] =	vst.idx.add.f32.msk $0xffff, v2  }
0x2fb: {  	v6 =	vshll.u32 v6, $0x4;
	v8 =	vor.u32 v1, v8;
	[tilespmem:v3+s20+$0x0] =	vst.idx.add.f32.msk $0xffff, v2  }
0x2fc: {  	v6 =	vor.u32 v1, v6;
	[tilespmem:v4+s20+$0x0] =	vst.idx.add.f32.msk $0xffff, v2  }
0x2fd: {  	v0 =	vor.u32 v1, v28;
	v3 =	vshll.u32 v15, $0x4;
	[tilespmem:v29+s20+$0x0] =	vst.idx.add.f32.msk $0xffff, v2  }
0x2fe: {  	v4 =	vshll.u32 v16, $0x4;
	[tilespmem:v27+s20+$0x0] =	vst.idx.add.f32.msk $0xffff, v2;
	v3 =	vor.u32 v1, v3  }
0x2ff: {  	v15 =	vshll.u32 v20, $0x4;
	v4 =	vor.u32 v1, v4;
	[tilespmem:v5+s20+$0x0] =	vst.idx.add.f32.msk $0xffff, v2  }
0x300: {  	v16 =	vshll.u32 v26, $0x4;
	v15 =	vor.u32 v1, v15;
	[tilespmem:v8+s20+$0x0] =	vst.idx.add.f32.msk $0xffff, v2  }
0x301: {  	v5 =	vshll.u32 v25, $0x4;
	v16 =	vor.u32 v1, v16;
	[tilespmem:v6+s20+$0x0] =	vst.idx.add.f32.msk $0xffff, v2  }
0x302: {  	v8 =	vshll.u32 v23, $0x4;
	v5 =	vor.u32 v1, v5;
	[tilespmem:v0+s20+$0x0] =	vst.idx.add.f32.msk $0xffff, v2  }
0x303: {  	v8 =	vor.u32 v1, v8;
	v0 =	vshll.u32 v24, $0x4;
	[tilespmem:v3+s20+$0x0] =	vst.idx.add.f32.msk $0xffff, v2  }
0x304: {  	v0 =	vor.u32 v1, v0;
	v3 =	vshll.u32 v22, $0x4;
	[tilespmem:v4+s20+$0x0] =	vst.idx.add.f32.msk $0xffff, v2  }
0x305: {  	v4 =	vshll.u32 v21, $0x4;
	[tilespmem:v15+s20+$0x0] =	vst.idx.add.f32.msk $0xffff, v2;
	v3 =	vor.u32 v1, v3  }
0x306: {  	v15 =	vshll.u32 v19, $0x4;
	[tilespmem:v16+s20+$0x0] =	vst.idx.add.f32.msk $0xffff, v2;
	v4 =	vor.u32 v1, v4  }
0x307: {  	v16 =	vshll.u32 v17, $0x4;
	v15 =	vor.u32 v1, v15;
	[tilespmem:v5+s20+$0x0] =	vst.idx.add.f32.msk $0xffff, v2  }
0x308: {  	v5 =	vshll.u32 v10, $0x4;
	v10 =	vor.u32 v1, v16;
	[tilespmem:v8+s20+$0x0] =	vst.idx.add.f32.msk $0xffff, v2  }
0x309: {  	v5 =	vor.u32 v1, v5;
	[tilespmem:v0+s20+$0x0] =	vst.idx.add.f32.msk $0xffff, v2;
	v0 =	vshll.u32 v18, $0x4  }
0x30a: {  	v8 =	vshll.u32 v9, $0x4;
	v0 =	vor.u32 v1, v0;
	[tilespmem:v3+s20+$0x0] =	vst.idx.add.f32.msk $0xffff, v2  }
0x30b: {  	v8 =	vor.u32 v1, v8;
	v3 =	vshll.u32 v14, $0x4;
	[tilespmem:v4+s20+$0x0] =	vst.idx.add.f32.msk $0xffff, v2  }
0x30c: {  	v4 =	vshll.u32 v7, $0x4;
	[tilespmem:v15+s20+$0x0] =	vst.idx.add.f32.msk $0xffff, v2;
	v3 =	vor.u32 v1, v3  }
0x30d: {  	[tilespmem:v10+s20+$0x0] =	vst.idx.add.f32.msk $0xffff, v2;
	v7 =	vshll.u32 v11, $0x4;
	v4 =	vor.u32 v1, v4  }
0x30e: {  	[tilespmem:v5+s20+$0x0] =	vst.idx.add.f32.msk $0xffff, v2;
	v5 =	vshll.u32 v12, $0x4;
	v7 =	vor.u32 v1, v7  }
0x30f: {  	v5 =	vor.u32 v1, v5;
	[tilespmem:v0+s20+$0x0] =	vst.idx.add.f32.msk $0xffff, v2;
	v0 =	vshll.u32 v13, $0x4  }
0x310: {  	[tilespmem:v8+s20+$0x0] =	vst.idx.add.f32.msk $0xffff, v2;
	v0 =	vor.u32 v1, v0  }
0x311: {  	[tilespmem:v3+s20+$0x0] =	vst.idx.add.f32.msk $0xffff, v2  }
0x312: {  	p0 =	seq.s32 s19, $0x17;
	[tilespmem:v4+s20+$0x0] =	vst.idx.add.f32.msk $0xffff, v2  }
0x313: {  	s21 =	sadd.s32 @!p0 s21, s7;
	[tilespmem:v7+s20+$0x0] =	vst.idx.add.f32.msk $0xffff, v2  }
0x314: {  	s21 =	sshrl.u32 @!p0 s21, $0x3;
	[tilespmem:v5+s20+$0x0] =	vst.idx.add.f32.msk $0xffff, v2  }
0x315: {  	s22 =	simm.s32 @!p0 $0x0;
	s21 =	sadd.s32 @!p0 s3, s21;
	[tilespmem:v0+s20+$0x0] =	vst.idx.add.f32.msk $0xffff, v2  }
0x316: {  	[tilespmem:s22], [sflag:$0x1] =	stream.linear.gather @!p0 [hbm4b:s21+s22], $0x8000, $0x38;
	[tilespmem:$0x11800] =	vst v63  }
0x317: {  	s28 =	simm.s32 $0x0;
	_ =	swait.ge [sflag:s13], $0x8000  }
0x318: {  	s29 =	sand.u32 $0x7000, s28;
	s21 =	sand.u32 $0x380, s28;
	[sflag:s13] =	ssyncset.done $0x0  }
0x319: {  	s21 =	sor.u32 s21, s29;
	[sflag:s13] =	ssyncadd.s32 $0xFFFF8000  }
0x31a: {  	v0 =	vld [tilespmem:s21+$0x8C70]  }
0x31b: {  	v3 =	vld [tilespmem:s21+$0x8000]  }
0x31c: {  	v4 =	vld [tilespmem:s21+$0x8010]  }
0x31d: {  	v5 =	vld [tilespmem:s21+$0x8020]  }
0x31e: {  	v6 =	vld [tilespmem:s21+$0x8030]  }
0x31f: {  	v7 =	vld [tilespmem:s21+$0x8040]  }
0x320: {  	v8 =	vld [tilespmem:s21+$0x8050]  }
0x321: {  	v9 =	vld [tilespmem:s21+$0x8060]  }
0x322: {  	v10 =	vld [tilespmem:s21+$0x8070]  }
0x323: {  	v11 =	vld [tilespmem:s21+$0x8400]  }
0x324: {  	v12 =	vld [tilespmem:s21+$0x8410]  }
0x325: {  	v13 =	vld [tilespmem:s21+$0x8420]  }
0x326: {  	v14 =	vld [tilespmem:s21+$0x8430]  }
0x327: {  	v15 =	vld [tilespmem:s21+$0x8440]  }
0x328: {  	v16 =	vld [tilespmem:s21+$0x8450]  }
0x329: {  	v17 =	vld [tilespmem:s21+$0x8460]  }
0x32a: {  	v18 =	vld [tilespmem:s21+$0x8470]  }
0x32b: {  	v19 =	vld [tilespmem:s21+$0x8800]  }
0x32c: {  	v20 =	vld [tilespmem:s21+$0x8810]  }
0x32d: {  	v21 =	vld [tilespmem:s21+$0x8820]  }
0x32e: {  	v22 =	vld [tilespmem:s21+$0x8830]  }
0x32f: {  	v23 =	vld [tilespmem:s21+$0x8840];
	v0 =	vmul.f32 $6.400000000e+01, v0;
	v3 =	vmul.f32 $6.400000000e+01, v3  }
0x330: {  	v24 =	vld [tilespmem:s21+$0x8850];
	v4 =	vmul.f32 $6.400000000e+01, v4;
	v5 =	vmul.f32 $6.400000000e+01, v5  }
0x331: {  	v25 =	vld [tilespmem:s21+$0x8860];
	v6 =	vmul.f32 $6.400000000e+01, v6;
	v7 =	vmul.f32 $6.400000000e+01, v7  }
0x332: {  	v26 =	vld [tilespmem:s21+$0x8870];
	v8 =	vmul.f32 $6.400000000e+01, v8;
	v9 =	vmul.f32 $6.400000000e+01, v9  }
0x333: {  	v27 =	vld [tilespmem:s21+$0x8C00];
	v10 =	vmul.f32 $6.400000000e+01, v10;
	v11 =	vmul.f32 $6.400000000e+01, v11  }
0x334: {  	v28 =	vld [tilespmem:s21+$0x8C10];
	v12 =	vmul.f32 $6.400000000e+01, v12;
	v13 =	vmul.f32 $6.400000000e+01, v13  }
0x335: {  	v29 =	vld [tilespmem:s21+$0x8C20];
	v14 =	vmul.f32 $6.400000000e+01, v14;
	v15 =	vmul.f32 $6.400000000e+01, v15  }
0x336: {  	v30 =	vld [tilespmem:s21+$0x8C30];
	v16 =	vmul.f32 $6.400000000e+01, v16;
	v17 =	vmul.f32 $6.400000000e+01, v17  }
0x337: {  	v31 =	vld [tilespmem:s21+$0x8C40];
	v18 =	vmul.f32 $6.400000000e+01, v18;
	v19 =	vmul.f32 $6.400000000e+01, v19  }
0x338: {  	v49 =	vld [tilespmem:s21+$0x8C50];
	v20 =	vmul.f32 $6.400000000e+01, v20;
	v21 =	vmul.f32 $6.400000000e+01, v21  }
0x339: {  	v50 =	vld [tilespmem:s21+$0x8C60];
	v22 =	vmul.f32 $6.400000000e+01, v22;
	v23 =	vmul.f32 $6.400000000e+01, v23  }
0x33a: {  	v24 =	vmul.f32 $6.400000000e+01, v24;
	v25 =	vmul.f32 $6.400000000e+01, v25  }
0x33b: {  	v26 =	vmul.f32 $6.400000000e+01, v26;
	v27 =	vmul.f32 $6.400000000e+01, v27  }
0x33c: {  	v28 =	vmul.f32 $6.400000000e+01, v28;
	v29 =	vmul.f32 $6.400000000e+01, v29  }
0x33d: {  	v30 =	vmul.f32 $6.400000000e+01, v30;
	v31 =	vmul.f32 $6.400000000e+01, v31  }
0x33e: {  	v32 =	vmul.f32 $6.400000000e+01, v49;
	v33 =	vmul.f32 $6.400000000e+01, v50  }
0x33f: {  	v0 =	vtrunc.f32 v0;
	v3 =	vtrunc.f32 v3  }
0x340: {  	s30 =	simm.s32 $0x80;
	s31 =	simm.s32 $0x200;
	v4 =	vtrunc.f32 v4;
	v5 =	vtrunc.f32 v5  }
0x341: {  	s22 =	sand.u32 $0x7000, s31;
	s21 =	sand.u32 $0x380, s30;
	v6 =	vtrunc.f32 v6;
	v7 =	vtrunc.f32 v7  }
0x342: {  	s21 =	sor.u32 s21, s22;
	v8 =	vtrunc.f32 v8;
	v9 =	vtrunc.f32 v9  }
0x343: {  	v36 =	vld [tilespmem:s21+$0x8000];
	v10 =	vtrunc.f32 v10;
	v11 =	vtrunc.f32 v11  }
0x344: {  	v37 =	vld [tilespmem:s21+$0x8010];
	v12 =	vtrunc.f32 v12;
	v13 =	vtrunc.f32 v13  }
0x345: {  	v38 =	vld [tilespmem:s21+$0x8020];
	v14 =	vtrunc.f32 v14;
	v15 =	vtrunc.f32 v15  }
0x346: {  	v39 =	vld [tilespmem:s21+$0x8030];
	v16 =	vtrunc.f32 v16;
	v17 =	vtrunc.f32 v17  }
0x347: {  	v55 =	vld [tilespmem:s21+$0x8060];
	v18 =	vtrunc.f32 v18;
	v19 =	vtrunc.f32 v19  }
0x348: {  	v40 =	vld [tilespmem:s21+$0x8070];
	v20 =	vtrunc.f32 v20;
	v21 =	vtrunc.f32 v21  }
0x349: {  	v41 =	vld [tilespmem:s21+$0x8400];
	v22 =	vtrunc.f32 v22;
	v23 =	vtrunc.f32 v23  }
0x34a: {  	v42 =	vld [tilespmem:s21+$0x8410];
	v24 =	vtrunc.f32 v24;
	v25 =	vtrunc.f32 v25  }
0x34b: {  	v43 =	vld [tilespmem:s21+$0x8420];
	v26 =	vtrunc.f32 v26;
	v27 =	vtrunc.f32 v27  }
0x34c: {  	v44 =	vld [tilespmem:s21+$0x8430];
	v28 =	vtrunc.f32 v28;
	v29 =	vtrunc.f32 v29  }
0x34d: {  	v45 =	vld [tilespmem:s21+$0x8440];
	v30 =	vtrunc.f32 v30;
	v31 =	vtrunc.f32 v31  }
0x34e: {  	v46 =	vld [tilespmem:s21+$0x8450];
	v32 =	vtrunc.f32 v32;
	v33 =	vtrunc.f32 v33  }
0x34f: {  	v47 =	vld [tilespmem:s21+$0x8460];
	v52 =	vmul.f32 $6.400000000e+01, v36;
	v54 =	vmul.f32 $6.400000000e+01, v37  }
0x350: {  	v48 =	vld [tilespmem:s21+$0x8470];
	v38 =	vmul.f32 $6.400000000e+01, v38;
	v39 =	vmul.f32 $6.400000000e+01, v39  }
0x351: {  	v57 =	vld [tilespmem:s21+$0x8800];
	v37 =	vmul.f32 $6.400000000e+01, v55;
	v40 =	vmul.f32 $6.400000000e+01, v40  }
0x352: {  	v41 =	vmul.f32 $6.400000000e+01, v41;
	v42 =	vmul.f32 $6.400000000e+01, v42  }
0x353: {  	v43 =	vmul.f32 $6.400000000e+01, v43;
	v44 =	vmul.f32 $6.400000000e+01, v44  }
0x354: {  	v56 =	vmul.f32 $6.400000000e+01, v45;
	v46 =	vmul.f32 $6.400000000e+01, v46  }
0x355: {  	v47 =	vmul.f32 $6.400000000e+01, v47;
	v48 =	vmul.f32 $6.400000000e+01, v48  }
0x356: {  	v45 =	vmul.f32 $6.400000000e+01, v57;
	v0 =	vcvt.f32.s32 v0  }
0x357: {  	v3 =	vcvt.f32.s32 v3;
	v4 =	vcvt.f32.s32 v4  }
0x358: {  	v5 =	vcvt.f32.s32 v5;
	v6 =	vcvt.f32.s32 v6  }
0x359: {  	v7 =	vcvt.f32.s32 v7;
	v8 =	vcvt.f32.s32 v8  }
0x35a: {  	v9 =	vcvt.f32.s32 v9;
	v10 =	vcvt.f32.s32 v10  }
0x35b: {  	v11 =	vcvt.f32.s32 v11;
	v12 =	vcvt.f32.s32 v12  }
0x35c: {  	v13 =	vcvt.f32.s32 v13;
	v14 =	vcvt.f32.s32 v14  }
0x35d: {  	v15 =	vcvt.f32.s32 v15;
	v16 =	vcvt.f32.s32 v16  }
0x35e: {  	v17 =	vcvt.f32.s32 v17;
	v18 =	vcvt.f32.s32 v18  }
0x35f: {  	v19 =	vcvt.f32.s32 v19;
	v20 =	vcvt.f32.s32 v20  }
0x360: {  	v21 =	vcvt.f32.s32 v21;
	v22 =	vcvt.f32.s32 v22  }
0x361: {  	v23 =	vcvt.f32.s32 v23;
	v24 =	vcvt.f32.s32 v24  }
0x362: {  	v25 =	vcvt.f32.s32 v25;
	v26 =	vcvt.f32.s32 v26  }
0x363: {  	v27 =	vcvt.f32.s32 v27;
	v28 =	vcvt.f32.s32 v28  }
0x364: {  	v29 =	vcvt.f32.s32 v29;
	v30 =	vcvt.f32.s32 v30  }
0x365: {  	v31 =	vcvt.f32.s32 v31;
	v32 =	vcvt.f32.s32 v32  }
0x366: {  	v33 =	vcvt.f32.s32 v33;
	v36 =	vtrunc.f32 v54  }
0x367: {  	v38 =	vtrunc.f32 v38;
	v39 =	vtrunc.f32 v39  }
0x368: {  	v37 =	vtrunc.f32 v37;
	v40 =	vtrunc.f32 v40  }
0x369: {  	v41 =	vtrunc.f32 v41;
	v43 =	vtrunc.f32 v43  }
0x36a: {  	v44 =	vtrunc.f32 v44;
	v46 =	vtrunc.f32 v46  }
0x36b: {  	v47 =	vtrunc.f32 v47;
	v48 =	vtrunc.f32 v48  }
0x36c: {  	v45 =	vtrunc.f32 v45;
	v0 =	vmin.u32 v0, $0x3F;
	v3 =	vmin.u32 v3, $0x3F  }
0x36d: {  	v4 =	vmin.u32 v4, $0x3F;
	v5 =	vmin.u32 v5, $0x3F;
	v6 =	vmin.u32 v6, $0x3F  }
0x36e: {  	v7 =	vmin.u32 v7, $0x3F;
	v8 =	vmin.u32 v8, $0x3F;
	v9 =	vmin.u32 v9, $0x3F  }
0x36f: {  	v10 =	vmin.u32 v10, $0x3F;
	v11 =	vmin.u32 v11, $0x3F;
	v12 =	vmin.u32 v12, $0x3F  }
0x370: {  	v13 =	vmin.u32 v13, $0x3F;
	v14 =	vmin.u32 v14, $0x3F;
	v15 =	vmin.u32 v15, $0x3F  }
0x371: {  	v49 =	vld [tilespmem:s21+$0x8810];
	v16 =	vmin.u32 v16, $0x3F;
	v17 =	vmin.u32 v17, $0x3F;
	v18 =	vmin.u32 v18, $0x3F  }
0x372: {  	v50 =	vld [tilespmem:s21+$0x8820];
	v19 =	vmin.u32 v19, $0x3F;
	v20 =	vmin.u32 v20, $0x3F;
	v21 =	vmin.u32 v21, $0x3F  }
0x373: {  	v22 =	vmin.u32 v22, $0x3F;
	v23 =	vmin.u32 v23, $0x3F;
	v24 =	vmin.u32 v24, $0x3F  }
0x374: {  	v25 =	vmin.u32 v25, $0x3F;
	v26 =	vmin.u32 v26, $0x3F;
	v27 =	vmin.u32 v27, $0x3F  }
0x375: {  	v28 =	vmin.u32 v28, $0x3F;
	v29 =	vmin.u32 v29, $0x3F;
	v30 =	vmin.u32 v30, $0x3F  }
0x376: {  	v31 =	vmin.u32 v31, $0x3F;
	v32 =	vmin.u32 v32, $0x3F;
	v33 =	vmin.u32 v33, $0x3F  }
0x377: {  	v49 =	vmul.f32 $6.400000000e+01, v49;
	v50 =	vmul.f32 $6.400000000e+01, v50;
	v0 =	vshll.u32 v0, $0x4  }
0x378: {  	v3 =	vshll.u32 v3, $0x4;
	v4 =	vshll.u32 v4, $0x4;
	v51 =	vshll.u32 v5, $0x4  }
0x379: {  	v35 =	vshll.u32 v6, $0x4;
	v7 =	vshll.u32 v7, $0x4;
	v8 =	vshll.u32 v8, $0x4  }
0x37a: {  	v9 =	vshll.u32 v9, $0x4;
	v10 =	vshll.u32 v10, $0x4;
	v11 =	vshll.u32 v11, $0x4  }
0x37b: {  	v18 =	vshll.u32 v18, $0x4;
	v19 =	vshll.u32 v19, $0x4;
	v20 =	vshll.u32 v20, $0x4  }
0x37c: {  	v21 =	vshll.u32 v21, $0x4;
	v22 =	vshll.u32 v22, $0x4;
	v23 =	vshll.u32 v23, $0x4  }
0x37d: {  	v53 =	vld [tilespmem:s21+$0x8050];
	v24 =	vshll.u32 v24, $0x4;
	v25 =	vshll.u32 v25, $0x4;
	v26 =	vshll.u32 v26, $0x4  }
0x37e: {  	v27 =	vshll.u32 v27, $0x4;
	v28 =	vshll.u32 v28, $0x4;
	v29 =	vshll.u32 v29, $0x4  }
0x37f: {  	v6 =	vshll.u32 v30, $0x4;
	v5 =	vshll.u32 v31, $0x4;
	v0 =	vor.u32 v1, v0  }
0x380: {  	v3 =	vor.u32 v1, v3;
	v31 =	vor.u32 v1, v4;
	v4 =	vshll.u32 v33, $0x4  }
0x381: {  	v55 =	vld [tilespmem:s21+$0x8870];
	v34 =	vor.u32 v1, v51;
	v35 =	vor.u32 v1, v35;
	v7 =	vor.u32 v1, v7  }
0x382: {  	v54 =	vld [tilespmem:s21+$0x8860];
	v8 =	vor.u32 v1, v8;
	v9 =	vor.u32 v1, v9;
	v33 =	vmul.f32 $6.400000000e+01, v53  }
0x383: {  	v57 =	vld [tilespmem:s21+$0x8C10];
	v10 =	vor.u32 v1, v10;
	v11 =	vor.u32 v1, v11;
	v18 =	vor.u32 v1, v18  }
0x384: {  	v58 =	vld [tilespmem:s21+$0x8C20];
	v19 =	vor.u32 v1, v19;
	v20 =	vor.u32 v1, v20;
	v21 =	vor.u32 v1, v21  }
0x385: {  	v59 =	vld [tilespmem:s21+$0x8C30];
	v22 =	vor.u32 v1, v22;
	v49 =	vtrunc.f32 v49;
	v50 =	vtrunc.f32 v50  }
0x386: {  	v30 =	vld [tilespmem:s21+$0x8040];
	v23 =	vor.u32 v1, v23;
	v55 =	vmul.f32 $6.400000000e+01, v55;
	v61 =	vor.u32 v1, v24  }
0x387: {  	v51 =	vld [tilespmem:s21+$0x8830];
	v62 =	vor.u32 v1, v25;
	v33 =	vtrunc.f32 v33;
	v54 =	vmul.f32 $6.400000000e+01, v54  }
0x388: {  	v53 =	vld [tilespmem:s21+$0x8850];
	v63 =	vor.u32 v1, v26;
	v25 =	vtrunc.f32 v55;
	v55 =	vmul.f32 $6.400000000e+01, v57  }
0x389: {  	[tilespmem:v0+s20+$0x0] =	vst.idx.add.f32.msk $0xffff, v2;
	v0 =	vshll.u32 v12, $0x4;
	v12 =	vshll.u32 v13, $0x4;
	v13 =	vshll.u32 v14, $0x4  }
0x38a: {  	v14 =	vshll.u32 v15, $0x4;
	v15 =	vshll.u32 v16, $0x4;
	v16 =	vshll.u32 v17, $0x4;
	v17 =	vld [tilespmem:s21+$0x8C70]  }
0x38b: {  	v27 =	vor.u32 v1, v27;
	v30 =	vmul.f32 $6.400000000e+01, v30;
	v24 =	vtrunc.f32 v54;
	[tilespmem:v3+s20+$0x0] =	vst.idx.add.f32.msk $0xffff, v2  }
0x38c: {  	v3 =	vshll.u32 v32, $0x4;
	v32 =	vtrunc.f32 v52;
	v51 =	vmul.f32 $6.400000000e+01, v51;
	[tilespmem:v8+s20+$0x0] =	vst.idx.add.f32.msk $0xffff, v2  }
0x38d: {  	v28 =	vor.u32 v1, v28;
	v53 =	vmul.f32 $6.400000000e+01, v53;
	v8 =	vcvt.f32.s32 v38;
	[tilespmem:v10+s20+$0x0] =	vst.idx.add.f32.msk $0xffff, v2  }
0x38e: {  	v29 =	vor.u32 v1, v29;
	v10 =	vcvt.f32.s32 v37;
	[tilespmem:v11+s20+$0x0] =	vst.idx.add.f32.msk $0xffff, v2;
	v11 =	vcvt.f32.s32 v41  }
0x38f: {  	v60 =	vld [tilespmem:s21+$0x8C40];
	v4 =	vor.u32 v1, v4;
	v41 =	vcvt.f32.s32 v45;
	v17 =	vmul.f32 $6.400000000e+01, v17  }
0x390: {  	v52 =	vld [tilespmem:s21+$0x8840];
	v30 =	vtrunc.f32 v30;
	v12 =	vor.u32 v1, v12;
	v32 =	vcvt.f32.s32 v32  }
0x391: {  	v57 =	vld [tilespmem:s21+$0x8C60];
	v13 =	vor.u32 v1, v13;
	v14 =	vor.u32 v1, v14;
	v17 =	vtrunc.f32 v17  }
0x392: {  	[tilespmem:v31+s20+$0x0] =	vst.idx.add.f32.msk $0xffff, v2;
	v15 =	vor.u32 v1, v15;
	v32 =	vmin.u32 v32, $0x3F;
	v17 =	vcvt.f32.s32 v17  }
0x393: {  	[tilespmem:v35+s20+$0x0] =	vst.idx.add.f32.msk $0xffff, v2;
	v51 =	vtrunc.f32 v51;
	v53 =	vtrunc.f32 v53;
	v32 =	vshll.u32 v32, $0x4  }
0x394: {  	[tilespmem:v9+s20+$0x0] =	vst.idx.add.f32.msk $0xffff, v2;
	v9 =	vcvt.f32.s32 v30;
	v32 =	vor.u32 v1, v32;
	v17 =	vmin.u32 v17, $0x3F  }
0x395: {  	v30 =	vmin.u32 v8, $0x3F;
	v52 =	vmul.f32 $6.400000000e+01, v52;
	[tilespmem:v12+s20+$0x0] =	vst.idx.add.f32.msk $0xffff, v2;
	v17 =	vshll.u32 v17, $0x4  }
0x396: {  	v8 =	vcvt.f32.s32 v33;
	v12 =	vcvt.f32.s32 v44;
	[tilespmem:v13+s20+$0x0] =	vst.idx.add.f32.msk $0xffff, v2;
	v17 =	vor.u32 v1, v17  }
0x397: {  	v35 =	vor.u32 v1, v6;
	v13 =	vcvt.f32.s32 v47;
	[tilespmem:v14+s20+$0x0] =	vst.idx.add.f32.msk $0xffff, v2;
	v52 =	vtrunc.f32 v52  }
0x398: {  	v0 =	vor.u32 v1, v0;
	v14 =	vcvt.f32.s32 v48;
	[tilespmem:v15+s20+$0x0] =	vst.idx.add.f32.msk $0xffff, v2;
	v52 =	vcvt.f32.s32 v52  }
0x399: {  	v15 =	vmin.u32 v12, $0x3F;
	v12 =	vcvt.f32.s32 v25;
	[tilespmem:v32+s20+$0x0] =	vst.idx.add.f32.msk $0xffff, v2;
	v32 =	vmul.f32 $6.400000000e+01, v58  }
0x39a: {  	[tilespmem:v34+s20+$0x0] =	vst.idx.add.f32.msk $0xffff, v2;
	v16 =	vor.u32 v1, v16;
	v58 =	vmul.f32 $6.400000000e+01, v59;
	v59 =	vmul.f32 $6.400000000e+01, v60  }
0x39b: {  	v3 =	vor.u32 v1, v3;
	v60 =	vmul.f32 $6.400000000e+01, v57;
	v31 =	vtrunc.f32 v32;
	[tilespmem:v17+s20+$0x0] =	vst.idx.add.f32.msk $0xffff, v2  }
0x39c: {  	v38 =	vmin.u32 v8, $0x3F;
	v17 =	vtrunc.f32 v42;
	v42 =	vtrunc.f32 v56;
	v56 =	vld [tilespmem:s21+$0x8C00]  }
0x39d: {  	[tilespmem:v29+s20+$0x0] =	vst.idx.add.f32.msk $0xffff, v2;
	v29 =	vshll.u32 v38, $0x4;
	v34 =	vtrunc.f32 v58;
	v6 =	vtrunc.f32 v59  }
0x39e: {  	[tilespmem:v0+s20+$0x0] =	vst.idx.add.f32.msk $0xffff, v2;
	v0 =	vmin.u32 v9, $0x3F;
	v32 =	vtrunc.f32 v60;
	v31 =	vcvt.f32.s32 v31  }
0x39f: {  	v25 =	vmin.u32 v41, $0x3F;
	v34 =	vcvt.f32.s32 v34;
	v59 =	vcvt.f32.s32 v6  }
0x3a0: {  	[tilespmem:v19+s20+$0x0] =	vst.idx.add.f32.msk $0xffff, v2;
	v19 =	vmin.u32 v52, $0x3F;
	v32 =	vcvt.f32.s32 v32;
	v9 =	vcvt.f32.s32 v17  }
0x3a1: {  	v6 =	vmin.u32 v34, $0x3F;
	v17 =	vcvt.f32.s32 v43;
	v54 =	vmul.f32 $6.400000000e+01, v56;
	v56 =	vld [tilespmem:s21+$0x8C50]  }
0x3a2: {  	[tilespmem:v23+s20+$0x0] =	vst.idx.add.f32.msk $0xffff, v2;
	v60 =	vcvt.f32.s32 v42;
	v42 =	vmin.u32 v11, $0x3F;
	v11 =	vcvt.f32.s32 v49  }
0x3a3: {  	[tilespmem:v27+s20+$0x0] =	vst.idx.add.f32.msk $0xffff, v2;
	v43 =	vcvt.f32.s32 v50;
	v27 =	vshll.u32 v42, $0x4;
	v8 =	vmin.u32 v17, $0x3F  }
0x3a4: {  	[tilespmem:v16+s20+$0x0] =	vst.idx.add.f32.msk $0xffff, v2;
	v17 =	vcvt.f32.s32 v53;
	v16 =	vmin.u32 v60, $0x3F;
	v23 =	vmin.u32 v11, $0x3F  }
0x3a5: {  	[tilespmem:v22+s20+$0x0] =	vst.idx.add.f32.msk $0xffff, v2;
	v22 =	vmin.u32 v43, $0x3F;
	v26 =	vtrunc.f32 v54;
	v54 =	vtrunc.f32 v55  }
0x3a6: {  	[tilespmem:v18+s20+$0x0] =	vst.idx.add.f32.msk $0xffff, v2;
	v18 =	vmin.u32 v17, $0x3F;
	v58 =	vcvt.f32.s32 v54;
	v55 =	vmul.f32 $6.400000000e+01, v56  }
0x3a7: {  	v57 =	vcvt.f32.s32 v26;
	v56 =	vor.u32 v1, v5;
	v5 =	vcvt.f32.s32 v36  }
0x3a8: {  	[tilespmem:v7+s20+$0x0] =	vst.idx.add.f32.msk $0xffff, v2;
	v26 =	vmin.u32 v14, $0x3F;
	v14 =	vmin.u32 v58, $0x3F;
	v7 =	vtrunc.f32 v55  }
0x3a9: {  	v36 =	vmin.u32 v5, $0x3F;
	v5 =	vcvt.f32.s32 v39;
	v39 =	vmin.u32 v10, $0x3F  }
0x3aa: {  	[tilespmem:v20+s20+$0x0] =	vst.idx.add.f32.msk $0xffff, v2;
	v10 =	vcvt.f32.s32 v46;
	v55 =	vcvt.f32.s32 v24;
	v24 =	vmin.u32 v13, $0x3F  }
0x3ab: {  	[tilespmem:v21+s20+$0x0] =	vst.idx.add.f32.msk $0xffff, v2;
	v13 =	vmin.u32 v59, $0x3F;
	v60 =	vcvt.f32.s32 v7;
	v7 =	vmin.u32 v31, $0x3F  }
0x3ac: {  	[tilespmem:v61+s20+$0x0] =	vst.idx.add.f32.msk $0xffff, v2;
	v33 =	vshll.u32 v36, $0x4;
	v31 =	vshll.u32 v30, $0x4;
	v30 =	vshll.u32 v39, $0x4  }
0x3ad: {  	[tilespmem:v62+s20+$0x0] =	vst.idx.add.f32.msk $0xffff, v2;
	v37 =	vmin.u32 v5, $0x3F;
	v5 =	vcvt.f32.s32 v40;
	v20 =	vmin.u32 v10, $0x3F  }
0x3ae: {  	[tilespmem:v63+s20+$0x0] =	vst.idx.add.f32.msk $0xffff, v2;
	v17 =	vmin.u32 v55, $0x3F;
	v10 =	vmin.u32 v12, $0x3F;
	v12 =	vmin.u32 v32, $0x3F  }
0x3af: {  	[tilespmem:v28+s20+$0x0] =	vst.idx.add.f32.msk $0xffff, v2;
	v40 =	vmin.u32 v5, $0x3F;
	v5 =	vmin.u32 v9, $0x3F;
	v9 =	vcvt.f32.s32 v51  }
0x3b0: {  	[tilespmem:v35+s20+$0x0] =	vst.idx.add.f32.msk $0xffff, v2;
	v32 =	vshll.u32 v0, $0x4;
	v11 =	vmin.u32 v60, $0x3F;
	v34 =	vshll.u32 v37, $0x4  }
0x3b1: {  	s23 =	simm.s32 $0x400;
	s22 =	simm.s32 $0x100;
	s21 =	simm.s32 $0x20;
	[tilespmem:v56+s20+$0x0] =	vst.idx.add.f32.msk $0xffff, v2;
	v28 =	vshll.u32 v40, $0x4;
	v21 =	vmin.u32 v9, $0x3F;
	v9 =	vmin.u32 v57, $0x3F  }
.LBB2_13:
0x3b2: {  	s24 =	sand.u32 $0x7000, s23;
	s25 =	sand.u32 $0x380, s22;
	s21 =	sadd.s32 $0x20, s21;
	v0 =	vshll.u32 v5, $0x4;
	v35 =	vshll.u32 v8, $0x4;
	v36 =	vshll.u32 v15, $0x4;
	[tilespmem:v3+s20+$0x0] =	vst.idx.add.f32.msk $0xffff, v2  }
0x3b3: {  	v37 =	vshll.u32 v16, $0x4;
	v40 =	vshll.u32 v20, $0x4;
	v41 =	vshll.u32 v24, $0x4;
	s24 =	sor.u32 s25, s24;
	p0 =	slt.u32 s21, $0x7E0;
	[tilespmem:v4+s20+$0x0] =	vst.idx.add.f32.msk $0xffff, v2  }
0x3b4: {  	v42 =	vshll.u32 v26, $0x4;
	v43 =	vshll.u32 v25, $0x4;
	v44 =	vshll.u32 v23, $0x4;
	v4 =	vld [tilespmem:s24+$0x8C70]  }
0x3b5: {  	v45 =	vshll.u32 v22, $0x4;
	v46 =	vshll.u32 v21, $0x4;
	v22 =	vshll.u32 v19, $0x4;
	v20 =	vld [tilespmem:s24+$0x8000]  }
0x3b6: {  	v18 =	vshll.u32 v18, $0x4;
	v15 =	vshll.u32 v17, $0x4;
	v10 =	vshll.u32 v10, $0x4;
	v19 =	vld [tilespmem:s24+$0x8010]  }
0x3b7: {  	v9 =	vshll.u32 v9, $0x4;
	v8 =	vshll.u32 v14, $0x4;
	v7 =	vshll.u32 v7, $0x4;
	v21 =	vld [tilespmem:s24+$0x8020]  }
0x3b8: {  	v6 =	vshll.u32 v6, $0x4;
	v5 =	vshll.u32 v13, $0x4;
	v3 =	vshll.u32 v11, $0x4;
	v14 =	vld [tilespmem:s24+$0x8030]  }
0x3b9: {  	v16 =	vor.u32 v1, v33;
	v23 =	vld [tilespmem:s24+$0x8040];
	v13 =	vmul.f32 $6.400000000e+01, v4;
	v4 =	vshll.u32 v12, $0x4  }
0x3ba: {  	v17 =	vor.u32 v1, v31;
	v11 =	vor.u32 v1, v34;
	v20 =	vmul.f32 $6.400000000e+01, v20;
	v24 =	vld [tilespmem:s24+$0x8050]  }
0x3bb: {  	v12 =	vor.u32 v1, v32;
	v19 =	vmul.f32 $6.400000000e+01, v19;
	v25 =	vld [tilespmem:s24+$0x8060];
	v13 =	vtrunc.f32 v13  }
0x3bc: {  	v21 =	vmul.f32 $6.400000000e+01, v21;
	v26 =	vld [tilespmem:s24+$0x8070];
	v31 =	vcvt.f32.s32 v13;
	v13 =	vor.u32 v1, v29  }
0x3bd: {  	v47 =	vtrunc.f32 v20;
	v29 =	vmul.f32 $6.400000000e+01, v14;
	v32 =	vld [tilespmem:s24+$0x8400];
	v14 =	vor.u32 v1, v30  }
0x3be: {  	v20 =	vtrunc.f32 v19;
	v23 =	vmul.f32 $6.400000000e+01, v23;
	v30 =	vld [tilespmem:s24+$0x8410];
	v19 =	vmin.u32 v31, $0x3F  }
0x3bf: {  	v21 =	vtrunc.f32 v21;
	v24 =	vmul.f32 $6.400000000e+01, v24;
	v31 =	vld [tilespmem:s24+$0x8420];
	v33 =	vshll.u32 v19, $0x4  }
0x3c0: {  	v19 =	vtrunc.f32 v29;
	v29 =	vmul.f32 $6.400000000e+01, v25;
	v34 =	vld [tilespmem:s24+$0x8430];
	v33 =	vor.u32 v1, v33  }
0x3c1: {  	v23 =	vtrunc.f32 v23;
	v25 =	vor.u32 v1, v28;
	v39 =	vmul.f32 $6.400000000e+01, v26;
	v48 =	vld [tilespmem:s24+$0x8440]  }
0x3c2: {  	v24 =	vtrunc.f32 v24;
	v26 =	vor.u32 v1, v27;
	v32 =	vmul.f32 $6.400000000e+01, v32;
	v49 =	vld [tilespmem:s24+$0x8450]  }
0x3c3: {  	v27 =	vor.u32 v1, v0;
	v38 =	vtrunc.f32 v29;
	v30 =	vmul.f32 $6.400000000e+01, v30;
	v50 =	vld [tilespmem:s24+$0x8460]  }
0x3c4: {  	v28 =	vor.u32 v1, v35;
	v39 =	vtrunc.f32 v39;
	v0 =	vmul.f32 $6.400000000e+01, v31;
	v51 =	vld [tilespmem:s24+$0x8470]  }
0x3c5: {  	v29 =	vor.u32 v1, v36;
	v52 =	vtrunc.f32 v32;
	v32 =	vmul.f32 $6.400000000e+01, v34;
	[tilespmem:v33+s20+$0x0] =	vst.idx.add.f32.msk $0xffff, v2  }
0x3c6: {  	v53 =	vtrunc.f32 v30;
	v30 =	vor.u32 v1, v37;
	v33 =	vmul.f32 $6.400000000e+01, v48;
	v35 =	vld [tilespmem:s24+$0x8800]  }
0x3c7: {  	v31 =	vor.u32 v1, v40;
	v0 =	vtrunc.f32 v0;
	v34 =	vmul.f32 $6.400000000e+01, v49;
	v36 =	vld [tilespmem:s24+$0x8810]  }
0x3c8: {  	v40 =	vtrunc.f32 v32;
	v32 =	vor.u32 v1, v41;
	v37 =	vmul.f32 $6.400000000e+01, v50;
	v48 =	vld [tilespmem:s24+$0x8820]  }
0x3c9: {  	v41 =	vtrunc.f32 v33;
	v33 =	vor.u32 v1, v42;
	v49 =	vmul.f32 $6.400000000e+01, v51;
	v50 =	vld [tilespmem:s24+$0x8830]  }
0x3ca: {  	v42 =	vtrunc.f32 v34;
	v34 =	vor.u32 v1, v43;
	v51 =	vtrunc.f32 v37;
	v54 =	vld [tilespmem:s24+$0x8840]  }
0x3cb: {  	v43 =	vtrunc.f32 v49;
	v37 =	vmul.f32 $6.400000000e+01, v35;
	v49 =	vld [tilespmem:s24+$0x8850];
	v35 =	vor.u32 v1, v44  }
0x3cc: {  	v44 =	vcvt.f32.s32 v47;
	v47 =	vmul.f32 $6.400000000e+01, v36;
	v55 =	vld [tilespmem:s24+$0x8860];
	v36 =	vor.u32 v1, v45  }
0x3cd: {  	v45 =	vtrunc.f32 v37;
	v48 =	vmul.f32 $6.400000000e+01, v48;
	v56 =	vld [tilespmem:s24+$0x8870];
	v37 =	vor.u32 v1, v46  }
0x3ce: {  	v44 =	vmin.u32 v44, $0x3F;
	v46 =	vtrunc.f32 v47;
	v47 =	vmul.f32 $6.400000000e+01, v50;
	v50 =	vld [tilespmem:s24+$0x8C00]  }
0x3cf: {  	v44 =	vshll.u32 v44, $0x4;
	v48 =	vtrunc.f32 v48;
	v54 =	vmul.f32 $6.400000000e+01, v54;
	v57 =	vld [tilespmem:s24+$0x8C10]  }
0x3d0: {  	v44 =	vor.u32 v1, v44;
	v47 =	vtrunc.f32 v47;
	v49 =	vmul.f32 $6.400000000e+01, v49;
	v58 =	vld [tilespmem:s24+$0x8C20]  }
0x3d1: {  	v22 =	vor.u32 v1, v22;
	v54 =	vtrunc.f32 v54;
	v55 =	vmul.f32 $6.400000000e+01, v55;
	v59 =	vld [tilespmem:s24+$0x8C30]  }
0x3d2: {  	v18 =	vor.u32 v1, v18;
	v49 =	vtrunc.f32 v49;
	v56 =	vmul.f32 $6.400000000e+01, v56;
	v60 =	vld [tilespmem:s24+$0x8C40]  }
0x3d3: {  	v62 =	vor.u32 v1, v15;
	v55 =	vtrunc.f32 v55;
	v50 =	vmul.f32 $6.400000000e+01, v50;
	v61 =	vld [tilespmem:s24+$0x8C50]  }
0x3d4: {  	v63 =	vor.u32 v1, v10;
	v56 =	vtrunc.f32 v56;
	v15 =	vmul.f32 $6.400000000e+01, v57;
	v57 =	vld [tilespmem:s24+$0x8C60]  }
0x3d5: {  	[tilespmem:v44+s20+$0x0] =	vst.idx.add.f32.msk $0xffff, v2;
	v10 =	vtrunc.f32 v50;
	v44 =	vmul.f32 $6.400000000e+01, v58;
	v50 =	vor.u32 v1, v9  }
0x3d6: {  	v58 =	vor.u32 v1, v8;
	v9 =	vtrunc.f32 v15;
	v15 =	vmul.f32 $6.400000000e+01, v59;
	[tilespmem:v16+s20+$0x0] =	vst.idx.add.f32.msk $0xffff, v2  }
0x3d7: {  	v59 =	vor.u32 v1, v7;
	v44 =	vtrunc.f32 v44;
	v8 =	vmul.f32 $6.400000000e+01, v60;
	[tilespmem:v17+s20+$0x0] =	vst.idx.add.f32.msk $0xffff, v2  }
0x3d8: {  	v60 =	vor.u32 v1, v6;
	v7 =	vtrunc.f32 v15;
	v15 =	vmul.f32 $6.400000000e+01, v61;
	[tilespmem:v11+s20+$0x0] =	vst.idx.add.f32.msk $0xffff, v2  }
0x3d9: {  	v6 =	vtrunc.f32 v8;
	v8 =	vmul.f32 $6.400000000e+01, v57;
	[tilespmem:v12+s20+$0x0] =	vst.idx.add.f32.msk $0xffff, v2;
	v57 =	vor.u32 v1, v5  }
0x3da: {  	v3 =	vor.u32 v1, v3;
	v5 =	vcvt.f32.s32 v20;
	v11 =	vtrunc.f32 v15;
	[tilespmem:v13+s20+$0x0] =	vst.idx.add.f32.msk $0xffff, v2  }
0x3db: {  	v4 =	vor.u32 v1, v4;
	v12 =	vcvt.f32.s32 v21;
	v13 =	vtrunc.f32 v8;
	[tilespmem:v14+s20+$0x0] =	vst.idx.add.f32.msk $0xffff, v2  }
0x3dc: {  	v61 =	vmin.u32 v5, $0x3F;
	v5 =	vcvt.f32.s32 v19;
	v8 =	vcvt.f32.s32 v23;
	[tilespmem:v25+s20+$0x0] =	vst.idx.add.f32.msk $0xffff, v2  }
0x3dd: {  	v15 =	vcvt.f32.s32 v38;
	v12 =	vmin.u32 v12, $0x3F;
	v14 =	vcvt.f32.s32 v24;
	[tilespmem:v26+s20+$0x0] =	vst.idx.add.f32.msk $0xffff, v2  }
0x3de: {  	v16 =	vcvt.f32.s32 v52;
	v38 =	vmin.u32 v5, $0x3F;
	v5 =	vcvt.f32.s32 v39;
	[tilespmem:v27+s20+$0x0] =	vst.idx.add.f32.msk $0xffff, v2  }
0x3df: {  	v0 =	vcvt.f32.s32 v0;
	v27 =	vmin.u32 v8, $0x3F;
	v8 =	vcvt.f32.s32 v53;
	[tilespmem:v28+s20+$0x0] =	vst.idx.add.f32.msk $0xffff, v2  }
0x3e0: {  	v17 =	vcvt.f32.s32 v41;
	v28 =	vmin.u32 v14, $0x3F;
	v14 =	vcvt.f32.s32 v40;
	[tilespmem:v29+s20+$0x0] =	vst.idx.add.f32.msk $0xffff, v2  }
0x3e1: {  	v21 =	vcvt.f32.s32 v51;
	v19 =	vcvt.f32.s32 v42;
	v39 =	vmin.u32 v15, $0x3F;
	[tilespmem:v30+s20+$0x0] =	vst.idx.add.f32.msk $0xffff, v2  }
0x3e2: {  	v23 =	vcvt.f32.s32 v43;
	v25 =	vcvt.f32.s32 v45;
	v40 =	vmin.u32 v5, $0x3F;
	[tilespmem:v31+s20+$0x0] =	vst.idx.add.f32.msk $0xffff, v2  }
0x3e3: {  	v41 =	vmin.u32 v16, $0x3F;
	v29 =	vcvt.f32.s32 v46;
	v30 =	vcvt.f32.s32 v48;
	[tilespmem:v32+s20+$0x0] =	vst.idx.add.f32.msk $0xffff, v2  }
0x3e4: {  	v5 =	vmin.u32 v8, $0x3F;
	v31 =	vcvt.f32.s32 v47;
	v32 =	vcvt.f32.s32 v54;
	[tilespmem:v33+s20+$0x0] =	vst.idx.add.f32.msk $0xffff, v2  }
0x3e5: {  	v8 =	vmin.u32 v0, $0x3F;
	v0 =	vcvt.f32.s32 v49;
	v33 =	vcvt.f32.s32 v55;
	[tilespmem:v34+s20+$0x0] =	vst.idx.add.f32.msk $0xffff, v2  }
0x3e6: {  	v15 =	vmin.u32 v14, $0x3F;
	v14 =	vcvt.f32.s32 v56;
	v34 =	vcvt.f32.s32 v10;
	[tilespmem:v35+s20+$0x0] =	vst.idx.add.f32.msk $0xffff, v2  }
0x3e7: {  	v16 =	vmin.u32 v17, $0x3F;
	v42 =	vcvt.f32.s32 v44;
	v35 =	vcvt.f32.s32 v9;
	[tilespmem:v36+s20+$0x0] =	vst.idx.add.f32.msk $0xffff, v2  }
0x3e8: {  	v43 =	vcvt.f32.s32 v6;
	v20 =	vmin.u32 v19, $0x3F;
	v36 =	vcvt.f32.s32 v7;
	[tilespmem:v37+s20+$0x0] =	vst.idx.add.f32.msk $0xffff, v2  }
0x3e9: {  	v24 =	vmin.u32 v21, $0x3F;
	v11 =	vcvt.f32.s32 v11;
	v37 =	vcvt.f32.s32 v13;
	[tilespmem:v22+s20+$0x0] =	vst.idx.add.f32.msk $0xffff, v2  }
0x3ea: {  	v26 =	vmin.u32 v23, $0x3F;
	v25 =	vmin.u32 v25, $0x3F;
	v23 =	vmin.u32 v29, $0x3F;
	[tilespmem:v18+s20+$0x0] =	vst.idx.add.f32.msk $0xffff, v2  }
0x3eb: {  	v21 =	vmin.u32 v31, $0x3F;
	v19 =	vmin.u32 v32, $0x3F;
	v22 =	vmin.u32 v30, $0x3F;
	[tilespmem:v62+s20+$0x0] =	vst.idx.add.f32.msk $0xffff, v2  }
0x3ec: {  	v10 =	vmin.u32 v14, $0x3F;
	v17 =	vmin.u32 v33, $0x3F;
	v18 =	vmin.u32 v0, $0x3F;
	[tilespmem:v63+s20+$0x0] =	vst.idx.add.f32.msk $0xffff, v2  }
.Ltmp5:
0x3ed: {  	v9 =	vmin.u32 v34, $0x3F;
	v7 =	vmin.u32 v42, $0x3F;
	v14 =	vmin.u32 v35, $0x3F;
	[tilespmem:v50+s20+$0x0] =	vst.idx.add.f32.msk $0xffff, v2;
	(pc) =	sbr.rel @p0 .LBB2_13-.Ltmp5, $4  }
0x3ee: {  	v11 =	vmin.u32 v11, $0x3F;
	v13 =	vmin.u32 v43, $0x3F;
	v6 =	vmin.u32 v36, $0x3F;
	[tilespmem:v58+s20+$0x0] =	vst.idx.add.f32.msk $0xffff, v2  }
0x3ef: {  	v31 =	vshll.u32 v12, $0x4;
	v33 =	vshll.u32 v61, $0x4;
	v12 =	vmin.u32 v37, $0x3F;
	[tilespmem:v59+s20+$0x0] =	vst.idx.add.f32.msk $0xffff, v2  }
0x3f0: {  	v29 =	vshll.u32 v28, $0x4;
	v32 =	vshll.u32 v27, $0x4;
	v34 =	vshll.u32 v38, $0x4;
	[tilespmem:v60+s20+$0x0] =	vst.idx.add.f32.msk $0xffff, v2  }
0x3f1: {  	s22 =	sadd.s32 $0x80, s22;
	s23 =	sadd.s32 $0x200, s23;
	v28 =	vshll.u32 v40, $0x4;
	v27 =	vshll.u32 v41, $0x4;
	v30 =	vshll.u32 v39, $0x4;
	[tilespmem:v57+s20+$0x0] =	vst.idx.add.f32.msk $0xffff, v2  }
0x3f2: {  	_ = 	snop  }
0x3f3: {  	v0 =	vor.u32 v1, v33  }
0x3f4: {  	v31 =	vor.u32 v1, v31  }
0x3f5: {  	v47 =	vor.u32 v1, v34  }
0x3f6: {  	[tilespmem:v3+s20+$0x0] =	vst.idx.add.f32.msk $0xffff, v2;
	v3 =	vor.u32 v1, v32  }
0x3f7: {  	[tilespmem:v4+s20+$0x0] =	vst.idx.add.f32.msk $0xffff, v2;
	v48 =	vor.u32 v1, v29  }
0x3f8: {  	v49 =	vor.u32 v1, v30;
	[tilespmem:v0+s20+$0x0] =	vst.idx.add.f32.msk $0xffff, v2  }
0x3f9: {  	v5 =	vshll.u32 v5, $0x4;
	v27 =	vor.u32 v1, v27;
	[tilespmem:v31+s20+$0x0] =	vst.idx.add.f32.msk $0xffff, v2  }
0x3fa: {  	v8 =	vshll.u32 v8, $0x4;
	v5 =	vor.u32 v1, v5;
	[tilespmem:v47+s20+$0x0] =	vst.idx.add.f32.msk $0xffff, v2  }
0x3fb: {  	v50 =	vshll.u32 v16, $0x4;
	v8 =	vor.u32 v1, v8;
	[tilespmem:v3+s20+$0x0] =	vst.idx.add.f32.msk $0xffff, v2  }
0x3fc: {  	v52 =	vshll.u32 v26, $0x4;
	v4 =	vor.u32 v1, v50;
	[tilespmem:v48+s20+$0x0] =	vst.idx.add.f32.msk $0xffff, v2  }
0x3fd: {  	v16 =	vor.u32 v1, v52;
	[tilespmem:v49+s20+$0x0] =	vst.idx.add.f32.msk $0xffff, v2  }
0x3fe: {  	v57 =	vshll.u32 v17, $0x4;
	v0 =	vor.u32 v1, v28;
	[tilespmem:v27+s20+$0x0] =	vst.idx.add.f32.msk $0xffff, v2  }
0x3ff: {  	v6 =	vshll.u32 v6, $0x4;
	v59 =	vor.u32 v1, v57;
	[tilespmem:v5+s20+$0x0] =	vst.idx.add.f32.msk $0xffff, v2  }
0x400: {  	v62 =	vshll.u32 v11, $0x4;
	v6 =	vor.u32 v1, v6;
	[tilespmem:v8+s20+$0x0] =	vst.idx.add.f32.msk $0xffff, v2  }
0x401: {  	v61 =	vshll.u32 v7, $0x4;
	v7 =	vor.u32 v1, v62;
	v3 =	vshll.u32 v15, $0x4;
	[tilespmem:v4+s20+$0x0] =	vst.idx.add.f32.msk $0xffff, v2  }
0x402: {  	v53 =	vshll.u32 v25, $0x4;
	v3 =	vor.u32 v1, v3;
	[tilespmem:v16+s20+$0x0] =	vst.idx.add.f32.msk $0xffff, v2  }
0x403: {  	v5 =	vor.u32 v1, v53;
	[tilespmem:v0+s20+$0x0] =	vst.idx.add.f32.msk $0xffff, v2;
	v0 =	vshll.u32 v24, $0x4  }
0x404: {  	v51 =	vshll.u32 v20, $0x4;
	[tilespmem:v59+s20+$0x0] =	vst.idx.add.f32.msk $0xffff, v2;
	v0 =	vor.u32 v1, v0  }
0x405: {  	v54 =	vshll.u32 v23, $0x4;
	v15 =	vor.u32 v1, v51;
	[tilespmem:v6+s20+$0x0] =	vst.idx.add.f32.msk $0xffff, v2  }
0x406: {  	v55 =	vshll.u32 v21, $0x4;
	v8 =	vor.u32 v1, v54;
	[tilespmem:v7+s20+$0x0] =	vst.idx.add.f32.msk $0xffff, v2  }
0x407: {  	v58 =	vshll.u32 v10, $0x4;
	v4 =	vor.u32 v1, v55;
	[tilespmem:v3+s20+$0x0] =	vst.idx.add.f32.msk $0xffff, v2  }
0x408: {  	v3 =	vshll.u32 v22, $0x4;
	[tilespmem:v5+s20+$0x0] =	vst.idx.add.f32.msk $0xffff, v2;
	v5 =	vor.u32 v1, v58  }
0x409: {  	v3 =	vor.u32 v1, v3;
	[tilespmem:v0+s20+$0x0] =	vst.idx.add.f32.msk $0xffff, v2;
	v0 =	vshll.u32 v18, $0x4  }
0x40a: {  	v56 =	vshll.u32 v19, $0x4;
	[tilespmem:v15+s20+$0x0] =	vst.idx.add.f32.msk $0xffff, v2;
	v0 =	vor.u32 v1, v0  }
0x40b: {  	v60 =	vshll.u32 v9, $0x4;
	v15 =	vor.u32 v1, v56;
	[tilespmem:v8+s20+$0x0] =	vst.idx.add.f32.msk $0xffff, v2  }
0x40c: {  	v8 =	vor.u32 v1, v60;
	[tilespmem:v4+s20+$0x0] =	vst.idx.add.f32.msk $0xffff, v2  }
0x40d: {  	v63 =	vshll.u32 v12, $0x4;
	v4 =	vor.u32 v1, v61;
	[tilespmem:v5+s20+$0x0] =	vst.idx.add.f32.msk $0xffff, v2  }
0x40e: {  	v5 =	vor.u32 v1, v63;
	[tilespmem:v3+s20+$0x0] =	vst.idx.add.f32.msk $0xffff, v2;
	v3 =	vshll.u32 v14, $0x4  }
0x40f: {  	s19 =	sadd.s32 $0x1, s19;
	v3 =	vor.u32 v1, v3;
	[tilespmem:v0+s20+$0x0] =	vst.idx.add.f32.msk $0xffff, v2;
	v0 =	vshll.u32 v13, $0x4  }
0x410: {  	p0 =	sne.s32 s19, $0x18;
	[tilespmem:v15+s20+$0x0] =	vst.idx.add.f32.msk $0xffff, v2;
	v0 =	vor.u32 v1, v0  }
.Ltmp6:
0x411: {  	[tilespmem:v8+s20+$0x0] =	vst.idx.add.f32.msk $0xffff, v2;
	(pc) =	sbr.rel @p0 .LBB2_10-.Ltmp6, $4  }
0x412: {  	[tilespmem:v4+s20+$0x0] =	vst.idx.add.f32.msk $0xffff, v2  }
0x413: {  	[tilespmem:v5+s20+$0x0] =	vst.idx.add.f32.msk $0xffff, v2  }
0x414: {  	[tilespmem:v3+s20+$0x0] =	vst.idx.add.f32.msk $0xffff, v2  }
0x415: {  	[tilespmem:v0+s20+$0x0] =	vst.idx.add.f32.msk $0xffff, v2  }
0x416: {  	s4 =	sadd.s32 $0x1, s4  }
0x417: {  	p0 =	sne.s32 s4, s10  }
.Ltmp7:
0x418: {  	_ = 	snop;
	(pc) =	sbr.rel @p0 .LBB2_1-.Ltmp7, $4  }
0x419: {  	[hbm4b:s9+s14] =	stream.strided.scatter [tilespmem:s16], [sflag:$0x3], $0x1800, s15, s14, $0x38;
	[tilespmem:$0x11800] =	vst v63  }
0x41a: {  	_ =	swait.ge [sflag:s17], $0x1800  }
0x41b: {  	[sflag:s17] =	ssyncset.done $0x0  }
0x41c: {  	v0 =	vimm.f32 $0.0e+00;
	[sflag:s17] =	ssyncadd.s32 $0xFFFFE800  }
0x41d: {  	_ =	sfence.sel $0x180000  }
0x41e: {  	[bflag:$0x0] =	sbarrier.arrive $0xFFFF  }
0x41f: {  	p0 =	sne.s32 s1, $0x0;
	_ =	strace $0x90000047  }
0x420: {  	s0 =	sadd.s32 @!p0 $0x100000, s0;
	[bflag:$0x2] =	sbarrier.arrive $0xFFFF  }
0x421: {  	[sflag:s0] =	ssyncadd.tile.s32 @!p0 $0x1;
	_ =	shalt  }
.Lfunc_end2:
_tile_overlayer_lowered:
.L_overlay_start_2:
0x422: {  	(tag) =	ssettag $0x2  }
0x423: {  	s0 =	rddreg [dreg:$0x0];
	s2 =	stileid.u32  }
0x424: {  	s1 =	rddreg [dreg:$0x1];
	p0 =	sne.s32 s2, $0x0  }
0x425: {  	s3 =	rddreg [dreg:$0x2];
	[bflag:$0x3] =	sbarrier.arrive $0xFFFF;
	s2 =	simm.s32 @!p0 $0x1C03  }
0x426: {  	[timem:s3], [sflag:s2] =	dma.local @!p0 [hbm:s0], s1  }
0x427: {  	s0 =	simm.s32 @!p0 $0x3  }
0x428: {  	_ =	swait.ge @!p0 [sflag:s0], s1  }
0x429: {  	s1 =	ssub.s32 @!p0 $0x0, s1;
	[sflag:s0] =	ssyncset.done @!p0 $0x0  }
0x42a: {  	[sflag:s0] =	ssyncadd.s32 @!p0 s1  }
0x42b: {  	[bflag:$0x3] =	sbarrier.arrive $0xFFFF  }
0x42c: {  	_ =	shalt  }

</sc_bundles>
